<compile_context>
chip_gen: v7x
topology: tpu7x:2x2x1
jax: 0.10.2.dev20260603
libtpu: 0.0.44.dev20260713+nightly
codegen_flags: <defaults>
</compile_context>

<pallas_src>
import jax
import jax.numpy as jnp
import numpy as np
from jax import lax
from jax.experimental import pallas as pl
from jax.experimental.pallas import tpu as pltpu
from jax.experimental.pallas import tpu_sc as plsc

D = 256
K = 16
NF = 5
B = 4
N = 1024
BN = B * N
E = BN * K
TW = 2 * D
QW = 128
TBW = 384
PEW = 40
NM = 33
_FREQS = [float(f) for f in np.linspace(1.0, 2.0 ** NF, NF)]

_S_NP = np.zeros((QW, PEW), np.float32)
for _c in range(3):
    _S_NP[_c, _c] = 1.0
    _S_NP[3 + _c, _c] = -1.0
for _fi in range(NF):
    _base = 6 + 12 * _fi
    for _c in range(3):
        _ms, _mc = 3 + 6 * _fi + _c, 3 + 6 * _fi + 3 + _c
        _S_NP[_base + _c, _ms] = 1.0
        _S_NP[_base + 3 + _c, _ms] = -1.0
        _S_NP[_base + 6 + _c, _mc] = 1.0
        _S_NP[_base + 9 + _c, _mc] = 1.0

ROWS_A = 1024
NBLK_A = N // ROWS_A


def _knn_body(bo, xyzs_ref, xyzt_ref, gidx_ref):
    step = pl.program_id(0)
    b = step // NBLK_A + bo
    xi = xyzs_ref[0]
    xjt = xyzt_ref[0]
    acc = jnp.zeros((ROWS_A, N), jnp.float32)
    for c in range(3):
        dif = xi[:, c:c + 1] - xjt[c:c + 1, :]
        acc = acc + dif * dif
    kb = lax.bitcast_convert_type(acc, jnp.int32)
    jidx = lax.broadcasted_iota(jnp.int32, (ROWS_A, N), 1)
    keys = (kb & jnp.int32(-1024)) | jidx
    cols = []
    base = b * N
    for _ in range(K):
        m = jnp.min(keys, axis=1, keepdims=True)
        cols.append((m & 1023) + base)
        keys = jnp.where(keys == m, jnp.int32(0x7FFFFFFF), keys)
    gidx_ref[...] = jnp.concatenate(cols, axis=1)


def _knn_call(xyzs, xyzt, bo, nb):
    import functools as _ft
    return pl.pallas_call(
        _ft.partial(_knn_body, bo),
        grid=(nb * NBLK_A,),
        in_specs=[
            pl.BlockSpec((1, ROWS_A, 3),
                         lambda s: (bo + s // NBLK_A, s % NBLK_A, 0)),
            pl.BlockSpec((1, 3, N), lambda s: (bo + s // NBLK_A, 0, 0)),
        ],
        out_specs=pl.BlockSpec((ROWS_A, K), lambda s: (s, 0)),
        out_shape=jax.ShapeDtypeStruct((nb * N // ROWS_A * ROWS_A, K),
                                       jnp.int32),
    )(xyzs, xyzt)


def _pq_body(xt_ref, p_ref, q_ref, tp_s, tq_s):
    x = xt_ref[...]
    one = jnp.ones((3, BN), jnp.float32)
    tp_s[0:3, :] = x
    tp_s[3:6, :] = one
    tq_s[0:3, :] = one
    tq_s[3:6, :] = x
    for fi, f in enumerate(_FREQS):
        s = jnp.sin(x * f)
        c = jnp.cos(x * f)
        base = 6 + 12 * fi
        tp_s[base:base + 3, :] = s
        tp_s[base + 3:base + 6, :] = c
        tp_s[base + 6:base + 9, :] = c
        tp_s[base + 9:base + 12, :] = s
        tq_s[base:base + 3, :] = c
        tq_s[base + 3:base + 6, :] = s
        tq_s[base + 6:base + 9, :] = c
        tq_s[base + 9:base + 12, :] = s
    zpad = jnp.zeros((QW - 2 * NM, BN), jnp.float32)
    tp_s[2 * NM:, :] = zpad
    tq_s[2 * NM:, :] = zpad
    p_ref[...] = tp_s[...].T
    q_ref[...] = tq_s[...].T


def _pq_call(xt3):
    return pl.pallas_call(
        _pq_body,
        out_shape=[
            jax.ShapeDtypeStruct((BN, QW), jnp.float32),
            jax.ShapeDtypeStruct((BN, QW), jnp.float32),
        ],
        scratch_shapes=[
            pltpu.VMEM((QW, BN), jnp.float32),
            pltpu.VMEM((QW, BN), jnp.float32),
        ],
    )(xt3)


ROWS_B = 256
NSTEP_B = BN // ROWS_B


def _pack_pair(lo, hi):
    lo16 = lax.bitcast_convert_type(
        lo.astype(jnp.bfloat16).astype(jnp.float32), jnp.int32)
    hi16 = lax.bitcast_convert_type(
        hi.astype(jnp.bfloat16).astype(jnp.float32), jnp.int32)
    return (hi16 & jnp.int32(-65536)) | lax.shift_right_logical(lo16, 16)


def _unpack_pair(x):
    lo = lax.bitcast_convert_type(lax.shift_left(x, 16), jnp.float32)
    hi = lax.bitcast_convert_type(x & jnp.int32(-65536), jnp.float32)
    return lo, hi


def _proj_body(feats_ref, q66_ref, wq_ref, wk_ref, wv_ref, g1w_ref, g1b_ref,
               peb_ref, pewp_ref, smat_ref, qgc_ref, t1_ref, w66_ref,
               wqg_s, wkg_s, c1_s):
    step = pl.program_id(0)

    @pl.when(step == 0)
    def _init():
        g1w = g1w_ref[...]
        wqg_s[...] = wq_ref[...] @ g1w
        wkg_s[...] = wk_ref[...] @ g1w
        c1_s[...] = peb_ref[...] @ g1w + g1b_ref[...]
        smat = smat_ref[...]
        w66_ref[:, :D] = (smat @ (pewp_ref[...] @ g1w)).astype(jnp.bfloat16)
        w66_ref[:, D:] = (smat @ pewp_ref[...]).astype(jnp.bfloat16)

    f = feats_ref[...]
    qgc_ref[...] = f @ wqg_s[...] + c1_s[...]
    kg = f @ wkg_s[...]
    vf = f @ wv_ref[...]
    q66 = q66_ref[...]
    t1_ref[:, 0:128] = _pack_pair(kg[:, :128], kg[:, 128:])
    t1_ref[:, 128:256] = _pack_pair(vf[:, :128], vf[:, 128:])
    t1_ref[:, 256:320] = _pack_pair(q66[:, :64], q66[:, 64:])
    t1_ref[:, 320:384] = jnp.zeros((ROWS_B, 64), jnp.int32)


def _proj_call(feats2d, q66, wq, wk, wv, g1w, g1b, peb, pewp, smat):
    return pl.pallas_call(
        _proj_body,
        grid=(NSTEP_B,),
        in_specs=[
            pl.BlockSpec((ROWS_B, D), lambda s: (s, 0)),
            pl.BlockSpec((ROWS_B, QW), lambda s: (s, 0)),
            pl.BlockSpec((D, D), lambda s: (0, 0)),
            pl.BlockSpec((D, D), lambda s: (0, 0)),
            pl.BlockSpec((D, D), lambda s: (0, 0)),
            pl.BlockSpec((D, D), lambda s: (0, 0)),
            pl.BlockSpec((1, D), lambda s: (0, 0)),
            pl.BlockSpec((1, D), lambda s: (0, 0)),
            pl.BlockSpec((PEW, D), lambda s: (0, 0)),
            pl.BlockSpec((QW, PEW), lambda s: (0, 0)),
        ],
        out_specs=[
            pl.BlockSpec((ROWS_B, D), lambda s: (s, 0)),
            pl.BlockSpec((ROWS_B, TBW), lambda s: (s, 0)),
            pl.BlockSpec((QW, TW), lambda s: (0, 0)),
        ],
        out_shape=[
            jax.ShapeDtypeStruct((BN, D), jnp.float32),
            jax.ShapeDtypeStruct((BN, TBW), jnp.int32),
            jax.ShapeDtypeStruct((QW, TW), jnp.bfloat16),
        ],
        scratch_shapes=[
            pltpu.VMEM((D, D), jnp.float32),
            pltpu.VMEM((D, D), jnp.float32),
            pltpu.VMEM((1, D), jnp.float32),
        ],
    )(feats2d, q66, wq, wk, wv, g1w, g1b, peb, pewp, smat)


NWORK = 32
CHUNK = 128
NCHUNK = E // (NWORK * CHUNK)


def _gather_body(nchunk, t1_hbm, gidx_hbm, g1_out, idx_v, r1_v, sem1):
    c = lax.axis_index("c")
    s = lax.axis_index("s")
    wid = s * 2 + c

    def body(i, carry):
        base = (wid * nchunk + i) * CHUNK
        pltpu.sync_copy(gidx_hbm.at[pl.ds(base, CHUNK)], idx_v)
        pltpu.async_copy(t1_hbm.at[idx_v], r1_v, sem1).wait()
        pltpu.sync_copy(r1_v, g1_out.at[pl.ds(base, CHUNK)])
        return carry

    lax.fori_loop(0, nchunk, body, 0)


def _gather_call(t1, gidx):
    import functools as _ft
    rows = gidx.shape[0]
    k = pl.kernel(
        _ft.partial(_gather_body, rows // (NWORK * CHUNK)),
        out_type=jax.ShapeDtypeStruct((rows, TBW), jnp.int32),
        mesh=plsc.VectorSubcoreMesh(core_axis_name="c", subcore_axis_name="s",
                                    num_cores=2, num_subcores=16),
        scratch_types=[
            pltpu.VMEM((CHUNK,), jnp.int32),
            pltpu.VMEM((CHUNK, TBW), jnp.int32),
            pltpu.SemaphoreType.DMA,
        ],
    )
    return k(t1, gidx)


P = 64
EP = P * K
NSTEP_C = BN // P


def _edge_body(nstep, qgc_ref, g1_ref, pfeat_ref, feats_ref, w66_ref,
               g2w_ref, peb_ref, res_ref, stats_ref, acc_s):
    step = pl.program_id(0)

    q = qgc_ref[...]
    qr = jnp.broadcast_to(q.reshape(P, 1, D), (P, K, D)).reshape(EP, D)
    pf = pfeat_ref[...]
    pfr = jnp.broadcast_to(pf.reshape(P, 1, QW), (P, K, QW)).reshape(EP, QW)
    g1i = g1_ref[...]
    kg_lo, kg_hi = _unpack_pair(g1i[:, 0:128])
    vf_lo, vf_hi = _unpack_pair(g1i[:, 128:256])
    qf_lo, qf_hi = _unpack_pair(g1i[:, 256:320])
    kg = jnp.concatenate([kg_lo, kg_hi], axis=1)
    vf = jnp.concatenate([vf_lo, vf_hi], axis=1)
    qfe = jnp.concatenate([qf_lo, qf_hi], axis=1)
    prod = (pfr * qfe).astype(jnp.bfloat16)

    pe2 = jax.lax.dot(prod, w66_ref[...],
                      preferred_element_type=jnp.float32)

    h = jnp.maximum(qr - kg + pe2[:, :D], 0.0).astype(jnp.bfloat16)
    a = jax.lax.dot(h, g2w_ref[...], preferred_element_type=jnp.float32)

    a3 = a.reshape(P, K, D)
    m = jnp.max(a3, axis=1, keepdims=True)
    e = jnp.exp(a3 - m)
    ssum = jnp.sum(e, axis=1)
    v3 = (vf + pe2[:, D:]).reshape(P, K, D)
    num = jnp.sum(e * v3, axis=1)
    res = num / ssum + peb_ref[...] + feats_ref[...]
    res_ref[...] = res

    @pl.when(step == 0)
    def _init():
        acc_s[...] = jnp.zeros((8, D), jnp.float32)

    acc_s[0:1, :] += jnp.sum(res, axis=0, keepdims=True)
    acc_s[1:2, :] += jnp.sum(res * res, axis=0, keepdims=True)

    @pl.when(step == nstep - 1)
    def _fin():
        stats_ref[...] = acc_s[...]


def _edge_call(qgc, g1, pfeat, feats2d, w66, g2w, peb, off, nstep):
    import functools as _ft
    return pl.pallas_call(
        _ft.partial(_edge_body, nstep),
        grid=(nstep,),
        in_specs=[
            pl.BlockSpec((P, D), lambda s: (off + s, 0)),
            pl.BlockSpec((EP, TBW), lambda s: (s, 0)),
            pl.BlockSpec((P, QW), lambda s: (off + s, 0)),
            pl.BlockSpec((P, D), lambda s: (off + s, 0)),
            pl.BlockSpec((QW, TW), lambda s: (0, 0)),
            pl.BlockSpec((D, D), lambda s: (0, 0)),
            pl.BlockSpec((1, D), lambda s: (0, 0)),
        ],
        out_specs=[
            pl.BlockSpec((P, D), lambda s: (s, 0)),
            pl.BlockSpec((8, D), lambda s: (0, 0)),
        ],
        out_shape=[
            jax.ShapeDtypeStruct((nstep * P, D), jnp.float32),
            jax.ShapeDtypeStruct((8, D), jnp.float32),
        ],
        scratch_shapes=[pltpu.VMEM((8, D), jnp.float32)],
    )(qgc, g1, pfeat, feats2d, w66, g2w, peb)


ROWS_D = 512
NSTEP_D = BN // ROWS_D


def _bn_body(res_ref, stats_a_ref, stats_b_ref, bnw_ref, bnb_ref, out_ref):
    inv_n = jnp.float32(1.0 / BN)
    stats = stats_a_ref[...] + stats_b_ref[...]
    mean = stats[0:1, :] * inv_n
    ex2 = stats[1:2, :] * inv_n
    var = ex2 - mean * mean
    scale = lax.rsqrt(var + 1e-5) * bnw_ref[...]
    out_ref[...] = (res_ref[...] - mean) * scale + bnb_ref[...]


def _bn_call(res, stats_a, stats_b, bnw, bnb):
    nstep = res.shape[0] // ROWS_D
    return pl.pallas_call(
        _bn_body,
        grid=(nstep,),
        in_specs=[
            pl.BlockSpec((ROWS_D, D), lambda s: (s, 0)),
            pl.BlockSpec((8, D), lambda s: (0, 0)),
            pl.BlockSpec((8, D), lambda s: (0, 0)),
            pl.BlockSpec((1, D), lambda s: (0, 0)),
            pl.BlockSpec((1, D), lambda s: (0, 0)),
        ],
        out_specs=pl.BlockSpec((ROWS_D, D), lambda s: (s, 0)),
        out_shape=jax.ShapeDtypeStruct((res.shape[0], D), jnp.float32),
    )(res, stats_a, stats_b, bnw, bnb)


def kernel(xyz, feats, wq, wk, wv, g1w, g1b, g2w, g2b, pew, peb, bnw, bnb):
    del g2b
    xyzt = jnp.transpose(xyz, (0, 2, 1))
    xt3 = xyzt.transpose(1, 0, 2).reshape(3, BN)
    pfeat, q66 = _pq_call(xt3)

    feats2d = feats.reshape(BN, D)
    pewp = jnp.zeros((PEW, D), jnp.float32).at[:NM].set(pew)
    smat = jnp.asarray(_S_NP)
    qgc, t1, w66 = _proj_call(feats2d, q66, wq, wk, wv, g1w,
                              g1b.reshape(1, D), peb.reshape(1, D),
                              pewp, smat)

    hb = B // 2
    g2wb = g2w.astype(jnp.bfloat16)
    pebr = peb.reshape(1, D)
    gidx0 = _knn_call(xyz, xyzt, 0, hb).reshape(E // 2)
    g1h0 = _gather_call(t1, gidx0)
    gidx1 = _knn_call(xyz, xyzt, hb, hb).reshape(E // 2)
    g1h1 = _gather_call(t1, gidx1)
    ns = NSTEP_C // 2
    res0, stats0 = _edge_call(qgc, g1h0, pfeat, feats2d, w66, g2wb, pebr,
                              0, ns)
    res1, stats1 = _edge_call(qgc, g1h1, pfeat, feats2d, w66, g2wb, pebr,
                              ns, ns)
    out0 = _bn_call(res0, stats0, stats1, bnw.reshape(1, D),
                    bnb.reshape(1, D))
    out1 = _bn_call(res1, stats0, stats1, bnw.reshape(1, D),
                    bnb.reshape(1, D))
    return jnp.concatenate([out0, out1], axis=0).reshape(B, N, D)

# --- scband reference (transcript-rebuilt; emitter-appended) ---
"""Pipeline reference for scband-transformer-block-28286654612086 (READ-ONLY COPY).

The authoritative reference and input builder live on the scoring server;
editing this copy changes nothing except your own understanding.
"""

import jax, jax.numpy as jnp
import numpy as np

D = 256
K = 16
DS = 3
NF = 5


def index_points(points, idx):
    # points [B,N,C], idx [B,S,K] -> [B,S,K,C]
    return jax.vmap(lambda p, i: p[i])(points, idx)


def setup_inputs(seed: int = 0) -> dict:
    key = jax.random.key(seed)
    ks = jax.random.split(key, 10)
    B, N = 4, 1024
    s = 0.05
    xyz = jax.random.normal(ks[0], (B, N, DS), dtype=jnp.float32)
    feats = jax.random.normal(ks[1], (B, N, D), dtype=jnp.float32)
    wq = jax.random.normal(ks[2], (D, D), dtype=jnp.float32) * s
    wk = jax.random.normal(ks[3], (D, D), dtype=jnp.float32) * s
    wv = jax.random.normal(ks[4], (D, D), dtype=jnp.float32) * s
    g1w = jax.random.normal(ks[5], (D, D), dtype=jnp.float32) * s
    g1b = jnp.zeros((D,), dtype=jnp.float32)
    g2w = jax.random.normal(ks[6], (D, D), dtype=jnp.float32) * s
    g2b = jnp.zeros((D,), dtype=jnp.float32)
    pe_in = DS * 2 * NF + DS
    pew = jax.random.normal(ks[7], (pe_in, D), dtype=jnp.float32) * s
    peb = jnp.zeros((D,), dtype=jnp.float32)
    bnw = jnp.ones((D,), dtype=jnp.float32)
    bnb = jnp.zeros((D,), dtype=jnp.float32)
    return dict(xyz=xyz, feats=feats, wq=wq, wk=wk, wv=wv, g1w=g1w, g1b=g1b,
                g2w=g2w, g2b=g2b, pew=pew, peb=peb, bnw=bnw, bnb=bnb)


def reference(xyz, feats, wq, wk, wv, g1w, g1b, g2w, g2b, pew, peb, bnw, bnb):
    # kNN (computed with no grad in original torch module)
    dists = jnp.sum((xyz[:, :, None, :] - xyz[:, None, :, :]) ** 2, axis=-1)
    knn_idx = jnp.argsort(dists, axis=-1)[:, :, :K]
    knn_xyz = jax.lax.stop_gradient(index_points(xyz, knn_idx))
    q_attn = feats @ wq
    k_attn = index_points(feats @ wk, knn_idx)
    v_attn = index_points(feats @ wv, knn_idx)
    pos_diff = xyz[:, :, None, :] - knn_xyz
    embeds = [pos_diff]
    for f in np.linspace(1.0, 2.0 ** NF, NF):
        embeds.append(jnp.sin(pos_diff * float(f)))
        embeds.append(jnp.cos(pos_diff * float(f)))
    pos_embed = jnp.concatenate(embeds, axis=-1)
    pos_encode = pos_embed @ pew + peb
    edges = q_attn[:, :, None, :] - k_attn + pos_encode
    attn = jax.nn.relu(edges @ g1w + g1b) @ g2w + g2b
    attn = jax.nn.softmax(attn, axis=-2)
    res = jnp.sum(attn * (v_attn + pos_encode), axis=2)
    res = res + feats
    # BatchNorm1d in training mode: batch stats over (B, N) per channel
    mean = jnp.mean(res, axis=(0, 1))
    var = jnp.var(res, axis=(0, 1))
    out = (res - mean) / jnp.sqrt(var + 1e-5) * bnw + bnb
    return out

if __name__ == "__main__":
    import jax
    _d = setup_inputs()
    print(jax.jit(kernel)(*tuple(_d.values())))

</pallas_src>

<mosaic_0001>
#map = affine_map<(d0, d1) -> (0, 0)>
#map1 = affine_map<(d0, d1) -> (0)>
module attributes {stable_mosaic.version = 14 : i64} {
  func.func @_gather_body(%arg0: i32, %arg1: i32, %arg2: memref<4096x384xi32, #tpu.memory_space<hbm>>, %arg3: memref<32768xi32, #tpu.memory_space<hbm>>, %arg4: memref<32768x384xi32, #tpu.memory_space<hbm>>, %arg5: memref<128xi32, #tpu.memory_space<vmem>>, %arg6: memref<128x384xi32, #tpu.memory_space<vmem>>, %arg7: memref<!tpu.dma_semaphore, #tpu.memory_space<semaphore_mem>>) attributes {dimension_semantics = [#tpu.dimension_semantics<core_parallel>, #tpu.dimension_semantics<subcore_parallel>], iteration_bounds = array<i64: 2, 16>, scalar_prefetch = 0 : i64, scratch_operands = 3 : i64, tpu.core_type = #tpu.core_type<sc_vector_subcore>, window_params = [{transform_indices = #map}, {transform_indices = #map1}, {transform_indices = #map}]} {
    %mul3A = arith.constant 2 : i32
    %mul3A_0 = arith.muli %arg1, %mul3A : i32
    %add3A = arith.addi %mul3A_0, %arg0 : i32
    %scan3A = arith.constant 0 : i32
    %scan3A_1 = arith.constant 0 : i32
    %scan3A_2 = arith.constant 8 : i32
    %scan3A_3 = arith.addi %scan3A_1, %scan3A_2 : i32
    %scan3A_4 = arith.constant 1 : i32
    scf.for %scan3A_6 = %scan3A_1 to %scan3A_3 step %scan3A_4  : i32 {
      %mul3A_7 = arith.constant 8 : i32
      %mul3A_8 = arith.muli %add3A, %mul3A_7 : i32
      %add3A_9 = arith.addi %mul3A_8, %scan3A_6 : i32
      %mul3A_10 = arith.constant 128 : i32
      %mul3A_11 = arith.muli %add3A_9, %mul3A_10 : i32
      "tpu.region"() ({
        %run_scoped3A = tpu.sem_alloc : memref<!tpu.dma_semaphore, #tpu.memory_space<semaphore_mem>>
        %dma_start3A_16 = tpu.memref_slice %arg3[%mul3A_11] : memref<32768xi32, #tpu.memory_space<hbm>> -> memref<128xi32, #tpu.memory_space<hbm>>
        %dma_start3A_17 = tpu.memref_slice %arg3[%mul3A_11] : memref<32768xi32, #tpu.memory_space<hbm>> -> memref<128xi32, #tpu.memory_space<hbm>>
        tpu.enqueue_dma source(%dma_start3A_17 : memref<128xi32, #tpu.memory_space<hbm>>) target(%arg5 : memref<128xi32, #tpu.memory_space<vmem>>) target_semaphore(%run_scoped3A : memref<!tpu.dma_semaphore, #tpu.memory_space<semaphore_mem>>)
        %dma_wait3A_18 = tpu.memref_slice %arg3[%mul3A_11] : memref<32768xi32, #tpu.memory_space<hbm>> -> memref<128xi32, #tpu.memory_space<hbm>>
        %dma_wait3A_19 = tpu.memref_slice %arg3[%mul3A_11] : memref<32768xi32, #tpu.memory_space<hbm>> -> memref<128xi32, #tpu.memory_space<hbm>>
        tpu.wait_dma2 semaphore(%run_scoped3A : memref<!tpu.dma_semaphore, #tpu.memory_space<semaphore_mem>>) src(%dma_wait3A_19 : memref<128xi32, #tpu.memory_space<hbm>>) dst(%arg5 : memref<128xi32, #tpu.memory_space<vmem>>)
        tpu.yield
      }) : () -> ()
      %dma_start3A = arith.constant 0 : i32
      %dma_start3A_12 = arith.constant 0 : i32
      %dma_start3A_13 = tpu.memref_slice %arg2[%dma_start3A, %dma_start3A_12] : memref<4096x384xi32, #tpu.memory_space<hbm>> -> memref<4096x384xi32, #tpu.memory_space<hbm>>
      tpu.enqueue_indirect_dma source(%dma_start3A_13 : memref<4096x384xi32, #tpu.memory_space<hbm>>) target(%arg6 : memref<128x384xi32, #tpu.memory_space<vmem>>) offsets(%arg5 : memref<128xi32, #tpu.memory_space<vmem>>) semaphore(%arg7 : memref<!tpu.dma_semaphore, #tpu.memory_space<semaphore_mem>>)
      %dma_wait3A = arith.constant 0 : i32
      %dma_wait3A_14 = arith.constant 0 : i32
      %dma_wait3A_15 = tpu.memref_slice %arg2[%dma_wait3A, %dma_wait3A_14] : memref<4096x384xi32, #tpu.memory_space<hbm>> -> memref<4096x384xi32, #tpu.memory_space<hbm>>
      tpu.wait_indirect_dma semaphore(%arg7 : memref<!tpu.dma_semaphore, #tpu.memory_space<semaphore_mem>>) src(%dma_wait3A_15 : memref<4096x384xi32, #tpu.memory_space<hbm>>) dst(%arg6 : memref<128x384xi32, #tpu.memory_space<vmem>>)
      "tpu.region"() ({
        %run_scoped3A = tpu.sem_alloc : memref<!tpu.dma_semaphore, #tpu.memory_space<semaphore_mem>>
        %dma_start3A_16 = arith.constant 0 : i32
        %dma_start3A_17 = tpu.memref_slice %arg4[%mul3A_11, %dma_start3A_16] : memref<32768x384xi32, #tpu.memory_space<hbm>> -> memref<128x384xi32, #tpu.memory_space<hbm>>
        %dma_start3A_18 = arith.constant 0 : i32
        %dma_start3A_19 = tpu.memref_slice %arg4[%mul3A_11, %dma_start3A_18] : memref<32768x384xi32, #tpu.memory_space<hbm>> -> memref<128x384xi32, #tpu.memory_space<hbm>>
        tpu.enqueue_dma source(%arg6 : memref<128x384xi32, #tpu.memory_space<vmem>>) target(%dma_start3A_19 : memref<128x384xi32, #tpu.memory_space<hbm>>) target_semaphore(%run_scoped3A : memref<!tpu.dma_semaphore, #tpu.memory_space<semaphore_mem>>)
        %dma_wait3A_20 = arith.constant 0 : i32
        %dma_wait3A_21 = tpu.memref_slice %arg4[%mul3A_11, %dma_wait3A_20] : memref<32768x384xi32, #tpu.memory_space<hbm>> -> memref<128x384xi32, #tpu.memory_space<hbm>>
        %dma_wait3A_22 = arith.constant 0 : i32
        %dma_wait3A_23 = tpu.memref_slice %arg4[%mul3A_11, %dma_wait3A_22] : memref<32768x384xi32, #tpu.memory_space<hbm>> -> memref<128x384xi32, #tpu.memory_space<hbm>>
        tpu.wait_dma2 semaphore(%run_scoped3A : memref<!tpu.dma_semaphore, #tpu.memory_space<semaphore_mem>>) src(%arg6 : memref<128x384xi32, #tpu.memory_space<vmem>>) dst(%dma_wait3A_23 : memref<128x384xi32, #tpu.memory_space<hbm>>)
        tpu.yield
      }) : () -> ()
    }
    %scan3A_5 = arith.constant 8 : i32
    return
  }
}

#map = affine_map<(d0, d1) -> (0, 0)>
#map1 = affine_map<(d0, d1) -> (0)>
module attributes {stable_mosaic.version = 14 : i64} {
  func.func @_gather_body(%arg0: i32, %arg1: i32, %arg2: memref<4096x384xi32, #tpu.memory_space<hbm>>, %arg3: memref<32768xi32, #tpu.memory_space<hbm>>, %arg4: memref<32768x384xi32, #tpu.memory_space<hbm>>, %arg5: memref<128xi32, #tpu.memory_space<vmem>>, %arg6: memref<128x384xi32, #tpu.memory_space<vmem>>, %arg7: memref<!tpu.dma_semaphore, #tpu.memory_space<semaphore_mem>>) attributes {dimension_semantics = [#tpu.dimension_semantics<core_parallel>, #tpu.dimension_semantics<subcore_parallel>], iteration_bounds = array<i64: 2, 16>, scalar_prefetch = 0 : i64, scratch_operands = 3 : i64, tpu.core_type = #tpu.core_type<sc_vector_subcore>, window_params = [{transform_indices = #map}, {transform_indices = #map1}, {transform_indices = #map}]} {
    %mul3A = arith.constant 2 : i32
    %mul3A_0 = arith.muli %arg1, %mul3A : i32
    %add3A = arith.addi %mul3A_0, %arg0 : i32
    %scan3A = arith.constant 0 : i32
    %scan3A_1 = arith.constant 0 : i32
    %scan3A_2 = arith.constant 8 : i32
    %scan3A_3 = arith.addi %scan3A_1, %scan3A_2 : i32
    %scan3A_4 = arith.constant 1 : i32
    scf.for %scan3A_6 = %scan3A_1 to %scan3A_3 step %scan3A_4  : i32 {
      %mul3A_7 = arith.constant 8 : i32
      %mul3A_8 = arith.muli %add3A, %mul3A_7 : i32
      %add3A_9 = arith.addi %mul3A_8, %scan3A_6 : i32
      %mul3A_10 = arith.constant 128 : i32
      %mul3A_11 = arith.muli %add3A_9, %mul3A_10 : i32
      "tpu.region"() ({
        %run_scoped3A = tpu.sem_alloc : memref<!tpu.dma_semaphore, #tpu.memory_space<semaphore_mem>>
        %dma_start3A_16 = tpu.memref_slice %arg3[%mul3A_11] : memref<32768xi32, #tpu.memory_space<hbm>> -> memref<128xi32, #tpu.memory_space<hbm>>
        %dma_start3A_17 = tpu.memref_slice %arg3[%mul3A_11] : memref<32768xi32, #tpu.memory_space<hbm>> -> memref<128xi32, #tpu.memory_space<hbm>>
        tpu.enqueue_dma source(%dma_start3A_17 : memref<128xi32, #tpu.memory_space<hbm>>) target(%arg5 : memref<128xi32, #tpu.memory_space<vmem>>) target_semaphore(%run_scoped3A : memref<!tpu.dma_semaphore, #tpu.memory_space<semaphore_mem>>)
        %dma_wait3A_18 = tpu.memref_slice %arg3[%mul3A_11] : memref<32768xi32, #tpu.memory_space<hbm>> -> memref<128xi32, #tpu.memory_space<hbm>>
        %dma_wait3A_19 = tpu.memref_slice %arg3[%mul3A_11] : memref<32768xi32, #tpu.memory_space<hbm>> -> memref<128xi32, #tpu.memory_space<hbm>>
        tpu.wait_dma2 semaphore(%run_scoped3A : memref<!tpu.dma_semaphore, #tpu.memory_space<semaphore_mem>>) src(%dma_wait3A_19 : memref<128xi32, #tpu.memory_space<hbm>>) dst(%arg5 : memref<128xi32, #tpu.memory_space<vmem>>)
        tpu.yield
      }) : () -> ()
      %dma_start3A = arith.constant 0 : i32
      %dma_start3A_12 = arith.constant 0 : i32
      %dma_start3A_13 = tpu.memref_slice %arg2[%dma_start3A, %dma_start3A_12] : memref<4096x384xi32, #tpu.memory_space<hbm>> -> memref<4096x384xi32, #tpu.memory_space<hbm>>
      tpu.enqueue_indirect_dma source(%dma_start3A_13 : memref<4096x384xi32, #tpu.memory_space<hbm>>) target(%arg6 : memref<128x384xi32, #tpu.memory_space<vmem>>) offsets(%arg5 : memref<128xi32, #tpu.memory_space<vmem>>) semaphore(%arg7 : memref<!tpu.dma_semaphore, #tpu.memory_space<semaphore_mem>>)
      %dma_wait3A = arith.constant 0 : i32
      %dma_wait3A_14 = arith.constant 0 : i32
      %dma_wait3A_15 = tpu.memref_slice %arg2[%dma_wait3A, %dma_wait3A_14] : memref<4096x384xi32, #tpu.memory_space<hbm>> -> memref<4096x384xi32, #tpu.memory_space<hbm>>
      tpu.wait_indirect_dma semaphore(%arg7 : memref<!tpu.dma_semaphore, #tpu.memory_space<semaphore_mem>>) src(%dma_wait3A_15 : memref<4096x384xi32, #tpu.memory_space<hbm>>) dst(%arg6 : memref<128x384xi32, #tpu.memory_space<vmem>>)
      "tpu.region"() ({
        %run_scoped3A = tpu.sem_alloc : memref<!tpu.dma_semaphore, #tpu.memory_space<semaphore_mem>>
        %dma_start3A_16 = arith.constant 0 : i32
        %dma_start3A_17 = tpu.memref_slice %arg4[%mul3A_11, %dma_start3A_16] : memref<32768x384xi32, #tpu.memory_space<hbm>> -> memref<128x384xi32, #tpu.memory_space<hbm>>
        %dma_start3A_18 = arith.constant 0 : i32
        %dma_start3A_19 = tpu.memref_slice %arg4[%mul3A_11, %dma_start3A_18] : memref<32768x384xi32, #tpu.memory_space<hbm>> -> memref<128x384xi32, #tpu.memory_space<hbm>>
        tpu.enqueue_dma source(%arg6 : memref<128x384xi32, #tpu.memory_space<vmem>>) target(%dma_start3A_19 : memref<128x384xi32, #tpu.memory_space<hbm>>) target_semaphore(%run_scoped3A : memref<!tpu.dma_semaphore, #tpu.memory_space<semaphore_mem>>)
        %dma_wait3A_20 = arith.constant 0 : i32
        %dma_wait3A_21 = tpu.memref_slice %arg4[%mul3A_11, %dma_wait3A_20] : memref<32768x384xi32, #tpu.memory_space<hbm>> -> memref<128x384xi32, #tpu.memory_space<hbm>>
        %dma_wait3A_22 = arith.constant 0 : i32
        %dma_wait3A_23 = tpu.memref_slice %arg4[%mul3A_11, %dma_wait3A_22] : memref<32768x384xi32, #tpu.memory_space<hbm>> -> memref<128x384xi32, #tpu.memory_space<hbm>>
        tpu.wait_dma2 semaphore(%run_scoped3A : memref<!tpu.dma_semaphore, #tpu.memory_space<semaphore_mem>>) src(%arg6 : memref<128x384xi32, #tpu.memory_space<vmem>>) dst(%dma_wait3A_23 : memref<128x384xi32, #tpu.memory_space<hbm>>)
        tpu.yield
      }) : () -> ()
    }
    %scan3A_5 = arith.constant 8 : i32
    return
  }
}

module attributes {stable_mosaic.version = 14 : i64} {
  func.func @_pq_body(%arg0: memref<3x4096xf32, #tpu.memory_space<vmem>>, %arg1: memref<4096x128xf32, #tpu.memory_space<vmem>>, %arg2: memref<4096x128xf32, #tpu.memory_space<vmem>>, %arg3: memref<128x4096xf32, #tpu.memory_space<vmem>>, %arg4: memref<128x4096xf32, #tpu.memory_space<vmem>>) attributes {dimension_semantics = [], scalar_prefetch = 0 : i64, scratch_operands = 2 : i64, tpu.core_type = #tpu.core_type<tc>} {
    %get3A = arith.constant 0 : index
    %get3A_0 = arith.constant 0 : index
    %get3A_1 = vector.load %arg0[%get3A, %get3A_0] : memref<3x4096xf32, #tpu.memory_space<vmem>>, vector<3x4096xf32>
    %broadcast_in_dim3A = arith.constant 1.000000e+00 : f32
    %broadcast_in_dim3A_2 = vector.broadcast %broadcast_in_dim3A : f32 to vector<3x4096xf32>
    %swap3A = arith.constant 0 : index
    %swap3A_3 = arith.constant 0 : index
    %swap3A_4 = vector.load %arg3[%swap3A, %swap3A_3] : memref<128x4096xf32, #tpu.memory_space<vmem>>, vector<3x4096xf32>
    tpu.vector_store %arg3[%swap3A, %swap3A_3], %get3A_1 {strides = array<i32>} : memref<128x4096xf32, #tpu.memory_space<vmem>>, vector<3x4096xf32>,
    %swap3A_5 = arith.constant 3 : index
    %swap3A_6 = arith.constant 0 : index
    %swap3A_7 = vector.load %arg3[%swap3A_5, %swap3A_6] : memref<128x4096xf32, #tpu.memory_space<vmem>>, vector<3x4096xf32>
    tpu.vector_store %arg3[%swap3A_5, %swap3A_6], %broadcast_in_dim3A_2 {strides = array<i32>} : memref<128x4096xf32, #tpu.memory_space<vmem>>, vector<3x4096xf32>,
    %swap3A_8 = arith.constant 0 : index
    %swap3A_9 = arith.constant 0 : index
    %swap3A_10 = vector.load %arg4[%swap3A_8, %swap3A_9] : memref<128x4096xf32, #tpu.memory_space<vmem>>, vector<3x4096xf32>
    tpu.vector_store %arg4[%swap3A_8, %swap3A_9], %broadcast_in_dim3A_2 {strides = array<i32>} : memref<128x4096xf32, #tpu.memory_space<vmem>>, vector<3x4096xf32>,
    %swap3A_11 = arith.constant 3 : index
    %swap3A_12 = arith.constant 0 : index
    %swap3A_13 = vector.load %arg4[%swap3A_11, %swap3A_12] : memref<128x4096xf32, #tpu.memory_space<vmem>>, vector<3x4096xf32>
    tpu.vector_store %arg4[%swap3A_11, %swap3A_12], %get3A_1 {strides = array<i32>} : memref<128x4096xf32, #tpu.memory_space<vmem>>, vector<3x4096xf32>,
    %mul3A = arith.constant 1.000000e+00 : f32
    %mul3A_14 = vector.broadcast %mul3A : f32 to vector<3x4096xf32>
    %mul3A_15 = arith.mulf %get3A_1, %mul3A_14 : vector<3x4096xf32>
    %sin3A = math.sin %mul3A_15 : vector<3x4096xf32>
    %mul3A_16 = arith.constant 1.000000e+00 : f32
    %mul3A_17 = vector.broadcast %mul3A_16 : f32 to vector<3x4096xf32>
    %mul3A_18 = arith.mulf %get3A_1, %mul3A_17 : vector<3x4096xf32>
    %cos3A = math.cos %mul3A_18 : vector<3x4096xf32>
    %swap3A_19 = arith.constant 6 : index
    %swap3A_20 = arith.constant 0 : index
    %swap3A_21 = vector.load %arg3[%swap3A_19, %swap3A_20] : memref<128x4096xf32, #tpu.memory_space<vmem>>, vector<3x4096xf32>
    tpu.vector_store %arg3[%swap3A_19, %swap3A_20], %sin3A {strides = array<i32>} : memref<128x4096xf32, #tpu.memory_space<vmem>>, vector<3x4096xf32>,
    %swap3A_22 = arith.constant 9 : index
    %swap3A_23 = arith.constant 0 : index
    %swap3A_24 = vector.load %arg3[%swap3A_22, %swap3A_23] : memref<128x4096xf32, #tpu.memory_space<vmem>>, vector<3x4096xf32>
    tpu.vector_store %arg3[%swap3A_22, %swap3A_23], %cos3A {strides = array<i32>} : memref<128x4096xf32, #tpu.memory_space<vmem>>, vector<3x4096xf32>,
    %swap3A_25 = arith.constant 12 : index
    %swap3A_26 = arith.constant 0 : index
    %swap3A_27 = vector.load %arg3[%swap3A_25, %swap3A_26] : memref<128x4096xf32, #tpu.memory_space<vmem>>, vector<3x4096xf32>
    tpu.vector_store %arg3[%swap3A_25, %swap3A_26], %cos3A {strides = array<i32>} : memref<128x4096xf32, #tpu.memory_space<vmem>>, vector<3x4096xf32>,
    %swap3A_28 = arith.constant 15 : index
    %swap3A_29 = arith.constant 0 : index
    %swap3A_30 = vector.load %arg3[%swap3A_28, %swap3A_29] : memref<128x4096xf32, #tpu.memory_space<vmem>>, vector<3x4096xf32>
    tpu.vector_store %arg3[%swap3A_28, %swap3A_29], %sin3A {strides = array<i32>} : memref<128x4096xf32, #tpu.memory_space<vmem>>, vector<3x4096xf32>,
    %swap3A_31 = arith.constant 6 : index
    %swap3A_32 = arith.constant 0 : index
    %swap3A_33 = vector.load %arg4[%swap3A_31, %swap3A_32] : memref<128x4096xf32, #tpu.memory_space<vmem>>, vector<3x4096xf32>
    tpu.vector_store %arg4[%swap3A_31, %swap3A_32], %cos3A {strides = array<i32>} : memref<128x4096xf32, #tpu.memory_space<vmem>>, vector<3x4096xf32>,
    %swap3A_34 = arith.constant 9 : index
    %swap3A_35 = arith.constant 0 : index
    %swap3A_36 = vector.load %arg4[%swap3A_34, %swap3A_35] : memref<128x4096xf32, #tpu.memory_space<vmem>>, vector<3x4096xf32>
    tpu.vector_store %arg4[%swap3A_34, %swap3A_35], %sin3A {strides = array<i32>} : memref<128x4096xf32, #tpu.memory_space<vmem>>, vector<3x4096xf32>,
    %swap3A_37 = arith.constant 12 : index
    %swap3A_38 = arith.constant 0 : index
    %swap3A_39 = vector.load %arg4[%swap3A_37, %swap3A_38] : memref<128x4096xf32, #tpu.memory_space<vmem>>, vector<3x4096xf32>
    tpu.vector_store %arg4[%swap3A_37, %swap3A_38], %cos3A {strides = array<i32>} : memref<128x4096xf32, #tpu.memory_space<vmem>>, vector<3x4096xf32>,
    %swap3A_40 = arith.constant 15 : index
    %swap3A_41 = arith.constant 0 : index
    %swap3A_42 = vector.load %arg4[%swap3A_40, %swap3A_41] : memref<128x4096xf32, #tpu.memory_space<vmem>>, vector<3x4096xf32>
    tpu.vector_store %arg4[%swap3A_40, %swap3A_41], %sin3A {strides = array<i32>} : memref<128x4096xf32, #tpu.memory_space<vmem>>, vector<3x4096xf32>,
    %mul3A_43 = arith.constant 8.750000e+00 : f32
    %mul3A_44 = vector.broadcast %mul3A_43 : f32 to vector<3x4096xf32>
    %mul3A_45 = arith.mulf %get3A_1, %mul3A_44 : vector<3x4096xf32>
    %sin3A_46 = math.sin %mul3A_45 : vector<3x4096xf32>
    %mul3A_47 = arith.constant 8.750000e+00 : f32
    %mul3A_48 = vector.broadcast %mul3A_47 : f32 to vector<3x4096xf32>
    %mul3A_49 = arith.mulf %get3A_1, %mul3A_48 : vector<3x4096xf32>
    %cos3A_50 = math.cos %mul3A_49 : vector<3x4096xf32>
    %swap3A_51 = arith.constant 18 : index
    %swap3A_52 = arith.constant 0 : index
    %swap3A_53 = vector.load %arg3[%swap3A_51, %swap3A_52] : memref<128x4096xf32, #tpu.memory_space<vmem>>, vector<3x4096xf32>
    tpu.vector_store %arg3[%swap3A_51, %swap3A_52], %sin3A_46 {strides = array<i32>} : memref<128x4096xf32, #tpu.memory_space<vmem>>, vector<3x4096xf32>,
    %swap3A_54 = arith.constant 21 : index
    %swap3A_55 = arith.constant 0 : index
    %swap3A_56 = vector.load %arg3[%swap3A_54, %swap3A_55] : memref<128x4096xf32, #tpu.memory_space<vmem>>, vector<3x4096xf32>
    tpu.vector_store %arg3[%swap3A_54, %swap3A_55], %cos3A_50 {strides = array<i32>} : memref<128x4096xf32, #tpu.memory_space<vmem>>, vector<3x4096xf32>,
    %swap3A_57 = arith.constant 24 : index
    %swap3A_58 = arith.constant 0 : index
    %swap3A_59 = vector.load %arg3[%swap3A_57, %swap3A_58] : memref<128x4096xf32, #tpu.memory_space<vmem>>, vector<3x4096xf32>
    tpu.vector_store %arg3[%swap3A_57, %swap3A_58], %cos3A_50 {strides = array<i32>} : memref<128x4096xf32, #tpu.memory_space<vmem>>, vector<3x4096xf32>,
    %swap3A_60 = arith.constant 27 : index
    %swap3A_61 = arith.constant 0 : index
    %swap3A_62 = vector.load %arg3[%swap3A_60, %swap3A_61] : memref<128x4096xf32, #tpu.memory_space<vmem>>, vector<3x4096xf32>
    tpu.vector_store %arg3[%swap3A_60, %swap3A_61], %sin3A_46 {strides = array<i32>} : memref<128x4096xf32, #tpu.memory_space<vmem>>, vector<3x4096xf32>,
    %swap3A_63 = arith.constant 18 : index
    %swap3A_64 = arith.constant 0 : index
    %swap3A_65 = vector.load %arg4[%swap3A_63, %swap3A_64] : memref<128x4096xf32, #tpu.memory_space<vmem>>, vector<3x4096xf32>
    tpu.vector_store %arg4[%swap3A_63, %swap3A_64], %cos3A_50 {strides = array<i32>} : memref<128x4096xf32, #tpu.memory_space<vmem>>, vector<3x4096xf32>,
    %swap3A_66 = arith.constant 21 : index
    %swap3A_67 = arith.constant 0 : index
    %swap3A_68 = vector.load %arg4[%swap3A_66, %swap3A_67] : memref<128x4096xf32, #tpu.memory_space<vmem>>, vector<3x4096xf32>
    tpu.vector_store %arg4[%swap3A_66, %swap3A_67], %sin3A_46 {strides = array<i32>} : memref<128x4096xf32, #tpu.memory_space<vmem>>, vector<3x4096xf32>,
    %swap3A_69 = arith.constant 24 : index
    %swap3A_70 = arith.constant 0 : index
    %swap3A_71 = vector.load %arg4[%swap3A_69, %swap3A_70] : memref<128x4096xf32, #tpu.memory_space<vmem>>, vector<3x4096xf32>
    tpu.vector_store %arg4[%swap3A_69, %swap3A_70], %cos3A_50 {strides = array<i32>} : memref<128x4096xf32, #tpu.memory_space<vmem>>, vector<3x4096xf32>,
    %swap3A_72 = arith.constant 27 : index
    %swap3A_73 = arith.constant 0 : index
    %swap3A_74 = vector.load %arg4[%swap3A_72, %swap3A_73] : memref<128x4096xf32, #tpu.memory_space<vmem>>, vector<3x4096xf32>
    tpu.vector_store %arg4[%swap3A_72, %swap3A_73], %sin3A_46 {strides = array<i32>} : memref<128x4096xf32, #tpu.memory_space<vmem>>, vector<3x4096xf32>,
    %mul3A_75 = arith.constant 1.650000e+01 : f32
    %mul3A_76 = vector.broadcast %mul3A_75 : f32 to vector<3x4096xf32>
    %mul3A_77 = arith.mulf %get3A_1, %mul3A_76 : vector<3x4096xf32>
    %sin3A_78 = math.sin %mul3A_77 : vector<3x4096xf32>
    %mul3A_79 = arith.constant 1.650000e+01 : f32
    %mul3A_80 = vector.broadcast %mul3A_79 : f32 to vector<3x4096xf32>
    %mul3A_81 = arith.mulf %get3A_1, %mul3A_80 : vector<3x4096xf32>
    %cos3A_82 = math.cos %mul3A_81 : vector<3x4096xf32>
    %swap3A_83 = arith.constant 30 : index
    %swap3A_84 = arith.constant 0 : index
    %swap3A_85 = vector.load %arg3[%swap3A_83, %swap3A_84] : memref<128x4096xf32, #tpu.memory_space<vmem>>, vector<3x4096xf32>
    tpu.vector_store %arg3[%swap3A_83, %swap3A_84], %sin3A_78 {strides = array<i32>} : memref<128x4096xf32, #tpu.memory_space<vmem>>, vector<3x4096xf32>,
    %swap3A_86 = arith.constant 33 : index
    %swap3A_87 = arith.constant 0 : index
    %swap3A_88 = vector.load %arg3[%swap3A_86, %swap3A_87] : memref<128x4096xf32, #tpu.memory_space<vmem>>, vector<3x4096xf32>
    tpu.vector_store %arg3[%swap3A_86, %swap3A_87], %cos3A_82 {strides = array<i32>} : memref<128x4096xf32, #tpu.memory_space<vmem>>, vector<3x4096xf32>,
    %swap3A_89 = arith.constant 36 : index
    %swap3A_90 = arith.constant 0 : index
    %swap3A_91 = vector.load %arg3[%swap3A_89, %swap3A_90] : memref<128x4096xf32, #tpu.memory_space<vmem>>, vector<3x4096xf32>
    tpu.vector_store %arg3[%swap3A_89, %swap3A_90], %cos3A_82 {strides = array<i32>} : memref<128x4096xf32, #tpu.memory_space<vmem>>, vector<3x4096xf32>,
    %swap3A_92 = arith.constant 39 : index
    %swap3A_93 = arith.constant 0 : index
    %swap3A_94 = vector.load %arg3[%swap3A_92, %swap3A_93] : memref<128x4096xf32, #tpu.memory_space<vmem>>, vector<3x4096xf32>
    tpu.vector_store %arg3[%swap3A_92, %swap3A_93], %sin3A_78 {strides = array<i32>} : memref<128x4096xf32, #tpu.memory_space<vmem>>, vector<3x4096xf32>,
    %swap3A_95 = arith.constant 30 : index
    %swap3A_96 = arith.constant 0 : index
    %swap3A_97 = vector.load %arg4[%swap3A_95, %swap3A_96] : memref<128x4096xf32, #tpu.memory_space<vmem>>, vector<3x4096xf32>
    tpu.vector_store %arg4[%swap3A_95, %swap3A_96], %cos3A_82 {strides = array<i32>} : memref<128x4096xf32, #tpu.memory_space<vmem>>, vector<3x4096xf32>,
    %swap3A_98 = arith.constant 33 : index
    %swap3A_99 = arith.constant 0 : index
    %swap3A_100 = vector.load %arg4[%swap3A_98, %swap3A_99] : memref<128x4096xf32, #tpu.memory_space<vmem>>, vector<3x4096xf32>
    tpu.vector_store %arg4[%swap3A_98, %swap3A_99], %sin3A_78 {strides = array<i32>} : memref<128x4096xf32, #tpu.memory_space<vmem>>, vector<3x4096xf32>,
    %swap3A_101 = arith.constant 36 : index
    %swap3A_102 = arith.constant 0 : index
    %swap3A_103 = vector.load %arg4[%swap3A_101, %swap3A_102] : memref<128x4096xf32, #tpu.memory_space<vmem>>, vector<3x4096xf32>
    tpu.vector_store %arg4[%swap3A_101, %swap3A_102], %cos3A_82 {strides = array<i32>} : memref<128x4096xf32, #tpu.memory_space<vmem>>, vector<3x4096xf32>,
    %swap3A_104 = arith.constant 39 : index
    %swap3A_105 = arith.constant 0 : index
    %swap3A_106 = vector.load %arg4[%swap3A_104, %swap3A_105] : memref<128x4096xf32, #tpu.memory_space<vmem>>, vector<3x4096xf32>
    tpu.vector_store %arg4[%swap3A_104, %swap3A_105], %sin3A_78 {strides = array<i32>} : memref<128x4096xf32, #tpu.memory_space<vmem>>, vector<3x4096xf32>,
    %mul3A_107 = arith.constant 2.425000e+01 : f32
    %mul3A_108 = vector.broadcast %mul3A_107 : f32 to vector<3x4096xf32>
    %mul3A_109 = arith.mulf %get3A_1, %mul3A_108 : vector<3x4096xf32>
    %sin3A_110 = math.sin %mul3A_109 : vector<3x4096xf32>
    %mul3A_111 = arith.constant 2.425000e+01 : f32
    %mul3A_112 = vector.broadcast %mul3A_111 : f32 to vector<3x4096xf32>
    %mul3A_113 = arith.mulf %get3A_1, %mul3A_112 : vector<3x4096xf32>
    %cos3A_114 = math.cos %mul3A_113 : vector<3x4096xf32>
    %swap3A_115 = arith.constant 42 : index
    %swap3A_116 = arith.constant 0 : index
    %swap3A_117 = vector.load %arg3[%swap3A_115, %swap3A_116] : memref<128x4096xf32, #tpu.memory_space<vmem>>, vector<3x4096xf32>
    tpu.vector_store %arg3[%swap3A_115, %swap3A_116], %sin3A_110 {strides = array<i32>} : memref<128x4096xf32, #tpu.memory_space<vmem>>, vector<3x4096xf32>,
    %swap3A_118 = arith.constant 45 : index
    %swap3A_119 = arith.constant 0 : index
    %swap3A_120 = vector.load %arg3[%swap3A_118, %swap3A_119] : memref<128x4096xf32, #tpu.memory_space<vmem>>, vector<3x4096xf32>
    tpu.vector_store %arg3[%swap3A_118, %swap3A_119], %cos3A_114 {strides = array<i32>} : memref<128x4096xf32, #tpu.memory_space<vmem>>, vector<3x4096xf32>,
    %swap3A_121 = arith.constant 48 : index
    %swap3A_122 = arith.constant 0 : index
    %swap3A_123 = vector.load %arg3[%swap3A_121, %swap3A_122] : memref<128x4096xf32, #tpu.memory_space<vmem>>, vector<3x4096xf32>
    tpu.vector_store %arg3[%swap3A_121, %swap3A_122], %cos3A_114 {strides = array<i32>} : memref<128x4096xf32, #tpu.memory_space<vmem>>, vector<3x4096xf32>,
    %swap3A_124 = arith.constant 51 : index
    %swap3A_125 = arith.constant 0 : index
    %swap3A_126 = vector.load %arg3[%swap3A_124, %swap3A_125] : memref<128x4096xf32, #tpu.memory_space<vmem>>, vector<3x4096xf32>
    tpu.vector_store %arg3[%swap3A_124, %swap3A_125], %sin3A_110 {strides = array<i32>} : memref<128x4096xf32, #tpu.memory_space<vmem>>, vector<3x4096xf32>,
    %swap3A_127 = arith.constant 42 : index
    %swap3A_128 = arith.constant 0 : index
    %swap3A_129 = vector.load %arg4[%swap3A_127, %swap3A_128] : memref<128x4096xf32, #tpu.memory_space<vmem>>, vector<3x4096xf32>
    tpu.vector_store %arg4[%swap3A_127, %swap3A_128], %cos3A_114 {strides = array<i32>} : memref<128x4096xf32, #tpu.memory_space<vmem>>, vector<3x4096xf32>,
    %swap3A_130 = arith.constant 45 : index
    %swap3A_131 = arith.constant 0 : index
    %swap3A_132 = vector.load %arg4[%swap3A_130, %swap3A_131] : memref<128x4096xf32, #tpu.memory_space<vmem>>, vector<3x4096xf32>
    tpu.vector_store %arg4[%swap3A_130, %swap3A_131], %sin3A_110 {strides = array<i32>} : memref<128x4096xf32, #tpu.memory_space<vmem>>, vector<3x4096xf32>,
    %swap3A_133 = arith.constant 48 : index
    %swap3A_134 = arith.constant 0 : index
    %swap3A_135 = vector.load %arg4[%swap3A_133, %swap3A_134] : memref<128x4096xf32, #tpu.memory_space<vmem>>, vector<3x4096xf32>
    tpu.vector_store %arg4[%swap3A_133, %swap3A_134], %cos3A_114 {strides = array<i32>} : memref<128x4096xf32, #tpu.memory_space<vmem>>, vector<3x4096xf32>,
    %swap3A_136 = arith.constant 51 : index
    %swap3A_137 = arith.constant 0 : index
    %swap3A_138 = vector.load %arg4[%swap3A_136, %swap3A_137] : memref<128x4096xf32, #tpu.memory_space<vmem>>, vector<3x4096xf32>
    tpu.vector_store %arg4[%swap3A_136, %swap3A_137], %sin3A_110 {strides = array<i32>} : memref<128x4096xf32, #tpu.memory_space<vmem>>, vector<3x4096xf32>,
    %mul3A_139 = arith.constant 3.200000e+01 : f32
    %mul3A_140 = vector.broadcast %mul3A_139 : f32 to vector<3x4096xf32>
    %mul3A_141 = arith.mulf %get3A_1, %mul3A_140 : vector<3x4096xf32>
    %sin3A_142 = math.sin %mul3A_141 : vector<3x4096xf32>
    %mul3A_143 = arith.constant 3.200000e+01 : f32
    %mul3A_144 = vector.broadcast %mul3A_143 : f32 to vector<3x4096xf32>
    %mul3A_145 = arith.mulf %get3A_1, %mul3A_144 : vector<3x4096xf32>
    %cos3A_146 = math.cos %mul3A_145 : vector<3x4096xf32>
    %swap3A_147 = arith.constant 54 : index
    %swap3A_148 = arith.constant 0 : index
    %swap3A_149 = vector.load %arg3[%swap3A_147, %swap3A_148] : memref<128x4096xf32, #tpu.memory_space<vmem>>, vector<3x4096xf32>
    tpu.vector_store %arg3[%swap3A_147, %swap3A_148], %sin3A_142 {strides = array<i32>} : memref<128x4096xf32, #tpu.memory_space<vmem>>, vector<3x4096xf32>,
    %swap3A_150 = arith.constant 57 : index
    %swap3A_151 = arith.constant 0 : index
    %swap3A_152 = vector.load %arg3[%swap3A_150, %swap3A_151] : memref<128x4096xf32, #tpu.memory_space<vmem>>, vector<3x4096xf32>
    tpu.vector_store %arg3[%swap3A_150, %swap3A_151], %cos3A_146 {strides = array<i32>} : memref<128x4096xf32, #tpu.memory_space<vmem>>, vector<3x4096xf32>,
    %swap3A_153 = arith.constant 60 : index
    %swap3A_154 = arith.constant 0 : index
    %swap3A_155 = vector.load %arg3[%swap3A_153, %swap3A_154] : memref<128x4096xf32, #tpu.memory_space<vmem>>, vector<3x4096xf32>
    tpu.vector_store %arg3[%swap3A_153, %swap3A_154], %cos3A_146 {strides = array<i32>} : memref<128x4096xf32, #tpu.memory_space<vmem>>, vector<3x4096xf32>,
    %swap3A_156 = arith.constant 63 : index
    %swap3A_157 = arith.constant 0 : index
    %swap3A_158 = vector.load %arg3[%swap3A_156, %swap3A_157] : memref<128x4096xf32, #tpu.memory_space<vmem>>, vector<3x4096xf32>
    tpu.vector_store %arg3[%swap3A_156, %swap3A_157], %sin3A_142 {strides = array<i32>} : memref<128x4096xf32, #tpu.memory_space<vmem>>, vector<3x4096xf32>,
    %swap3A_159 = arith.constant 54 : index
    %swap3A_160 = arith.constant 0 : index
    %swap3A_161 = vector.load %arg4[%swap3A_159, %swap3A_160] : memref<128x4096xf32, #tpu.memory_space<vmem>>, vector<3x4096xf32>
    tpu.vector_store %arg4[%swap3A_159, %swap3A_160], %cos3A_146 {strides = array<i32>} : memref<128x4096xf32, #tpu.memory_space<vmem>>, vector<3x4096xf32>,
    %swap3A_162 = arith.constant 57 : index
    %swap3A_163 = arith.constant 0 : index
    %swap3A_164 = vector.load %arg4[%swap3A_162, %swap3A_163] : memref<128x4096xf32, #tpu.memory_space<vmem>>, vector<3x4096xf32>
    tpu.vector_store %arg4[%swap3A_162, %swap3A_163], %sin3A_142 {strides = array<i32>} : memref<128x4096xf32, #tpu.memory_space<vmem>>, vector<3x4096xf32>,
    %swap3A_165 = arith.constant 60 : index
    %swap3A_166 = arith.constant 0 : index
    %swap3A_167 = vector.load %arg4[%swap3A_165, %swap3A_166] : memref<128x4096xf32, #tpu.memory_space<vmem>>, vector<3x4096xf32>
    tpu.vector_store %arg4[%swap3A_165, %swap3A_166], %cos3A_146 {strides = array<i32>} : memref<128x4096xf32, #tpu.memory_space<vmem>>, vector<3x4096xf32>,
    %swap3A_168 = arith.constant 63 : index
    %swap3A_169 = arith.constant 0 : index
    %swap3A_170 = vector.load %arg4[%swap3A_168, %swap3A_169] : memref<128x4096xf32, #tpu.memory_space<vmem>>, vector<3x4096xf32>
    tpu.vector_store %arg4[%swap3A_168, %swap3A_169], %sin3A_142 {strides = array<i32>} : memref<128x4096xf32, #tpu.memory_space<vmem>>, vector<3x4096xf32>,
    %broadcast_in_dim3A_171 = arith.constant 0.000000e+00 : f32
    %broadcast_in_dim3A_172 = vector.broadcast %broadcast_in_dim3A_171 : f32 to vector<62x4096xf32>
    %swap3A_173 = arith.constant 66 : index
    %swap3A_174 = arith.constant 0 : index
    %swap3A_175 = vector.load %arg3[%swap3A_173, %swap3A_174] : memref<128x4096xf32, #tpu.memory_space<vmem>>, vector<62x4096xf32>
    tpu.vector_store %arg3[%swap3A_173, %swap3A_174], %broadcast_in_dim3A_172 {strides = array<i32>} : memref<128x4096xf32, #tpu.memory_space<vmem>>, vector<62x4096xf32>,
    %swap3A_176 = arith.constant 66 : index
    %swap3A_177 = arith.constant 0 : index
    %swap3A_178 = vector.load %arg4[%swap3A_176, %swap3A_177] : memref<128x4096xf32, #tpu.memory_space<vmem>>, vector<62x4096xf32>
    tpu.vector_store %arg4[%swap3A_176, %swap3A_177], %broadcast_in_dim3A_172 {strides = array<i32>} : memref<128x4096xf32, #tpu.memory_space<vmem>>, vector<62x4096xf32>,
    %get3A_179 = arith.constant 0 : index
    %get3A_180 = arith.constant 0 : index
    %get3A_181 = vector.load %arg3[%get3A_179, %get3A_180] : memref<128x4096xf32, #tpu.memory_space<vmem>>, vector<128x4096xf32>
    %transpose3A = tpu.transpose %get3A_181, [1, 0] : vector<128x4096xf32> -> vector<4096x128xf32>
    %swap3A_182 = arith.constant 0 : index
    %swap3A_183 = arith.constant 0 : index
    %swap3A_184 = vector.load %arg1[%swap3A_182, %swap3A_183] : memref<4096x128xf32, #tpu.memory_space<vmem>>, vector<4096x128xf32>
    tpu.vector_store %arg1[%swap3A_182, %swap3A_183], %transpose3A {strides = array<i32>} : memref<4096x128xf32, #tpu.memory_space<vmem>>, vector<4096x128xf32>,
    %get3A_185 = arith.constant 0 : index
    %get3A_186 = arith.constant 0 : index
    %get3A_187 = vector.load %arg4[%get3A_185, %get3A_186] : memref<128x4096xf32, #tpu.memory_space<vmem>>, vector<128x4096xf32>
    %transpose3A_188 = tpu.transpose %get3A_187, [1, 0] : vector<128x4096xf32> -> vector<4096x128xf32>
    %swap3A_189 = arith.constant 0 : index
    %swap3A_190 = arith.constant 0 : index
    %swap3A_191 = vector.load %arg2[%swap3A_189, %swap3A_190] : memref<4096x128xf32, #tpu.memory_space<vmem>>, vector<4096x128xf32>
    tpu.vector_store %arg2[%swap3A_189, %swap3A_190], %transpose3A_188 {strides = array<i32>} : memref<4096x128xf32, #tpu.memory_space<vmem>>, vector<4096x128xf32>,
    return
  }
}

module attributes {stable_mosaic.version = 14 : i64} {
  func.func @_knn_body(%arg0: i32, %arg1: memref<1x1024x3xf32, #tpu.memory_space<vmem>>, %arg2: memref<1x3x1024xf32, #tpu.memory_space<vmem>>, %arg3: memref<1024x16xi32, #tpu.memory_space<vmem>>) attributes {dimension_semantics = [#tpu.dimension_semantics<arbitrary>], iteration_bounds = array<i64: 2>, scalar_prefetch = 0 : i64, scratch_operands = 0 : i64, tpu.core_type = #tpu.core_type<tc>, window_params = [{transform_indices = @transform_0, window_bounds = array<i64: 1, 1024, 3>}, {transform_indices = @transform_1, window_bounds = array<i64: 1, 3, 1024>}, {transform_indices = @transform_2, window_bounds = array<i64: 1024, 16>}]} {
    %jit3A = arith.constant 1 : i32
    %div3A = arith.divsi %arg0, %jit3A : i32
    %sign3A = arith.constant 0 : i32
    %sign3A_0 = arith.cmpi sgt, %arg0, %sign3A : i32
    %sign3A_1 = arith.extui %sign3A_0 : i1 to i32
    %sign3A_2 = arith.constant 0 : i32
    %sign3A_3 = arith.cmpi slt, %arg0, %sign3A_2 : i32
    %sign3A_4 = arith.extui %sign3A_3 : i1 to i32
    %sign3A_5 = arith.subi %sign3A_1, %sign3A_4 : i32
    %sign3A_6 = arith.constant 0 : i32
    %sign3A_7 = arith.cmpi sgt, %jit3A, %sign3A_6 : i32
    %sign3A_8 = arith.extui %sign3A_7 : i1 to i32
    %sign3A_9 = arith.constant 0 : i32
    %sign3A_10 = arith.cmpi slt, %jit3A, %sign3A_9 : i32
    %sign3A_11 = arith.extui %sign3A_10 : i1 to i32
    %sign3A_12 = arith.subi %sign3A_8, %sign3A_11 : i32
    %ne3A = arith.cmpi ne, %sign3A_5, %sign3A_12 : i32
    %rem3A = arith.remsi %arg0, %jit3A : i32
    %ne3A_13 = arith.constant 0 : i32
    %ne3A_14 = arith.cmpi ne, %rem3A, %ne3A_13 : i32
    %and3A = arith.andi %ne3A, %ne3A_14 : i1
    %sub3A = arith.constant 1 : i32
    %sub3A_15 = arith.subi %div3A, %sub3A : i32
    %select_n3A = arith.select %and3A, %sub3A_15, %div3A : i32
    %add3A = arith.constant 2 : i32
    %add3A_16 = arith.addi %select_n3A, %add3A : i32
    %get3A = arith.constant 0 : index
    %get3A_17 = arith.constant 0 : index
    %get3A_18 = arith.constant 0 : index
    %get3A_19 = vector.load %arg1[%get3A, %get3A_17, %get3A_18] : memref<1x1024x3xf32, #tpu.memory_space<vmem>>, vector<1x1024x3xf32>
    %get3A_20 = vector.shape_cast %get3A_19 : vector<1x1024x3xf32> to vector<1024x3xf32>
    %get3A_21 = arith.constant 0 : index
    %get3A_22 = arith.constant 0 : index
    %get3A_23 = arith.constant 0 : index
    %get3A_24 = vector.load %arg2[%get3A_21, %get3A_22, %get3A_23] : memref<1x3x1024xf32, #tpu.memory_space<vmem>>, vector<1x3x1024xf32>
    %get3A_25 = vector.shape_cast %get3A_24 : vector<1x3x1024xf32> to vector<3x1024xf32>
    %broadcast_in_dim3A = arith.constant 0.000000e+00 : f32
    %broadcast_in_dim3A_26 = vector.broadcast %broadcast_in_dim3A : f32 to vector<1024x1024xf32>
    %slice3A = vector.extract_strided_slice %get3A_20 {offsets = [0, 0], sizes = [1024, 1], strides = [1, 1]} : vector<1024x3xf32> to vector<1024x1xf32>
    %slice3A_27 = vector.extract_strided_slice %get3A_25 {offsets = [0, 0], sizes = [1, 1024], strides = [1, 1]} : vector<3x1024xf32> to vector<1x1024xf32>
    %sub3A_28 = vector.broadcast %slice3A : vector<1024x1xf32> to vector<1024x1024xf32>
    %sub3A_29 = vector.broadcast %slice3A_27 : vector<1x1024xf32> to vector<1024x1024xf32>
    %sub3A_30 = arith.subf %sub3A_28, %sub3A_29 : vector<1024x1024xf32>
    %mul3A = arith.mulf %sub3A_30, %sub3A_30 : vector<1024x1024xf32>
    %add3A_31 = arith.addf %broadcast_in_dim3A_26, %mul3A : vector<1024x1024xf32>
    %slice3A_32 = vector.extract_strided_slice %get3A_20 {offsets = [0, 1], sizes = [1024, 1], strides = [1, 1]} : vector<1024x3xf32> to vector<1024x1xf32>
    %slice3A_33 = vector.extract_strided_slice %get3A_25 {offsets = [1, 0], sizes = [1, 1024], strides = [1, 1]} : vector<3x1024xf32> to vector<1x1024xf32>
    %sub3A_34 = vector.broadcast %slice3A_32 : vector<1024x1xf32> to vector<1024x1024xf32>
    %sub3A_35 = vector.broadcast %slice3A_33 : vector<1x1024xf32> to vector<1024x1024xf32>
    %sub3A_36 = arith.subf %sub3A_34, %sub3A_35 : vector<1024x1024xf32>
    %mul3A_37 = arith.mulf %sub3A_36, %sub3A_36 : vector<1024x1024xf32>
    %add3A_38 = arith.addf %add3A_31, %mul3A_37 : vector<1024x1024xf32>
    %slice3A_39 = vector.extract_strided_slice %get3A_20 {offsets = [0, 2], sizes = [1024, 1], strides = [1, 1]} : vector<1024x3xf32> to vector<1024x1xf32>
    %slice3A_40 = vector.extract_strided_slice %get3A_25 {offsets = [2, 0], sizes = [1, 1024], strides = [1, 1]} : vector<3x1024xf32> to vector<1x1024xf32>
    %sub3A_41 = vector.broadcast %slice3A_39 : vector<1024x1xf32> to vector<1024x1024xf32>
    %sub3A_42 = vector.broadcast %slice3A_40 : vector<1x1024xf32> to vector<1024x1024xf32>
    %sub3A_43 = arith.subf %sub3A_41, %sub3A_42 : vector<1024x1024xf32>
    %mul3A_44 = arith.mulf %sub3A_43, %sub3A_43 : vector<1024x1024xf32>
    %add3A_45 = arith.addf %add3A_38, %mul3A_44 : vector<1024x1024xf32>
    %bitcast_convert_type3A = tpu.bitcast %add3A_45 : vector<1024x1024xf32> -> vector<1024x1024xi32>
    %iota3A = tpu.iota {dimensions = array<i32: 1>} : vector<1024x1024xi32>
    %and3A_46 = arith.constant -1024 : i32
    %and3A_47 = vector.broadcast %and3A_46 : i32 to vector<1024x1024xi32>
    %and3A_48 = arith.andi %bitcast_convert_type3A, %and3A_47 : vector<1024x1024xi32>
    %or3A = arith.ori %and3A_48, %iota3A : vector<1024x1024xi32>
    %mul3A_49 = arith.constant 1024 : i32
    %mul3A_50 = arith.muli %add3A_16, %mul3A_49 : i32
    %reduce_min3A = arith.constant dense<2147483647> : vector<1024xi32>
    %reduce_min3A_51 = vector.multi_reduction <minsi>, %or3A, %reduce_min3A [1] : vector<1024x1024xi32> to vector<1024xi32>
    %broadcast_in_dim3A_52 = vector.shape_cast %reduce_min3A_51 : vector<1024xi32> to vector<1024x1xi32>
    %and3A_53 = arith.constant 1023 : i32
    %and3A_54 = vector.broadcast %and3A_53 : i32 to vector<1024x1xi32>
    %and3A_55 = arith.andi %broadcast_in_dim3A_52, %and3A_54 : vector<1024x1xi32>
    %add3A_56 = vector.broadcast %mul3A_50 : i32 to vector<1024x1xi32>
    %add3A_57 = arith.addi %and3A_55, %add3A_56 : vector<1024x1xi32>
    %eq3A = vector.broadcast %broadcast_in_dim3A_52 : vector<1024x1xi32> to vector<1024x1024xi32>
    %eq3A_58 = arith.cmpi eq, %or3A, %eq3A : vector<1024x1024xi32>
    %jit3A_59 = arith.constant 2147483647 : i32
    %broadcast_in_dim3A_60 = vector.broadcast %jit3A_59 : i32 to vector<1024x1024xi32>
    %select_n3A_61 = arith.select %eq3A_58, %broadcast_in_dim3A_60, %or3A : vector<1024x1024xi1>, vector<1024x1024xi32>
    %reduce_min3A_62 = arith.constant dense<2147483647> : vector<1024xi32>
    %reduce_min3A_63 = vector.multi_reduction <minsi>, %select_n3A_61, %reduce_min3A_62 [1] : vector<1024x1024xi32> to vector<1024xi32>
    %broadcast_in_dim3A_64 = vector.shape_cast %reduce_min3A_63 : vector<1024xi32> to vector<1024x1xi32>
    %and3A_65 = arith.constant 1023 : i32
    %and3A_66 = vector.broadcast %and3A_65 : i32 to vector<1024x1xi32>
    %and3A_67 = arith.andi %broadcast_in_dim3A_64, %and3A_66 : vector<1024x1xi32>
    %add3A_68 = vector.broadcast %mul3A_50 : i32 to vector<1024x1xi32>
    %add3A_69 = arith.addi %and3A_67, %add3A_68 : vector<1024x1xi32>
    %eq3A_70 = vector.broadcast %broadcast_in_dim3A_64 : vector<1024x1xi32> to vector<1024x1024xi32>
    %eq3A_71 = arith.cmpi eq, %select_n3A_61, %eq3A_70 : vector<1024x1024xi32>
    %jit3A_72 = arith.constant 2147483647 : i32
    %broadcast_in_dim3A_73 = vector.broadcast %jit3A_72 : i32 to vector<1024x1024xi32>
    %select_n3A_74 = arith.select %eq3A_71, %broadcast_in_dim3A_73, %select_n3A_61 : vector<1024x1024xi1>, vector<1024x1024xi32>
    %reduce_min3A_75 = arith.constant dense<2147483647> : vector<1024xi32>
    %reduce_min3A_76 = vector.multi_reduction <minsi>, %select_n3A_74, %reduce_min3A_75 [1] : vector<1024x1024xi32> to vector<1024xi32>
    %broadcast_in_dim3A_77 = vector.shape_cast %reduce_min3A_76 : vector<1024xi32> to vector<1024x1xi32>
    %and3A_78 = arith.constant 1023 : i32
    %and3A_79 = vector.broadcast %and3A_78 : i32 to vector<1024x1xi32>
    %and3A_80 = arith.andi %broadcast_in_dim3A_77, %and3A_79 : vector<1024x1xi32>
    %add3A_81 = vector.broadcast %mul3A_50 : i32 to vector<1024x1xi32>
    %add3A_82 = arith.addi %and3A_80, %add3A_81 : vector<1024x1xi32>
    %eq3A_83 = vector.broadcast %broadcast_in_dim3A_77 : vector<1024x1xi32> to vector<1024x1024xi32>
    %eq3A_84 = arith.cmpi eq, %select_n3A_74, %eq3A_83 : vector<1024x1024xi32>
    %jit3A_85 = arith.constant 2147483647 : i32
    %broadcast_in_dim3A_86 = vector.broadcast %jit3A_85 : i32 to vector<1024x1024xi32>
    %select_n3A_87 = arith.select %eq3A_84, %broadcast_in_dim3A_86, %select_n3A_74 : vector<1024x1024xi1>, vector<1024x1024xi32>
    %reduce_min3A_88 = arith.constant dense<2147483647> : vector<1024xi32>
    %reduce_min3A_89 = vector.multi_reduction <minsi>, %select_n3A_87, %reduce_min3A_88 [1] : vector<1024x1024xi32> to vector<1024xi32>
    %broadcast_in_dim3A_90 = vector.shape_cast %reduce_min3A_89 : vector<1024xi32> to vector<1024x1xi32>
    %and3A_91 = arith.constant 1023 : i32
    %and3A_92 = vector.broadcast %and3A_91 : i32 to vector<1024x1xi32>
    %and3A_93 = arith.andi %broadcast_in_dim3A_90, %and3A_92 : vector<1024x1xi32>
    %add3A_94 = vector.broadcast %mul3A_50 : i32 to vector<1024x1xi32>
    %add3A_95 = arith.addi %and3A_93, %add3A_94 : vector<1024x1xi32>
    %eq3A_96 = vector.broadcast %broadcast_in_dim3A_90 : vector<1024x1xi32> to vector<1024x1024xi32>
    %eq3A_97 = arith.cmpi eq, %select_n3A_87, %eq3A_96 : vector<1024x1024xi32>
    %jit3A_98 = arith.constant 2147483647 : i32
    %broadcast_in_dim3A_99 = vector.broadcast %jit3A_98 : i32 to vector<1024x1024xi32>
    %select_n3A_100 = arith.select %eq3A_97, %broadcast_in_dim3A_99, %select_n3A_87 : vector<1024x1024xi1>, vector<1024x1024xi32>
    %reduce_min3A_101 = arith.constant dense<2147483647> : vector<1024xi32>
    %reduce_min3A_102 = vector.multi_reduction <minsi>, %select_n3A_100, %reduce_min3A_101 [1] : vector<1024x1024xi32> to vector<1024xi32>
    %broadcast_in_dim3A_103 = vector.shape_cast %reduce_min3A_102 : vector<1024xi32> to vector<1024x1xi32>
    %and3A_104 = arith.constant 1023 : i32
    %and3A_105 = vector.broadcast %and3A_104 : i32 to vector<1024x1xi32>
    %and3A_106 = arith.andi %broadcast_in_dim3A_103, %and3A_105 : vector<1024x1xi32>
    %add3A_107 = vector.broadcast %mul3A_50 : i32 to vector<1024x1xi32>
    %add3A_108 = arith.addi %and3A_106, %add3A_107 : vector<1024x1xi32>
    %eq3A_109 = vector.broadcast %broadcast_in_dim3A_103 : vector<1024x1xi32> to vector<1024x1024xi32>
    %eq3A_110 = arith.cmpi eq, %select_n3A_100, %eq3A_109 : vector<1024x1024xi32>
    %jit3A_111 = arith.constant 2147483647 : i32
    %broadcast_in_dim3A_112 = vector.broadcast %jit3A_111 : i32 to vector<1024x1024xi32>
    %select_n3A_113 = arith.select %eq3A_110, %broadcast_in_dim3A_112, %select_n3A_100 : vector<1024x1024xi1>, vector<1024x1024xi32>
    %reduce_min3A_114 = arith.constant dense<2147483647> : vector<1024xi32>
    %reduce_min3A_115 = vector.multi_reduction <minsi>, %select_n3A_113, %reduce_min3A_114 [1] : vector<1024x1024xi32> to vector<1024xi32>
    %broadcast_in_dim3A_116 = vector.shape_cast %reduce_min3A_115 : vector<1024xi32> to vector<1024x1xi32>
    %and3A_117 = arith.constant 1023 : i32
    %and3A_118 = vector.broadcast %and3A_117 : i32 to vector<1024x1xi32>
    %and3A_119 = arith.andi %broadcast_in_dim3A_116, %and3A_118 : vector<1024x1xi32>
    %add3A_120 = vector.broadcast %mul3A_50 : i32 to vector<1024x1xi32>
    %add3A_121 = arith.addi %and3A_119, %add3A_120 : vector<1024x1xi32>
    %eq3A_122 = vector.broadcast %broadcast_in_dim3A_116 : vector<1024x1xi32> to vector<1024x1024xi32>
    %eq3A_123 = arith.cmpi eq, %select_n3A_113, %eq3A_122 : vector<1024x1024xi32>
    %jit3A_124 = arith.constant 2147483647 : i32
    %broadcast_in_dim3A_125 = vector.broadcast %jit3A_124 : i32 to vector<1024x1024xi32>
    %select_n3A_126 = arith.select %eq3A_123, %broadcast_in_dim3A_125, %select_n3A_113 : vector<1024x1024xi1>, vector<1024x1024xi32>
    %reduce_min3A_127 = arith.constant dense<2147483647> : vector<1024xi32>
    %reduce_min3A_128 = vector.multi_reduction <minsi>, %select_n3A_126, %reduce_min3A_127 [1] : vector<1024x1024xi32> to vector<1024xi32>
    %broadcast_in_dim3A_129 = vector.shape_cast %reduce_min3A_128 : vector<1024xi32> to vector<1024x1xi32>
    %and3A_130 = arith.constant 1023 : i32
    %and3A_131 = vector.broadcast %and3A_130 : i32 to vector<1024x1xi32>
    %and3A_132 = arith.andi %broadcast_in_dim3A_129, %and3A_131 : vector<1024x1xi32>
    %add3A_133 = vector.broadcast %mul3A_50 : i32 to vector<1024x1xi32>
    %add3A_134 = arith.addi %and3A_132, %add3A_133 : vector<1024x1xi32>
    %eq3A_135 = vector.broadcast %broadcast_in_dim3A_129 : vector<1024x1xi32> to vector<1024x1024xi32>
    %eq3A_136 = arith.cmpi eq, %select_n3A_126, %eq3A_135 : vector<1024x1024xi32>
    %jit3A_137 = arith.constant 2147483647 : i32
    %broadcast_in_dim3A_138 = vector.broadcast %jit3A_137 : i32 to vector<1024x1024xi32>
    %select_n3A_139 = arith.select %eq3A_136, %broadcast_in_dim3A_138, %select_n3A_126 : vector<1024x1024xi1>, vector<1024x1024xi32>
    %reduce_min3A_140 = arith.constant dense<2147483647> : vector<1024xi32>
    %reduce_min3A_141 = vector.multi_reduction <minsi>, %select_n3A_139, %reduce_min3A_140 [1] : vector<1024x1024xi32> to vector<1024xi32>
    %broadcast_in_dim3A_142 = vector.shape_cast %reduce_min3A_141 : vector<1024xi32> to vector<1024x1xi32>
    %and3A_143 = arith.constant 1023 : i32
    %and3A_144 = vector.broadcast %and3A_143 : i32 to vector<1024x1xi32>
    %and3A_145 = arith.andi %broadcast_in_dim3A_142, %and3A_144 : vector<1024x1xi32>
    %add3A_146 = vector.broadcast %mul3A_50 : i32 to vector<1024x1xi32>
    %add3A_147 = arith.addi %and3A_145, %add3A_146 : vector<1024x1xi32>
    %eq3A_148 = vector.broadcast %broadcast_in_dim3A_142 : vector<1024x1xi32> to vector<1024x1024xi32>
    %eq3A_149 = arith.cmpi eq, %select_n3A_139, %eq3A_148 : vector<1024x1024xi32>
    %jit3A_150 = arith.constant 2147483647 : i32
    %broadcast_in_dim3A_151 = vector.broadcast %jit3A_150 : i32 to vector<1024x1024xi32>
    %select_n3A_152 = arith.select %eq3A_149, %broadcast_in_dim3A_151, %select_n3A_139 : vector<1024x1024xi1>, vector<1024x1024xi32>
    %reduce_min3A_153 = arith.constant dense<2147483647> : vector<1024xi32>
    %reduce_min3A_154 = vector.multi_reduction <minsi>, %select_n3A_152, %reduce_min3A_153 [1] : vector<1024x1024xi32> to vector<1024xi32>
    %broadcast_in_dim3A_155 = vector.shape_cast %reduce_min3A_154 : vector<1024xi32> to vector<1024x1xi32>
    %and3A_156 = arith.constant 1023 : i32
    %and3A_157 = vector.broadcast %and3A_156 : i32 to vector<1024x1xi32>
    %and3A_158 = arith.andi %broadcast_in_dim3A_155, %and3A_157 : vector<1024x1xi32>
    %add3A_159 = vector.broadcast %mul3A_50 : i32 to vector<1024x1xi32>
    %add3A_160 = arith.addi %and3A_158, %add3A_159 : vector<1024x1xi32>
    %eq3A_161 = vector.broadcast %broadcast_in_dim3A_155 : vector<1024x1xi32> to vector<1024x1024xi32>
    %eq3A_162 = arith.cmpi eq, %select_n3A_152, %eq3A_161 : vector<1024x1024xi32>
    %jit3A_163 = arith.constant 2147483647 : i32
    %broadcast_in_dim3A_164 = vector.broadcast %jit3A_163 : i32 to vector<1024x1024xi32>
    %select_n3A_165 = arith.select %eq3A_162, %broadcast_in_dim3A_164, %select_n3A_152 : vector<1024x1024xi1>, vector<1024x1024xi32>
    %reduce_min3A_166 = arith.constant dense<2147483647> : vector<1024xi32>
    %reduce_min3A_167 = vector.multi_reduction <minsi>, %select_n3A_165, %reduce_min3A_166 [1] : vector<1024x1024xi32> to vector<1024xi32>
    %broadcast_in_dim3A_168 = vector.shape_cast %reduce_min3A_167 : vector<1024xi32> to vector<1024x1xi32>
    %and3A_169 = arith.constant 1023 : i32
    %and3A_170 = vector.broadcast %and3A_169 : i32 to vector<1024x1xi32>
    %and3A_171 = arith.andi %broadcast_in_dim3A_168, %and3A_170 : vector<1024x1xi32>
    %add3A_172 = vector.broadcast %mul3A_50 : i32 to vector<1024x1xi32>
    %add3A_173 = arith.addi %and3A_171, %add3A_172 : vector<1024x1xi32>
    %eq3A_174 = vector.broadcast %broadcast_in_dim3A_168 : vector<1024x1xi32> to vector<1024x1024xi32>
    %eq3A_175 = arith.cmpi eq, %select_n3A_165, %eq3A_174 : vector<1024x1024xi32>
    %jit3A_176 = arith.constant 2147483647 : i32
    %broadcast_in_dim3A_177 = vector.broadcast %jit3A_176 : i32 to vector<1024x1024xi32>
    %select_n3A_178 = arith.select %eq3A_175, %broadcast_in_dim3A_177, %select_n3A_165 : vector<1024x1024xi1>, vector<1024x1024xi32>
    %reduce_min3A_179 = arith.constant dense<2147483647> : vector<1024xi32>
    %reduce_min3A_180 = vector.multi_reduction <minsi>, %select_n3A_178, %reduce_min3A_179 [1] : vector<1024x1024xi32> to vector<1024xi32>
    %broadcast_in_dim3A_181 = vector.shape_cast %reduce_min3A_180 : vector<1024xi32> to vector<1024x1xi32>
    %and3A_182 = arith.constant 1023 : i32
    %and3A_183 = vector.broadcast %and3A_182 : i32 to vector<1024x1xi32>
    %and3A_184 = arith.andi %broadcast_in_dim3A_181, %and3A_183 : vector<1024x1xi32>
    %add3A_185 = vector.broadcast %mul3A_50 : i32 to vector<1024x1xi32>
    %add3A_186 = arith.addi %and3A_184, %add3A_185 : vector<1024x1xi32>
    %eq3A_187 = vector.broadcast %broadcast_in_dim3A_181 : vector<1024x1xi32> to vector<1024x1024xi32>
    %eq3A_188 = arith.cmpi eq, %select_n3A_178, %eq3A_187 : vector<1024x1024xi32>
    %jit3A_189 = arith.constant 2147483647 : i32
    %broadcast_in_dim3A_190 = vector.broadcast %jit3A_189 : i32 to vector<1024x1024xi32>
    %select_n3A_191 = arith.select %eq3A_188, %broadcast_in_dim3A_190, %select_n3A_178 : vector<1024x1024xi1>, vector<1024x1024xi32>
    %reduce_min3A_192 = arith.constant dense<2147483647> : vector<1024xi32>
    %reduce_min3A_193 = vector.multi_reduction <minsi>, %select_n3A_191, %reduce_min3A_192 [1] : vector<1024x1024xi32> to vector<1024xi32>
    %broadcast_in_dim3A_194 = vector.shape_cast %reduce_min3A_193 : vector<1024xi32> to vector<1024x1xi32>
    %and3A_195 = arith.constant 1023 : i32
    %and3A_196 = vector.broadcast %and3A_195 : i32 to vector<1024x1xi32>
    %and3A_197 = arith.andi %broadcast_in_dim3A_194, %and3A_196 : vector<1024x1xi32>
    %add3A_198 = vector.broadcast %mul3A_50 : i32 to vector<1024x1xi32>
    %add3A_199 = arith.addi %and3A_197, %add3A_198 : vector<1024x1xi32>
    %eq3A_200 = vector.broadcast %broadcast_in_dim3A_194 : vector<1024x1xi32> to vector<1024x1024xi32>
    %eq3A_201 = arith.cmpi eq, %select_n3A_191, %eq3A_200 : vector<1024x1024xi32>
    %jit3A_202 = arith.constant 2147483647 : i32
    %broadcast_in_dim3A_203 = vector.broadcast %jit3A_202 : i32 to vector<1024x1024xi32>
    %select_n3A_204 = arith.select %eq3A_201, %broadcast_in_dim3A_203, %select_n3A_191 : vector<1024x1024xi1>, vector<1024x1024xi32>
    %reduce_min3A_205 = arith.constant dense<2147483647> : vector<1024xi32>
    %reduce_min3A_206 = vector.multi_reduction <minsi>, %select_n3A_204, %reduce_min3A_205 [1] : vector<1024x1024xi32> to vector<1024xi32>
    %broadcast_in_dim3A_207 = vector.shape_cast %reduce_min3A_206 : vector<1024xi32> to vector<1024x1xi32>
    %and3A_208 = arith.constant 1023 : i32
    %and3A_209 = vector.broadcast %and3A_208 : i32 to vector<1024x1xi32>
    %and3A_210 = arith.andi %broadcast_in_dim3A_207, %and3A_209 : vector<1024x1xi32>
    %add3A_211 = vector.broadcast %mul3A_50 : i32 to vector<1024x1xi32>
    %add3A_212 = arith.addi %and3A_210, %add3A_211 : vector<1024x1xi32>
    %eq3A_213 = vector.broadcast %broadcast_in_dim3A_207 : vector<1024x1xi32> to vector<1024x1024xi32>
    %eq3A_214 = arith.cmpi eq, %select_n3A_204, %eq3A_213 : vector<1024x1024xi32>
    %jit3A_215 = arith.constant 2147483647 : i32
    %broadcast_in_dim3A_216 = vector.broadcast %jit3A_215 : i32 to vector<1024x1024xi32>
    %select_n3A_217 = arith.select %eq3A_214, %broadcast_in_dim3A_216, %select_n3A_204 : vector<1024x1024xi1>, vector<1024x1024xi32>
    %reduce_min3A_218 = arith.constant dense<2147483647> : vector<1024xi32>
    %reduce_min3A_219 = vector.multi_reduction <minsi>, %select_n3A_217, %reduce_min3A_218 [1] : vector<1024x1024xi32> to vector<1024xi32>
    %broadcast_in_dim3A_220 = vector.shape_cast %reduce_min3A_219 : vector<1024xi32> to vector<1024x1xi32>
    %and3A_221 = arith.constant 1023 : i32
    %and3A_222 = vector.broadcast %and3A_221 : i32 to vector<1024x1xi32>
    %and3A_223 = arith.andi %broadcast_in_dim3A_220, %and3A_222 : vector<1024x1xi32>
    %add3A_224 = vector.broadcast %mul3A_50 : i32 to vector<1024x1xi32>
    %add3A_225 = arith.addi %and3A_223, %add3A_224 : vector<1024x1xi32>
    %eq3A_226 = vector.broadcast %broadcast_in_dim3A_220 : vector<1024x1xi32> to vector<1024x1024xi32>
    %eq3A_227 = arith.cmpi eq, %select_n3A_217, %eq3A_226 : vector<1024x1024xi32>
    %jit3A_228 = arith.constant 2147483647 : i32
    %broadcast_in_dim3A_229 = vector.broadcast %jit3A_228 : i32 to vector<1024x1024xi32>
    %select_n3A_230 = arith.select %eq3A_227, %broadcast_in_dim3A_229, %select_n3A_217 : vector<1024x1024xi1>, vector<1024x1024xi32>
    %reduce_min3A_231 = arith.constant dense<2147483647> : vector<1024xi32>
    %reduce_min3A_232 = vector.multi_reduction <minsi>, %select_n3A_230, %reduce_min3A_231 [1] : vector<1024x1024xi32> to vector<1024xi32>
    %broadcast_in_dim3A_233 = vector.shape_cast %reduce_min3A_232 : vector<1024xi32> to vector<1024x1xi32>
    %and3A_234 = arith.constant 1023 : i32
    %and3A_235 = vector.broadcast %and3A_234 : i32 to vector<1024x1xi32>
    %and3A_236 = arith.andi %broadcast_in_dim3A_233, %and3A_235 : vector<1024x1xi32>
    %add3A_237 = vector.broadcast %mul3A_50 : i32 to vector<1024x1xi32>
    %add3A_238 = arith.addi %and3A_236, %add3A_237 : vector<1024x1xi32>
    %eq3A_239 = vector.broadcast %broadcast_in_dim3A_233 : vector<1024x1xi32> to vector<1024x1024xi32>
    %eq3A_240 = arith.cmpi eq, %select_n3A_230, %eq3A_239 : vector<1024x1024xi32>
    %jit3A_241 = arith.constant 2147483647 : i32
    %broadcast_in_dim3A_242 = vector.broadcast %jit3A_241 : i32 to vector<1024x1024xi32>
    %select_n3A_243 = arith.select %eq3A_240, %broadcast_in_dim3A_242, %select_n3A_230 : vector<1024x1024xi1>, vector<1024x1024xi32>
    %reduce_min3A_244 = arith.constant dense<2147483647> : vector<1024xi32>
    %reduce_min3A_245 = vector.multi_reduction <minsi>, %select_n3A_243, %reduce_min3A_244 [1] : vector<1024x1024xi32> to vector<1024xi32>
    %broadcast_in_dim3A_246 = vector.shape_cast %reduce_min3A_245 : vector<1024xi32> to vector<1024x1xi32>
    %and3A_247 = arith.constant 1023 : i32
    %and3A_248 = vector.broadcast %and3A_247 : i32 to vector<1024x1xi32>
    %and3A_249 = arith.andi %broadcast_in_dim3A_246, %and3A_248 : vector<1024x1xi32>
    %add3A_250 = vector.broadcast %mul3A_50 : i32 to vector<1024x1xi32>
    %add3A_251 = arith.addi %and3A_249, %add3A_250 : vector<1024x1xi32>
    %concatenate3A = tpu.concatenate %add3A_57, %add3A_69, %add3A_82, %add3A_95, %add3A_108, %add3A_121, %add3A_134, %add3A_147, %add3A_160, %add3A_173, %add3A_186, %add3A_199, %add3A_212, %add3A_225, %add3A_238, %add3A_251 in 1 : vector<1024x1xi32>, vector<1024x1xi32>, vector<1024x1xi32>, vector<1024x1xi32>, vector<1024x1xi32>, vector<1024x1xi32>, vector<1024x1xi32>, vector<1024x1xi32>, vector<1024x1xi32>, vector<1024x1xi32>, vector<1024x1xi32>, vector<1024x1xi32>, vector<1024x1xi32>, vector<1024x1xi32>, vector<1024x1xi32>, vector<1024x1xi32> -> vector<1024x16xi32>
    %swap3A = arith.constant 0 : index
    %swap3A_252 = arith.constant 0 : index
    %swap3A_253 = vector.load %arg3[%swap3A, %swap3A_252] : memref<1024x16xi32, #tpu.memory_space<vmem>>, vector<1024x16xi32>
    tpu.vector_store %arg3[%swap3A, %swap3A_252], %concatenate3A {strides = array<i32>} : memref<1024x16xi32, #tpu.memory_space<vmem>>, vector<1024x16xi32>,
    return
  }
  func.func @transform_0(%arg0: i32) -> (i32, i32, i32) {
    %jit3A = arith.constant 1 : i32
    %div3A = arith.divsi %arg0, %jit3A : i32
    %sign3A = arith.constant 0 : i32
    %sign3A_0 = arith.cmpi sgt, %arg0, %sign3A : i32
    %sign3A_1 = arith.extui %sign3A_0 : i1 to i32
    %sign3A_2 = arith.constant 0 : i32
    %sign3A_3 = arith.cmpi slt, %arg0, %sign3A_2 : i32
    %sign3A_4 = arith.extui %sign3A_3 : i1 to i32
    %sign3A_5 = arith.subi %sign3A_1, %sign3A_4 : i32
    %sign3A_6 = arith.constant 0 : i32
    %sign3A_7 = arith.cmpi sgt, %jit3A, %sign3A_6 : i32
    %sign3A_8 = arith.extui %sign3A_7 : i1 to i32
    %sign3A_9 = arith.constant 0 : i32
    %sign3A_10 = arith.cmpi slt, %jit3A, %sign3A_9 : i32
    %sign3A_11 = arith.extui %sign3A_10 : i1 to i32
    %sign3A_12 = arith.subi %sign3A_8, %sign3A_11 : i32
    %ne3A = arith.cmpi ne, %sign3A_5, %sign3A_12 : i32
    %rem3A = arith.remsi %arg0, %jit3A : i32
    %ne3A_13 = arith.constant 0 : i32
    %ne3A_14 = arith.cmpi ne, %rem3A, %ne3A_13 : i32
    %and3A = arith.andi %ne3A, %ne3A_14 : i1
    %sub3A = arith.constant 1 : i32
    %sub3A_15 = arith.subi %div3A, %sub3A : i32
    %select_n3A = arith.select %and3A, %sub3A_15, %div3A : i32
    %add3A = arith.constant 2 : i32
    %add3A_16 = arith.addi %add3A, %select_n3A : i32
    %jit3A_17 = arith.constant 1 : i32
    %eq3A = arith.constant 0 : i32
    %eq3A_18 = arith.cmpi eq, %jit3A_17, %eq3A : i32
    %jit3A_19 = arith.constant 1 : i32
    %select_n3A_20 = arith.select %eq3A_18, %jit3A_19, %jit3A_17 : i32
    %rem3A_21 = arith.remsi %arg0, %select_n3A_20 : i32
    %ne3A_22 = arith.constant 0 : i32
    %ne3A_23 = arith.cmpi ne, %rem3A_21, %ne3A_22 : i32
    %lt3A = arith.constant 0 : i32
    %lt3A_24 = arith.cmpi slt, %rem3A_21, %lt3A : i32
    %lt3A_25 = arith.constant 0 : i32
    %lt3A_26 = arith.cmpi slt, %select_n3A_20, %lt3A_25 : i32
    %ne3A_27 = arith.xori %lt3A_24, %lt3A_26 : i1
    %and3A_28 = arith.andi %ne3A_27, %ne3A_23 : i1
    %add3A_29 = arith.addi %rem3A_21, %select_n3A_20 : i32
    %select_n3A_30 = arith.select %and3A_28, %add3A_29, %rem3A_21 : i32
    %c0_i32 = arith.constant 0 : i32
    %c0_i32_31 = arith.constant 0 : i32
    return %add3A_16, %select_n3A_30, %c0_i32 : i32, i32, i32
  }
  func.func @transform_1(%arg0: i32) -> (i32, i32, i32) {
    %jit3A = arith.constant 1 : i32
    %div3A = arith.divsi %arg0, %jit3A : i32
    %sign3A = arith.constant 0 : i32
    %sign3A_0 = arith.cmpi sgt, %arg0, %sign3A : i32
    %sign3A_1 = arith.extui %sign3A_0 : i1 to i32
    %sign3A_2 = arith.constant 0 : i32
    %sign3A_3 = arith.cmpi slt, %arg0, %sign3A_2 : i32
    %sign3A_4 = arith.extui %sign3A_3 : i1 to i32
    %sign3A_5 = arith.subi %sign3A_1, %sign3A_4 : i32
    %sign3A_6 = arith.constant 0 : i32
    %sign3A_7 = arith.cmpi sgt, %jit3A, %sign3A_6 : i32
    %sign3A_8 = arith.extui %sign3A_7 : i1 to i32
    %sign3A_9 = arith.constant 0 : i32
    %sign3A_10 = arith.cmpi slt, %jit3A, %sign3A_9 : i32
    %sign3A_11 = arith.extui %sign3A_10 : i1 to i32
    %sign3A_12 = arith.subi %sign3A_8, %sign3A_11 : i32
    %ne3A = arith.cmpi ne, %sign3A_5, %sign3A_12 : i32
    %rem3A = arith.remsi %arg0, %jit3A : i32
    %ne3A_13 = arith.constant 0 : i32
    %ne3A_14 = arith.cmpi ne, %rem3A, %ne3A_13 : i32
    %and3A = arith.andi %ne3A, %ne3A_14 : i1
    %sub3A = arith.constant 1 : i32
    %sub3A_15 = arith.subi %div3A, %sub3A : i32
    %select_n3A = arith.select %and3A, %sub3A_15, %div3A : i32
    %add3A = arith.constant 2 : i32
    %add3A_16 = arith.addi %add3A, %select_n3A : i32
    %c0_i32 = arith.constant 0 : i32
    %c0_i32_17 = arith.constant 0 : i32
    %c0_i32_18 = arith.constant 0 : i32
    return %add3A_16, %c0_i32, %c0_i32_17 : i32, i32, i32
  }
  func.func @transform_2(%arg0: i32) -> (i32, i32) {
    %c0_i32 = arith.constant 0 : i32
    %c0_i32_0 = arith.constant 0 : i32
    return %arg0, %c0_i32 : i32, i32
  }
}

module attributes {stable_mosaic.version = 14 : i64} {
  func.func @_knn_body(%arg0: i32, %arg1: memref<1x1024x3xf32, #tpu.memory_space<vmem>>, %arg2: memref<1x3x1024xf32, #tpu.memory_space<vmem>>, %arg3: memref<1024x16xi32, #tpu.memory_space<vmem>>) attributes {dimension_semantics = [#tpu.dimension_semantics<arbitrary>], iteration_bounds = array<i64: 2>, scalar_prefetch = 0 : i64, scratch_operands = 0 : i64, tpu.core_type = #tpu.core_type<tc>, window_params = [{transform_indices = @transform_0, window_bounds = array<i64: 1, 1024, 3>}, {transform_indices = @transform_1, window_bounds = array<i64: 1, 3, 1024>}, {transform_indices = @transform_2, window_bounds = array<i64: 1024, 16>}]} {
    %jit3A = arith.constant 1 : i32
    %div3A = arith.divsi %arg0, %jit3A : i32
    %sign3A = arith.constant 0 : i32
    %sign3A_0 = arith.cmpi sgt, %arg0, %sign3A : i32
    %sign3A_1 = arith.extui %sign3A_0 : i1 to i32
    %sign3A_2 = arith.constant 0 : i32
    %sign3A_3 = arith.cmpi slt, %arg0, %sign3A_2 : i32
    %sign3A_4 = arith.extui %sign3A_3 : i1 to i32
    %sign3A_5 = arith.subi %sign3A_1, %sign3A_4 : i32
    %sign3A_6 = arith.constant 0 : i32
    %sign3A_7 = arith.cmpi sgt, %jit3A, %sign3A_6 : i32
    %sign3A_8 = arith.extui %sign3A_7 : i1 to i32
    %sign3A_9 = arith.constant 0 : i32
    %sign3A_10 = arith.cmpi slt, %jit3A, %sign3A_9 : i32
    %sign3A_11 = arith.extui %sign3A_10 : i1 to i32
    %sign3A_12 = arith.subi %sign3A_8, %sign3A_11 : i32
    %ne3A = arith.cmpi ne, %sign3A_5, %sign3A_12 : i32
    %rem3A = arith.remsi %arg0, %jit3A : i32
    %ne3A_13 = arith.constant 0 : i32
    %ne3A_14 = arith.cmpi ne, %rem3A, %ne3A_13 : i32
    %and3A = arith.andi %ne3A, %ne3A_14 : i1
    %sub3A = arith.constant 1 : i32
    %sub3A_15 = arith.subi %div3A, %sub3A : i32
    %select_n3A = arith.select %and3A, %sub3A_15, %div3A : i32
    %add3A = arith.constant 0 : i32
    %add3A_16 = arith.addi %select_n3A, %add3A : i32
    %get3A = arith.constant 0 : index
    %get3A_17 = arith.constant 0 : index
    %get3A_18 = arith.constant 0 : index
    %get3A_19 = vector.load %arg1[%get3A, %get3A_17, %get3A_18] : memref<1x1024x3xf32, #tpu.memory_space<vmem>>, vector<1x1024x3xf32>
    %get3A_20 = vector.shape_cast %get3A_19 : vector<1x1024x3xf32> to vector<1024x3xf32>
    %get3A_21 = arith.constant 0 : index
    %get3A_22 = arith.constant 0 : index
    %get3A_23 = arith.constant 0 : index
    %get3A_24 = vector.load %arg2[%get3A_21, %get3A_22, %get3A_23] : memref<1x3x1024xf32, #tpu.memory_space<vmem>>, vector<1x3x1024xf32>
    %get3A_25 = vector.shape_cast %get3A_24 : vector<1x3x1024xf32> to vector<3x1024xf32>
    %broadcast_in_dim3A = arith.constant 0.000000e+00 : f32
    %broadcast_in_dim3A_26 = vector.broadcast %broadcast_in_dim3A : f32 to vector<1024x1024xf32>
    %slice3A = vector.extract_strided_slice %get3A_20 {offsets = [0, 0], sizes = [1024, 1], strides = [1, 1]} : vector<1024x3xf32> to vector<1024x1xf32>
    %slice3A_27 = vector.extract_strided_slice %get3A_25 {offsets = [0, 0], sizes = [1, 1024], strides = [1, 1]} : vector<3x1024xf32> to vector<1x1024xf32>
    %sub3A_28 = vector.broadcast %slice3A : vector<1024x1xf32> to vector<1024x1024xf32>
    %sub3A_29 = vector.broadcast %slice3A_27 : vector<1x1024xf32> to vector<1024x1024xf32>
    %sub3A_30 = arith.subf %sub3A_28, %sub3A_29 : vector<1024x1024xf32>
    %mul3A = arith.mulf %sub3A_30, %sub3A_30 : vector<1024x1024xf32>
    %add3A_31 = arith.addf %broadcast_in_dim3A_26, %mul3A : vector<1024x1024xf32>
    %slice3A_32 = vector.extract_strided_slice %get3A_20 {offsets = [0, 1], sizes = [1024, 1], strides = [1, 1]} : vector<1024x3xf32> to vector<1024x1xf32>
    %slice3A_33 = vector.extract_strided_slice %get3A_25 {offsets = [1, 0], sizes = [1, 1024], strides = [1, 1]} : vector<3x1024xf32> to vector<1x1024xf32>
    %sub3A_34 = vector.broadcast %slice3A_32 : vector<1024x1xf32> to vector<1024x1024xf32>
    %sub3A_35 = vector.broadcast %slice3A_33 : vector<1x1024xf32> to vector<1024x1024xf32>
    %sub3A_36 = arith.subf %sub3A_34, %sub3A_35 : vector<1024x1024xf32>
    %mul3A_37 = arith.mulf %sub3A_36, %sub3A_36 : vector<1024x1024xf32>
    %add3A_38 = arith.addf %add3A_31, %mul3A_37 : vector<1024x1024xf32>
    %slice3A_39 = vector.extract_strided_slice %get3A_20 {offsets = [0, 2], sizes = [1024, 1], strides = [1, 1]} : vector<1024x3xf32> to vector<1024x1xf32>
    %slice3A_40 = vector.extract_strided_slice %get3A_25 {offsets = [2, 0], sizes = [1, 1024], strides = [1, 1]} : vector<3x1024xf32> to vector<1x1024xf32>
    %sub3A_41 = vector.broadcast %slice3A_39 : vector<1024x1xf32> to vector<1024x1024xf32>
    %sub3A_42 = vector.broadcast %slice3A_40 : vector<1x1024xf32> to vector<1024x1024xf32>
    %sub3A_43 = arith.subf %sub3A_41, %sub3A_42 : vector<1024x1024xf32>
    %mul3A_44 = arith.mulf %sub3A_43, %sub3A_43 : vector<1024x1024xf32>
    %add3A_45 = arith.addf %add3A_38, %mul3A_44 : vector<1024x1024xf32>
    %bitcast_convert_type3A = tpu.bitcast %add3A_45 : vector<1024x1024xf32> -> vector<1024x1024xi32>
    %iota3A = tpu.iota {dimensions = array<i32: 1>} : vector<1024x1024xi32>
    %and3A_46 = arith.constant -1024 : i32
    %and3A_47 = vector.broadcast %and3A_46 : i32 to vector<1024x1024xi32>
    %and3A_48 = arith.andi %bitcast_convert_type3A, %and3A_47 : vector<1024x1024xi32>
    %or3A = arith.ori %and3A_48, %iota3A : vector<1024x1024xi32>
    %mul3A_49 = arith.constant 1024 : i32
    %mul3A_50 = arith.muli %add3A_16, %mul3A_49 : i32
    %reduce_min3A = arith.constant dense<2147483647> : vector<1024xi32>
    %reduce_min3A_51 = vector.multi_reduction <minsi>, %or3A, %reduce_min3A [1] : vector<1024x1024xi32> to vector<1024xi32>
    %broadcast_in_dim3A_52 = vector.shape_cast %reduce_min3A_51 : vector<1024xi32> to vector<1024x1xi32>
    %and3A_53 = arith.constant 1023 : i32
    %and3A_54 = vector.broadcast %and3A_53 : i32 to vector<1024x1xi32>
    %and3A_55 = arith.andi %broadcast_in_dim3A_52, %and3A_54 : vector<1024x1xi32>
    %add3A_56 = vector.broadcast %mul3A_50 : i32 to vector<1024x1xi32>
    %add3A_57 = arith.addi %and3A_55, %add3A_56 : vector<1024x1xi32>
    %eq3A = vector.broadcast %broadcast_in_dim3A_52 : vector<1024x1xi32> to vector<1024x1024xi32>
    %eq3A_58 = arith.cmpi eq, %or3A, %eq3A : vector<1024x1024xi32>
    %jit3A_59 = arith.constant 2147483647 : i32
    %broadcast_in_dim3A_60 = vector.broadcast %jit3A_59 : i32 to vector<1024x1024xi32>
    %select_n3A_61 = arith.select %eq3A_58, %broadcast_in_dim3A_60, %or3A : vector<1024x1024xi1>, vector<1024x1024xi32>
    %reduce_min3A_62 = arith.constant dense<2147483647> : vector<1024xi32>
    %reduce_min3A_63 = vector.multi_reduction <minsi>, %select_n3A_61, %reduce_min3A_62 [1] : vector<1024x1024xi32> to vector<1024xi32>
    %broadcast_in_dim3A_64 = vector.shape_cast %reduce_min3A_63 : vector<1024xi32> to vector<1024x1xi32>
    %and3A_65 = arith.constant 1023 : i32
    %and3A_66 = vector.broadcast %and3A_65 : i32 to vector<1024x1xi32>
    %and3A_67 = arith.andi %broadcast_in_dim3A_64, %and3A_66 : vector<1024x1xi32>
    %add3A_68 = vector.broadcast %mul3A_50 : i32 to vector<1024x1xi32>
    %add3A_69 = arith.addi %and3A_67, %add3A_68 : vector<1024x1xi32>
    %eq3A_70 = vector.broadcast %broadcast_in_dim3A_64 : vector<1024x1xi32> to vector<1024x1024xi32>
    %eq3A_71 = arith.cmpi eq, %select_n3A_61, %eq3A_70 : vector<1024x1024xi32>
    %jit3A_72 = arith.constant 2147483647 : i32
    %broadcast_in_dim3A_73 = vector.broadcast %jit3A_72 : i32 to vector<1024x1024xi32>
    %select_n3A_74 = arith.select %eq3A_71, %broadcast_in_dim3A_73, %select_n3A_61 : vector<1024x1024xi1>, vector<1024x1024xi32>
    %reduce_min3A_75 = arith.constant dense<2147483647> : vector<1024xi32>
    %reduce_min3A_76 = vector.multi_reduction <minsi>, %select_n3A_74, %reduce_min3A_75 [1] : vector<1024x1024xi32> to vector<1024xi32>
    %broadcast_in_dim3A_77 = vector.shape_cast %reduce_min3A_76 : vector<1024xi32> to vector<1024x1xi32>
    %and3A_78 = arith.constant 1023 : i32
    %and3A_79 = vector.broadcast %and3A_78 : i32 to vector<1024x1xi32>
    %and3A_80 = arith.andi %broadcast_in_dim3A_77, %and3A_79 : vector<1024x1xi32>
    %add3A_81 = vector.broadcast %mul3A_50 : i32 to vector<1024x1xi32>
    %add3A_82 = arith.addi %and3A_80, %add3A_81 : vector<1024x1xi32>
    %eq3A_83 = vector.broadcast %broadcast_in_dim3A_77 : vector<1024x1xi32> to vector<1024x1024xi32>
    %eq3A_84 = arith.cmpi eq, %select_n3A_74, %eq3A_83 : vector<1024x1024xi32>
    %jit3A_85 = arith.constant 2147483647 : i32
    %broadcast_in_dim3A_86 = vector.broadcast %jit3A_85 : i32 to vector<1024x1024xi32>
    %select_n3A_87 = arith.select %eq3A_84, %broadcast_in_dim3A_86, %select_n3A_74 : vector<1024x1024xi1>, vector<1024x1024xi32>
    %reduce_min3A_88 = arith.constant dense<2147483647> : vector<1024xi32>
    %reduce_min3A_89 = vector.multi_reduction <minsi>, %select_n3A_87, %reduce_min3A_88 [1] : vector<1024x1024xi32> to vector<1024xi32>
    %broadcast_in_dim3A_90 = vector.shape_cast %reduce_min3A_89 : vector<1024xi32> to vector<1024x1xi32>
    %and3A_91 = arith.constant 1023 : i32
    %and3A_92 = vector.broadcast %and3A_91 : i32 to vector<1024x1xi32>
    %and3A_93 = arith.andi %broadcast_in_dim3A_90, %and3A_92 : vector<1024x1xi32>
    %add3A_94 = vector.broadcast %mul3A_50 : i32 to vector<1024x1xi32>
    %add3A_95 = arith.addi %and3A_93, %add3A_94 : vector<1024x1xi32>
    %eq3A_96 = vector.broadcast %broadcast_in_dim3A_90 : vector<1024x1xi32> to vector<1024x1024xi32>
    %eq3A_97 = arith.cmpi eq, %select_n3A_87, %eq3A_96 : vector<1024x1024xi32>
    %jit3A_98 = arith.constant 2147483647 : i32
    %broadcast_in_dim3A_99 = vector.broadcast %jit3A_98 : i32 to vector<1024x1024xi32>
    %select_n3A_100 = arith.select %eq3A_97, %broadcast_in_dim3A_99, %select_n3A_87 : vector<1024x1024xi1>, vector<1024x1024xi32>
    %reduce_min3A_101 = arith.constant dense<2147483647> : vector<1024xi32>
    %reduce_min3A_102 = vector.multi_reduction <minsi>, %select_n3A_100, %reduce_min3A_101 [1] : vector<1024x1024xi32> to vector<1024xi32>
    %broadcast_in_dim3A_103 = vector.shape_cast %reduce_min3A_102 : vector<1024xi32> to vector<1024x1xi32>
    %and3A_104 = arith.constant 1023 : i32
    %and3A_105 = vector.broadcast %and3A_104 : i32 to vector<1024x1xi32>
    %and3A_106 = arith.andi %broadcast_in_dim3A_103, %and3A_105 : vector<1024x1xi32>
    %add3A_107 = vector.broadcast %mul3A_50 : i32 to vector<1024x1xi32>
    %add3A_108 = arith.addi %and3A_106, %add3A_107 : vector<1024x1xi32>
    %eq3A_109 = vector.broadcast %broadcast_in_dim3A_103 : vector<1024x1xi32> to vector<1024x1024xi32>
    %eq3A_110 = arith.cmpi eq, %select_n3A_100, %eq3A_109 : vector<1024x1024xi32>
    %jit3A_111 = arith.constant 2147483647 : i32
    %broadcast_in_dim3A_112 = vector.broadcast %jit3A_111 : i32 to vector<1024x1024xi32>
    %select_n3A_113 = arith.select %eq3A_110, %broadcast_in_dim3A_112, %select_n3A_100 : vector<1024x1024xi1>, vector<1024x1024xi32>
    %reduce_min3A_114 = arith.constant dense<2147483647> : vector<1024xi32>
    %reduce_min3A_115 = vector.multi_reduction <minsi>, %select_n3A_113, %reduce_min3A_114 [1] : vector<1024x1024xi32> to vector<1024xi32>
    %broadcast_in_dim3A_116 = vector.shape_cast %reduce_min3A_115 : vector<1024xi32> to vector<1024x1xi32>
    %and3A_117 = arith.constant 1023 : i32
    %and3A_118 = vector.broadcast %and3A_117 : i32 to vector<1024x1xi32>
    %and3A_119 = arith.andi %broadcast_in_dim3A_116, %and3A_118 : vector<1024x1xi32>
    %add3A_120 = vector.broadcast %mul3A_50 : i32 to vector<1024x1xi32>
    %add3A_121 = arith.addi %and3A_119, %add3A_120 : vector<1024x1xi32>
    %eq3A_122 = vector.broadcast %broadcast_in_dim3A_116 : vector<1024x1xi32> to vector<1024x1024xi32>
    %eq3A_123 = arith.cmpi eq, %select_n3A_113, %eq3A_122 : vector<1024x1024xi32>
    %jit3A_124 = arith.constant 2147483647 : i32
    %broadcast_in_dim3A_125 = vector.broadcast %jit3A_124 : i32 to vector<1024x1024xi32>
    %select_n3A_126 = arith.select %eq3A_123, %broadcast_in_dim3A_125, %select_n3A_113 : vector<1024x1024xi1>, vector<1024x1024xi32>
    %reduce_min3A_127 = arith.constant dense<2147483647> : vector<1024xi32>
    %reduce_min3A_128 = vector.multi_reduction <minsi>, %select_n3A_126, %reduce_min3A_127 [1] : vector<1024x1024xi32> to vector<1024xi32>
    %broadcast_in_dim3A_129 = vector.shape_cast %reduce_min3A_128 : vector<1024xi32> to vector<1024x1xi32>
    %and3A_130 = arith.constant 1023 : i32
    %and3A_131 = vector.broadcast %and3A_130 : i32 to vector<1024x1xi32>
    %and3A_132 = arith.andi %broadcast_in_dim3A_129, %and3A_131 : vector<1024x1xi32>
    %add3A_133 = vector.broadcast %mul3A_50 : i32 to vector<1024x1xi32>
    %add3A_134 = arith.addi %and3A_132, %add3A_133 : vector<1024x1xi32>
    %eq3A_135 = vector.broadcast %broadcast_in_dim3A_129 : vector<1024x1xi32> to vector<1024x1024xi32>
    %eq3A_136 = arith.cmpi eq, %select_n3A_126, %eq3A_135 : vector<1024x1024xi32>
    %jit3A_137 = arith.constant 2147483647 : i32
    %broadcast_in_dim3A_138 = vector.broadcast %jit3A_137 : i32 to vector<1024x1024xi32>
    %select_n3A_139 = arith.select %eq3A_136, %broadcast_in_dim3A_138, %select_n3A_126 : vector<1024x1024xi1>, vector<1024x1024xi32>
    %reduce_min3A_140 = arith.constant dense<2147483647> : vector<1024xi32>
    %reduce_min3A_141 = vector.multi_reduction <minsi>, %select_n3A_139, %reduce_min3A_140 [1] : vector<1024x1024xi32> to vector<1024xi32>
    %broadcast_in_dim3A_142 = vector.shape_cast %reduce_min3A_141 : vector<1024xi32> to vector<1024x1xi32>
    %and3A_143 = arith.constant 1023 : i32
    %and3A_144 = vector.broadcast %and3A_143 : i32 to vector<1024x1xi32>
    %and3A_145 = arith.andi %broadcast_in_dim3A_142, %and3A_144 : vector<1024x1xi32>
    %add3A_146 = vector.broadcast %mul3A_50 : i32 to vector<1024x1xi32>
    %add3A_147 = arith.addi %and3A_145, %add3A_146 : vector<1024x1xi32>
    %eq3A_148 = vector.broadcast %broadcast_in_dim3A_142 : vector<1024x1xi32> to vector<1024x1024xi32>
    %eq3A_149 = arith.cmpi eq, %select_n3A_139, %eq3A_148 : vector<1024x1024xi32>
    %jit3A_150 = arith.constant 2147483647 : i32
    %broadcast_in_dim3A_151 = vector.broadcast %jit3A_150 : i32 to vector<1024x1024xi32>
    %select_n3A_152 = arith.select %eq3A_149, %broadcast_in_dim3A_151, %select_n3A_139 : vector<1024x1024xi1>, vector<1024x1024xi32>
    %reduce_min3A_153 = arith.constant dense<2147483647> : vector<1024xi32>
    %reduce_min3A_154 = vector.multi_reduction <minsi>, %select_n3A_152, %reduce_min3A_153 [1] : vector<1024x1024xi32> to vector<1024xi32>
    %broadcast_in_dim3A_155 = vector.shape_cast %reduce_min3A_154 : vector<1024xi32> to vector<1024x1xi32>
    %and3A_156 = arith.constant 1023 : i32
    %and3A_157 = vector.broadcast %and3A_156 : i32 to vector<1024x1xi32>
    %and3A_158 = arith.andi %broadcast_in_dim3A_155, %and3A_157 : vector<1024x1xi32>
    %add3A_159 = vector.broadcast %mul3A_50 : i32 to vector<1024x1xi32>
    %add3A_160 = arith.addi %and3A_158, %add3A_159 : vector<1024x1xi32>
    %eq3A_161 = vector.broadcast %broadcast_in_dim3A_155 : vector<1024x1xi32> to vector<1024x1024xi32>
    %eq3A_162 = arith.cmpi eq, %select_n3A_152, %eq3A_161 : vector<1024x1024xi32>
    %jit3A_163 = arith.constant 2147483647 : i32
    %broadcast_in_dim3A_164 = vector.broadcast %jit3A_163 : i32 to vector<1024x1024xi32>
    %select_n3A_165 = arith.select %eq3A_162, %broadcast_in_dim3A_164, %select_n3A_152 : vector<1024x1024xi1>, vector<1024x1024xi32>
    %reduce_min3A_166 = arith.constant dense<2147483647> : vector<1024xi32>
    %reduce_min3A_167 = vector.multi_reduction <minsi>, %select_n3A_165, %reduce_min3A_166 [1] : vector<1024x1024xi32> to vector<1024xi32>
    %broadcast_in_dim3A_168 = vector.shape_cast %reduce_min3A_167 : vector<1024xi32> to vector<1024x1xi32>
    %and3A_169 = arith.constant 1023 : i32
    %and3A_170 = vector.broadcast %and3A_169 : i32 to vector<1024x1xi32>
    %and3A_171 = arith.andi %broadcast_in_dim3A_168, %and3A_170 : vector<1024x1xi32>
    %add3A_172 = vector.broadcast %mul3A_50 : i32 to vector<1024x1xi32>
    %add3A_173 = arith.addi %and3A_171, %add3A_172 : vector<1024x1xi32>
    %eq3A_174 = vector.broadcast %broadcast_in_dim3A_168 : vector<1024x1xi32> to vector<1024x1024xi32>
    %eq3A_175 = arith.cmpi eq, %select_n3A_165, %eq3A_174 : vector<1024x1024xi32>
    %jit3A_176 = arith.constant 2147483647 : i32
    %broadcast_in_dim3A_177 = vector.broadcast %jit3A_176 : i32 to vector<1024x1024xi32>
    %select_n3A_178 = arith.select %eq3A_175, %broadcast_in_dim3A_177, %select_n3A_165 : vector<1024x1024xi1>, vector<1024x1024xi32>
    %reduce_min3A_179 = arith.constant dense<2147483647> : vector<1024xi32>
    %reduce_min3A_180 = vector.multi_reduction <minsi>, %select_n3A_178, %reduce_min3A_179 [1] : vector<1024x1024xi32> to vector<1024xi32>
    %broadcast_in_dim3A_181 = vector.shape_cast %reduce_min3A_180 : vector<1024xi32> to vector<1024x1xi32>
    %and3A_182 = arith.constant 1023 : i32
    %and3A_183 = vector.broadcast %and3A_182 : i32 to vector<1024x1xi32>
    %and3A_184 = arith.andi %broadcast_in_dim3A_181, %and3A_183 : vector<1024x1xi32>
    %add3A_185 = vector.broadcast %mul3A_50 : i32 to vector<1024x1xi32>
    %add3A_186 = arith.addi %and3A_184, %add3A_185 : vector<1024x1xi32>
    %eq3A_187 = vector.broadcast %broadcast_in_dim3A_181 : vector<1024x1xi32> to vector<1024x1024xi32>
    %eq3A_188 = arith.cmpi eq, %select_n3A_178, %eq3A_187 : vector<1024x1024xi32>
    %jit3A_189 = arith.constant 2147483647 : i32
    %broadcast_in_dim3A_190 = vector.broadcast %jit3A_189 : i32 to vector<1024x1024xi32>
    %select_n3A_191 = arith.select %eq3A_188, %broadcast_in_dim3A_190, %select_n3A_178 : vector<1024x1024xi1>, vector<1024x1024xi32>
    %reduce_min3A_192 = arith.constant dense<2147483647> : vector<1024xi32>
    %reduce_min3A_193 = vector.multi_reduction <minsi>, %select_n3A_191, %reduce_min3A_192 [1] : vector<1024x1024xi32> to vector<1024xi32>
    %broadcast_in_dim3A_194 = vector.shape_cast %reduce_min3A_193 : vector<1024xi32> to vector<1024x1xi32>
    %and3A_195 = arith.constant 1023 : i32
    %and3A_196 = vector.broadcast %and3A_195 : i32 to vector<1024x1xi32>
    %and3A_197 = arith.andi %broadcast_in_dim3A_194, %and3A_196 : vector<1024x1xi32>
    %add3A_198 = vector.broadcast %mul3A_50 : i32 to vector<1024x1xi32>
    %add3A_199 = arith.addi %and3A_197, %add3A_198 : vector<1024x1xi32>
    %eq3A_200 = vector.broadcast %broadcast_in_dim3A_194 : vector<1024x1xi32> to vector<1024x1024xi32>
    %eq3A_201 = arith.cmpi eq, %select_n3A_191, %eq3A_200 : vector<1024x1024xi32>
    %jit3A_202 = arith.constant 2147483647 : i32
    %broadcast_in_dim3A_203 = vector.broadcast %jit3A_202 : i32 to vector<1024x1024xi32>
    %select_n3A_204 = arith.select %eq3A_201, %broadcast_in_dim3A_203, %select_n3A_191 : vector<1024x1024xi1>, vector<1024x1024xi32>
    %reduce_min3A_205 = arith.constant dense<2147483647> : vector<1024xi32>
    %reduce_min3A_206 = vector.multi_reduction <minsi>, %select_n3A_204, %reduce_min3A_205 [1] : vector<1024x1024xi32> to vector<1024xi32>
    %broadcast_in_dim3A_207 = vector.shape_cast %reduce_min3A_206 : vector<1024xi32> to vector<1024x1xi32>
    %and3A_208 = arith.constant 1023 : i32
    %and3A_209 = vector.broadcast %and3A_208 : i32 to vector<1024x1xi32>
    %and3A_210 = arith.andi %broadcast_in_dim3A_207, %and3A_209 : vector<1024x1xi32>
    %add3A_211 = vector.broadcast %mul3A_50 : i32 to vector<1024x1xi32>
    %add3A_212 = arith.addi %and3A_210, %add3A_211 : vector<1024x1xi32>
    %eq3A_213 = vector.broadcast %broadcast_in_dim3A_207 : vector<1024x1xi32> to vector<1024x1024xi32>
    %eq3A_214 = arith.cmpi eq, %select_n3A_204, %eq3A_213 : vector<1024x1024xi32>
    %jit3A_215 = arith.constant 2147483647 : i32
    %broadcast_in_dim3A_216 = vector.broadcast %jit3A_215 : i32 to vector<1024x1024xi32>
    %select_n3A_217 = arith.select %eq3A_214, %broadcast_in_dim3A_216, %select_n3A_204 : vector<1024x1024xi1>, vector<1024x1024xi32>
    %reduce_min3A_218 = arith.constant dense<2147483647> : vector<1024xi32>
    %reduce_min3A_219 = vector.multi_reduction <minsi>, %select_n3A_217, %reduce_min3A_218 [1] : vector<1024x1024xi32> to vector<1024xi32>
    %broadcast_in_dim3A_220 = vector.shape_cast %reduce_min3A_219 : vector<1024xi32> to vector<1024x1xi32>
    %and3A_221 = arith.constant 1023 : i32
    %and3A_222 = vector.broadcast %and3A_221 : i32 to vector<1024x1xi32>
    %and3A_223 = arith.andi %broadcast_in_dim3A_220, %and3A_222 : vector<1024x1xi32>
    %add3A_224 = vector.broadcast %mul3A_50 : i32 to vector<1024x1xi32>
    %add3A_225 = arith.addi %and3A_223, %add3A_224 : vector<1024x1xi32>
    %eq3A_226 = vector.broadcast %broadcast_in_dim3A_220 : vector<1024x1xi32> to vector<1024x1024xi32>
    %eq3A_227 = arith.cmpi eq, %select_n3A_217, %eq3A_226 : vector<1024x1024xi32>
    %jit3A_228 = arith.constant 2147483647 : i32
    %broadcast_in_dim3A_229 = vector.broadcast %jit3A_228 : i32 to vector<1024x1024xi32>
    %select_n3A_230 = arith.select %eq3A_227, %broadcast_in_dim3A_229, %select_n3A_217 : vector<1024x1024xi1>, vector<1024x1024xi32>
    %reduce_min3A_231 = arith.constant dense<2147483647> : vector<1024xi32>
    %reduce_min3A_232 = vector.multi_reduction <minsi>, %select_n3A_230, %reduce_min3A_231 [1] : vector<1024x1024xi32> to vector<1024xi32>
    %broadcast_in_dim3A_233 = vector.shape_cast %reduce_min3A_232 : vector<1024xi32> to vector<1024x1xi32>
    %and3A_234 = arith.constant 1023 : i32
    %and3A_235 = vector.broadcast %and3A_234 : i32 to vector<1024x1xi32>
    %and3A_236 = arith.andi %broadcast_in_dim3A_233, %and3A_235 : vector<1024x1xi32>
    %add3A_237 = vector.broadcast %mul3A_50 : i32 to vector<1024x1xi32>
    %add3A_238 = arith.addi %and3A_236, %add3A_237 : vector<1024x1xi32>
    %eq3A_239 = vector.broadcast %broadcast_in_dim3A_233 : vector<1024x1xi32> to vector<1024x1024xi32>
    %eq3A_240 = arith.cmpi eq, %select_n3A_230, %eq3A_239 : vector<1024x1024xi32>
    %jit3A_241 = arith.constant 2147483647 : i32
    %broadcast_in_dim3A_242 = vector.broadcast %jit3A_241 : i32 to vector<1024x1024xi32>
    %select_n3A_243 = arith.select %eq3A_240, %broadcast_in_dim3A_242, %select_n3A_230 : vector<1024x1024xi1>, vector<1024x1024xi32>
    %reduce_min3A_244 = arith.constant dense<2147483647> : vector<1024xi32>
    %reduce_min3A_245 = vector.multi_reduction <minsi>, %select_n3A_243, %reduce_min3A_244 [1] : vector<1024x1024xi32> to vector<1024xi32>
    %broadcast_in_dim3A_246 = vector.shape_cast %reduce_min3A_245 : vector<1024xi32> to vector<1024x1xi32>
    %and3A_247 = arith.constant 1023 : i32
    %and3A_248 = vector.broadcast %and3A_247 : i32 to vector<1024x1xi32>
    %and3A_249 = arith.andi %broadcast_in_dim3A_246, %and3A_248 : vector<1024x1xi32>
    %add3A_250 = vector.broadcast %mul3A_50 : i32 to vector<1024x1xi32>
    %add3A_251 = arith.addi %and3A_249, %add3A_250 : vector<1024x1xi32>
    %concatenate3A = tpu.concatenate %add3A_57, %add3A_69, %add3A_82, %add3A_95, %add3A_108, %add3A_121, %add3A_134, %add3A_147, %add3A_160, %add3A_173, %add3A_186, %add3A_199, %add3A_212, %add3A_225, %add3A_238, %add3A_251 in 1 : vector<1024x1xi32>, vector<1024x1xi32>, vector<1024x1xi32>, vector<1024x1xi32>, vector<1024x1xi32>, vector<1024x1xi32>, vector<1024x1xi32>, vector<1024x1xi32>, vector<1024x1xi32>, vector<1024x1xi32>, vector<1024x1xi32>, vector<1024x1xi32>, vector<1024x1xi32>, vector<1024x1xi32>, vector<1024x1xi32>, vector<1024x1xi32> -> vector<1024x16xi32>
    %swap3A = arith.constant 0 : index
    %swap3A_252 = arith.constant 0 : index
    %swap3A_253 = vector.load %arg3[%swap3A, %swap3A_252] : memref<1024x16xi32, #tpu.memory_space<vmem>>, vector<1024x16xi32>
    tpu.vector_store %arg3[%swap3A, %swap3A_252], %concatenate3A {strides = array<i32>} : memref<1024x16xi32, #tpu.memory_space<vmem>>, vector<1024x16xi32>,
    return
  }
  func.func @transform_0(%arg0: i32) -> (i32, i32, i32) {
    %jit3A = arith.constant 1 : i32
    %div3A = arith.divsi %arg0, %jit3A : i32
    %sign3A = arith.constant 0 : i32
    %sign3A_0 = arith.cmpi sgt, %arg0, %sign3A : i32
    %sign3A_1 = arith.extui %sign3A_0 : i1 to i32
    %sign3A_2 = arith.constant 0 : i32
    %sign3A_3 = arith.cmpi slt, %arg0, %sign3A_2 : i32
    %sign3A_4 = arith.extui %sign3A_3 : i1 to i32
    %sign3A_5 = arith.subi %sign3A_1, %sign3A_4 : i32
    %sign3A_6 = arith.constant 0 : i32
    %sign3A_7 = arith.cmpi sgt, %jit3A, %sign3A_6 : i32
    %sign3A_8 = arith.extui %sign3A_7 : i1 to i32
    %sign3A_9 = arith.constant 0 : i32
    %sign3A_10 = arith.cmpi slt, %jit3A, %sign3A_9 : i32
    %sign3A_11 = arith.extui %sign3A_10 : i1 to i32
    %sign3A_12 = arith.subi %sign3A_8, %sign3A_11 : i32
    %ne3A = arith.cmpi ne, %sign3A_5, %sign3A_12 : i32
    %rem3A = arith.remsi %arg0, %jit3A : i32
    %ne3A_13 = arith.constant 0 : i32
    %ne3A_14 = arith.cmpi ne, %rem3A, %ne3A_13 : i32
    %and3A = arith.andi %ne3A, %ne3A_14 : i1
    %sub3A = arith.constant 1 : i32
    %sub3A_15 = arith.subi %div3A, %sub3A : i32
    %select_n3A = arith.select %and3A, %sub3A_15, %div3A : i32
    %add3A = arith.constant 0 : i32
    %add3A_16 = arith.addi %add3A, %select_n3A : i32
    %jit3A_17 = arith.constant 1 : i32
    %eq3A = arith.constant 0 : i32
    %eq3A_18 = arith.cmpi eq, %jit3A_17, %eq3A : i32
    %jit3A_19 = arith.constant 1 : i32
    %select_n3A_20 = arith.select %eq3A_18, %jit3A_19, %jit3A_17 : i32
    %rem3A_21 = arith.remsi %arg0, %select_n3A_20 : i32
    %ne3A_22 = arith.constant 0 : i32
    %ne3A_23 = arith.cmpi ne, %rem3A_21, %ne3A_22 : i32
    %lt3A = arith.constant 0 : i32
    %lt3A_24 = arith.cmpi slt, %rem3A_21, %lt3A : i32
    %lt3A_25 = arith.constant 0 : i32
    %lt3A_26 = arith.cmpi slt, %select_n3A_20, %lt3A_25 : i32
    %ne3A_27 = arith.xori %lt3A_24, %lt3A_26 : i1
    %and3A_28 = arith.andi %ne3A_27, %ne3A_23 : i1
    %add3A_29 = arith.addi %rem3A_21, %select_n3A_20 : i32
    %select_n3A_30 = arith.select %and3A_28, %add3A_29, %rem3A_21 : i32
    %c0_i32 = arith.constant 0 : i32
    %c0_i32_31 = arith.constant 0 : i32
    return %add3A_16, %select_n3A_30, %c0_i32 : i32, i32, i32
  }
  func.func @transform_1(%arg0: i32) -> (i32, i32, i32) {
    %jit3A = arith.constant 1 : i32
    %div3A = arith.divsi %arg0, %jit3A : i32
    %sign3A = arith.constant 0 : i32
    %sign3A_0 = arith.cmpi sgt, %arg0, %sign3A : i32
    %sign3A_1 = arith.extui %sign3A_0 : i1 to i32
    %sign3A_2 = arith.constant 0 : i32
    %sign3A_3 = arith.cmpi slt, %arg0, %sign3A_2 : i32
    %sign3A_4 = arith.extui %sign3A_3 : i1 to i32
    %sign3A_5 = arith.subi %sign3A_1, %sign3A_4 : i32
    %sign3A_6 = arith.constant 0 : i32
    %sign3A_7 = arith.cmpi sgt, %jit3A, %sign3A_6 : i32
    %sign3A_8 = arith.extui %sign3A_7 : i1 to i32
    %sign3A_9 = arith.constant 0 : i32
    %sign3A_10 = arith.cmpi slt, %jit3A, %sign3A_9 : i32
    %sign3A_11 = arith.extui %sign3A_10 : i1 to i32
    %sign3A_12 = arith.subi %sign3A_8, %sign3A_11 : i32
    %ne3A = arith.cmpi ne, %sign3A_5, %sign3A_12 : i32
    %rem3A = arith.remsi %arg0, %jit3A : i32
    %ne3A_13 = arith.constant 0 : i32
    %ne3A_14 = arith.cmpi ne, %rem3A, %ne3A_13 : i32
    %and3A = arith.andi %ne3A, %ne3A_14 : i1
    %sub3A = arith.constant 1 : i32
    %sub3A_15 = arith.subi %div3A, %sub3A : i32
    %select_n3A = arith.select %and3A, %sub3A_15, %div3A : i32
    %add3A = arith.constant 0 : i32
    %add3A_16 = arith.addi %add3A, %select_n3A : i32
    %c0_i32 = arith.constant 0 : i32
    %c0_i32_17 = arith.constant 0 : i32
    %c0_i32_18 = arith.constant 0 : i32
    return %add3A_16, %c0_i32, %c0_i32_17 : i32, i32, i32
  }
  func.func @transform_2(%arg0: i32) -> (i32, i32) {
    %c0_i32 = arith.constant 0 : i32
    %c0_i32_0 = arith.constant 0 : i32
    return %arg0, %c0_i32 : i32, i32
  }
}

module attributes {stable_mosaic.version = 14 : i64} {
  func.func @_proj_body(%arg0: i32, %arg1: memref<256x256xf32, #tpu.memory_space<vmem>>, %arg2: memref<256x128xf32, #tpu.memory_space<vmem>>, %arg3: memref<256x256xf32, #tpu.memory_space<vmem>>, %arg4: memref<256x256xf32, #tpu.memory_space<vmem>>, %arg5: memref<256x256xf32, #tpu.memory_space<vmem>>, %arg6: memref<256x256xf32, #tpu.memory_space<vmem>>, %arg7: memref<1x256xf32, #tpu.memory_space<vmem>>, %arg8: memref<1x256xf32, #tpu.memory_space<vmem>>, %arg9: memref<40x256xf32, #tpu.memory_space<vmem>>, %arg10: memref<128x40xf32, #tpu.memory_space<vmem>>, %arg11: memref<256x256xf32, #tpu.memory_space<vmem>>, %arg12: memref<256x384xi32, #tpu.memory_space<vmem>>, %arg13: memref<128x512xbf16, #tpu.memory_space<vmem>>, %arg14: memref<256x256xf32, #tpu.memory_space<vmem>>, %arg15: memref<256x256xf32, #tpu.memory_space<vmem>>, %arg16: memref<1x256xf32, #tpu.memory_space<vmem>>) attributes {dimension_semantics = [#tpu.dimension_semantics<arbitrary>], iteration_bounds = array<i64: 16>, scalar_prefetch = 0 : i64, scratch_operands = 3 : i64, tpu.core_type = #tpu.core_type<tc>, window_params = [{transform_indices = @transform_0, window_bounds = array<i64: 256, 256>}, {transform_indices = @transform_1, window_bounds = array<i64: 256, 128>}, {pipeline_mode = #tpu.pipeline_mode<synchronous>, transform_indices = @transform_2, window_bounds = array<i64: 256, 256>}, {pipeline_mode = #tpu.pipeline_mode<synchronous>, transform_indices = @transform_3, window_bounds = array<i64: 256, 256>}, {pipeline_mode = #tpu.pipeline_mode<synchronous>, transform_indices = @transform_4, window_bounds = array<i64: 256, 256>}, {pipeline_mode = #tpu.pipeline_mode<synchronous>, transform_indices = @transform_5, window_bounds = array<i64: 256, 256>}, {pipeline_mode = #tpu.pipeline_mode<synchronous>, transform_indices = @transform_6, window_bounds = array<i64: 1, 256>}, {pipeline_mode = #tpu.pipeline_mode<synchronous>, transform_indices = @transform_7, window_bounds = array<i64: 1, 256>}, {pipeline_mode = #tpu.pipeline_mode<synchronous>, transform_indices = @transform_8, window_bounds = array<i64: 40, 256>}, {pipeline_mode = #tpu.pipeline_mode<synchronous>, transform_indices = @transform_9, window_bounds = array<i64: 128, 40>}, {transform_indices = @transform_10, window_bounds = array<i64: 256, 256>}, {transform_indices = @transform_11, window_bounds = array<i64: 256, 384>}, {pipeline_mode = #tpu.pipeline_mode<synchronous>, transform_indices = @transform_12, window_bounds = array<i64: 128, 512>}]} {
    %eq3A = arith.constant 0 : i32
    %eq3A_0 = arith.cmpi eq, %arg0, %eq3A : i32
    %convert_element_type3A = arith.extui %eq3A_0 : i1 to i32
    %cond3A = arith.constant 0 : i32
    %cond3A_1 = arith.cmpi ne, %convert_element_type3A, %cond3A : i32
    scf.if %cond3A_1 {
      %get3A_80 = arith.constant 0 : index
      %get3A_81 = arith.constant 0 : index
      %get3A_82 = vector.load %arg6[%get3A_80, %get3A_81] : memref<256x256xf32, #tpu.memory_space<vmem>>, vector<256x256xf32>
      %get3A_83 = arith.constant 0 : index
      %get3A_84 = arith.constant 0 : index
      %get3A_85 = vector.load %arg3[%get3A_83, %get3A_84] : memref<256x256xf32, #tpu.memory_space<vmem>>, vector<256x256xf32>
      %dot_general3A_86 = arith.constant dense<0.000000e+00> : vector<256x256xf32>
      %dot_general3A_87 = tpu.matmul %get3A_85, %get3A_82, %dot_general3A_86 {dimension_numbers = #tpu.dot_dimension_numbers<[1], [0], [0], [1], [0, 0, 1, 1], [], []>, transpose_lhs_hint = false} : vector<256x256xf32>, vector<256x256xf32>, vector<256x256xf32> -> vector<256x256xf32>
      %swap3A_88 = arith.constant 0 : index
      %swap3A_89 = arith.constant 0 : index
      %swap3A_90 = vector.load %arg14[%swap3A_88, %swap3A_89] : memref<256x256xf32, #tpu.memory_space<vmem>>, vector<256x256xf32>
      tpu.vector_store %arg14[%swap3A_88, %swap3A_89], %dot_general3A_87 {strides = array<i32>} : memref<256x256xf32, #tpu.memory_space<vmem>>, vector<256x256xf32>,
      %get3A_91 = arith.constant 0 : index
      %get3A_92 = arith.constant 0 : index
      %get3A_93 = vector.load %arg4[%get3A_91, %get3A_92] : memref<256x256xf32, #tpu.memory_space<vmem>>, vector<256x256xf32>
      %dot_general3A_94 = arith.constant dense<0.000000e+00> : vector<256x256xf32>
      %dot_general3A_95 = tpu.matmul %get3A_93, %get3A_82, %dot_general3A_94 {dimension_numbers = #tpu.dot_dimension_numbers<[1], [0], [0], [1], [0, 0, 1, 1], [], []>, transpose_lhs_hint = false} : vector<256x256xf32>, vector<256x256xf32>, vector<256x256xf32> -> vector<256x256xf32>
      %swap3A_96 = arith.constant 0 : index
      %swap3A_97 = arith.constant 0 : index
      %swap3A_98 = vector.load %arg15[%swap3A_96, %swap3A_97] : memref<256x256xf32, #tpu.memory_space<vmem>>, vector<256x256xf32>
      tpu.vector_store %arg15[%swap3A_96, %swap3A_97], %dot_general3A_95 {strides = array<i32>} : memref<256x256xf32, #tpu.memory_space<vmem>>, vector<256x256xf32>,
      %get3A_99 = arith.constant 0 : index
      %get3A_100 = arith.constant 0 : index
      %get3A_101 = vector.load %arg8[%get3A_99, %get3A_100] : memref<1x256xf32, #tpu.memory_space<vmem>>, vector<1x256xf32>
      %dot_general3A_102 = arith.constant dense<0.000000e+00> : vector<1x256xf32>
      %dot_general3A_103 = tpu.matmul %get3A_101, %get3A_82, %dot_general3A_102 {dimension_numbers = #tpu.dot_dimension_numbers<[1], [0], [0], [1], [0, 0, 1, 1], [], []>, transpose_lhs_hint = false} : vector<1x256xf32>, vector<256x256xf32>, vector<1x256xf32> -> vector<1x256xf32>
      %get3A_104 = arith.constant 0 : index
      %get3A_105 = arith.constant 0 : index
      %get3A_106 = vector.load %arg7[%get3A_104, %get3A_105] : memref<1x256xf32, #tpu.memory_space<vmem>>, vector<1x256xf32>
      %add3A_107 = arith.addf %dot_general3A_103, %get3A_106 : vector<1x256xf32>
      %swap3A_108 = arith.constant 0 : index
      %swap3A_109 = arith.constant 0 : index
      %swap3A_110 = vector.load %arg16[%swap3A_108, %swap3A_109] : memref<1x256xf32, #tpu.memory_space<vmem>>, vector<1x256xf32>
      tpu.vector_store %arg16[%swap3A_108, %swap3A_109], %add3A_107 {strides = array<i32>} : memref<1x256xf32, #tpu.memory_space<vmem>>, vector<1x256xf32>,
      %get3A_111 = arith.constant 0 : index
      %get3A_112 = arith.constant 0 : index
      %get3A_113 = vector.load %arg10[%get3A_111, %get3A_112] : memref<128x40xf32, #tpu.memory_space<vmem>>, vector<128x40xf32>
      %get3A_114 = arith.constant 0 : index
      %get3A_115 = arith.constant 0 : index
      %get3A_116 = vector.load %arg9[%get3A_114, %get3A_115] : memref<40x256xf32, #tpu.memory_space<vmem>>, vector<40x256xf32>
      %dot_general3A_117 = arith.constant dense<0.000000e+00> : vector<40x256xf32>
      %dot_general3A_118 = tpu.matmul %get3A_116, %get3A_82, %dot_general3A_117 {dimension_numbers = #tpu.dot_dimension_numbers<[1], [0], [0], [1], [0, 0, 1, 1], [], []>, transpose_lhs_hint = false} : vector<40x256xf32>, vector<256x256xf32>, vector<40x256xf32> -> vector<40x256xf32>
      %dot_general3A_119 = arith.constant dense<0.000000e+00> : vector<128x256xf32>
      %dot_general3A_120 = tpu.matmul %get3A_113, %dot_general3A_118, %dot_general3A_119 {dimension_numbers = #tpu.dot_dimension_numbers<[1], [0], [0], [1], [0, 0, 1, 1], [], []>, transpose_lhs_hint = false} : vector<128x40xf32>, vector<40x256xf32>, vector<128x256xf32> -> vector<128x256xf32>
      %convert_element_type3A_121 = arith.truncf %dot_general3A_120 : vector<128x256xf32> to vector<128x256xbf16>
      %swap3A_122 = arith.constant 0 : index
      %swap3A_123 = arith.constant 0 : index
      %swap3A_124 = vector.load %arg13[%swap3A_122, %swap3A_123] : memref<128x512xbf16, #tpu.memory_space<vmem>>, vector<128x256xbf16>
      tpu.vector_store %arg13[%swap3A_122, %swap3A_123], %convert_element_type3A_121 {strides = array<i32>} : memref<128x512xbf16, #tpu.memory_space<vmem>>, vector<128x256xbf16>,
      %get3A_125 = arith.constant 0 : index
      %get3A_126 = arith.constant 0 : index
      %get3A_127 = vector.load %arg9[%get3A_125, %get3A_126] : memref<40x256xf32, #tpu.memory_space<vmem>>, vector<40x256xf32>
      %dot_general3A_128 = arith.constant dense<0.000000e+00> : vector<128x256xf32>
      %dot_general3A_129 = tpu.matmul %get3A_113, %get3A_127, %dot_general3A_128 {dimension_numbers = #tpu.dot_dimension_numbers<[1], [0], [0], [1], [0, 0, 1, 1], [], []>, transpose_lhs_hint = false} : vector<128x40xf32>, vector<40x256xf32>, vector<128x256xf32> -> vector<128x256xf32>
      %convert_element_type3A_130 = arith.truncf %dot_general3A_129 : vector<128x256xf32> to vector<128x256xbf16>
      %swap3A_131 = arith.constant 0 : index
      %swap3A_132 = arith.constant 256 : index
      %swap3A_133 = vector.load %arg13[%swap3A_131, %swap3A_132] : memref<128x512xbf16, #tpu.memory_space<vmem>>, vector<128x256xbf16>
      tpu.vector_store %arg13[%swap3A_131, %swap3A_132], %convert_element_type3A_130 {strides = array<i32>} : memref<128x512xbf16, #tpu.memory_space<vmem>>, vector<128x256xbf16>,
    } else {
    }
    %get3A = arith.constant 0 : index
    %get3A_2 = arith.constant 0 : index
    %get3A_3 = vector.load %arg1[%get3A, %get3A_2] : memref<256x256xf32, #tpu.memory_space<vmem>>, vector<256x256xf32>
    %get3A_4 = arith.constant 0 : index
    %get3A_5 = arith.constant 0 : index
    %get3A_6 = vector.load %arg14[%get3A_4, %get3A_5] : memref<256x256xf32, #tpu.memory_space<vmem>>, vector<256x256xf32>
    %dot_general3A = arith.constant dense<0.000000e+00> : vector<256x256xf32>
    %dot_general3A_7 = tpu.matmul %get3A_3, %get3A_6, %dot_general3A {dimension_numbers = #tpu.dot_dimension_numbers<[1], [0], [0], [1], [0, 0, 1, 1], [], []>, transpose_lhs_hint = false} : vector<256x256xf32>, vector<256x256xf32>, vector<256x256xf32> -> vector<256x256xf32>
    %get3A_8 = arith.constant 0 : index
    %get3A_9 = arith.constant 0 : index
    %get3A_10 = vector.load %arg16[%get3A_8, %get3A_9] : memref<1x256xf32, #tpu.memory_space<vmem>>, vector<1x256xf32>
    %add3A = vector.broadcast %get3A_10 : vector<1x256xf32> to vector<256x256xf32>
    %add3A_11 = arith.addf %dot_general3A_7, %add3A : vector<256x256xf32>
    %swap3A = arith.constant 0 : index
    %swap3A_12 = arith.constant 0 : index
    %swap3A_13 = vector.load %arg11[%swap3A, %swap3A_12] : memref<256x256xf32, #tpu.memory_space<vmem>>, vector<256x256xf32>
    tpu.vector_store %arg11[%swap3A, %swap3A_12], %add3A_11 {strides = array<i32>} : memref<256x256xf32, #tpu.memory_space<vmem>>, vector<256x256xf32>,
    %get3A_14 = arith.constant 0 : index
    %get3A_15 = arith.constant 0 : index
    %get3A_16 = vector.load %arg15[%get3A_14, %get3A_15] : memref<256x256xf32, #tpu.memory_space<vmem>>, vector<256x256xf32>
    %dot_general3A_17 = arith.constant dense<0.000000e+00> : vector<256x256xf32>
    %dot_general3A_18 = tpu.matmul %get3A_3, %get3A_16, %dot_general3A_17 {dimension_numbers = #tpu.dot_dimension_numbers<[1], [0], [0], [1], [0, 0, 1, 1], [], []>, transpose_lhs_hint = false} : vector<256x256xf32>, vector<256x256xf32>, vector<256x256xf32> -> vector<256x256xf32>
    %get3A_19 = arith.constant 0 : index
    %get3A_20 = arith.constant 0 : index
    %get3A_21 = vector.load %arg5[%get3A_19, %get3A_20] : memref<256x256xf32, #tpu.memory_space<vmem>>, vector<256x256xf32>
    %dot_general3A_22 = arith.constant dense<0.000000e+00> : vector<256x256xf32>
    %dot_general3A_23 = tpu.matmul %get3A_3, %get3A_21, %dot_general3A_22 {dimension_numbers = #tpu.dot_dimension_numbers<[1], [0], [0], [1], [0, 0, 1, 1], [], []>, transpose_lhs_hint = false} : vector<256x256xf32>, vector<256x256xf32>, vector<256x256xf32> -> vector<256x256xf32>
    %get3A_24 = arith.constant 0 : index
    %get3A_25 = arith.constant 0 : index
    %get3A_26 = vector.load %arg2[%get3A_24, %get3A_25] : memref<256x128xf32, #tpu.memory_space<vmem>>, vector<256x128xf32>
    %slice3A = vector.extract_strided_slice %dot_general3A_18 {offsets = [0, 0], sizes = [256, 128], strides = [1, 1]} : vector<256x256xf32> to vector<256x128xf32>
    %slice3A_27 = vector.extract_strided_slice %dot_general3A_18 {offsets = [0, 128], sizes = [256, 128], strides = [1, 1]} : vector<256x256xf32> to vector<256x128xf32>
    %convert_element_type3A_28 = arith.truncf %slice3A : vector<256x128xf32> to vector<256x128xbf16>
    %convert_element_type3A_29 = arith.extf %convert_element_type3A_28 : vector<256x128xbf16> to vector<256x128xf32>
    %bitcast_convert_type3A = tpu.bitcast %convert_element_type3A_29 : vector<256x128xf32> -> vector<256x128xi32>
    %convert_element_type3A_30 = arith.truncf %slice3A_27 : vector<256x128xf32> to vector<256x128xbf16>
    %convert_element_type3A_31 = arith.extf %convert_element_type3A_30 : vector<256x128xbf16> to vector<256x128xf32>
    %bitcast_convert_type3A_32 = tpu.bitcast %convert_element_type3A_31 : vector<256x128xf32> -> vector<256x128xi32>
    %and3A = arith.constant -65536 : i32
    %and3A_33 = vector.broadcast %and3A : i32 to vector<256x128xi32>
    %and3A_34 = arith.andi %bitcast_convert_type3A_32, %and3A_33 : vector<256x128xi32>
    %shift_right_logical3A = arith.constant 16 : i32
    %shift_right_logical3A_35 = vector.broadcast %shift_right_logical3A : i32 to vector<256x128xi32>
    %shift_right_logical3A_36 = arith.shrui %bitcast_convert_type3A, %shift_right_logical3A_35 : vector<256x128xi32>
    %or3A = arith.ori %and3A_34, %shift_right_logical3A_36 : vector<256x128xi32>
    %swap3A_37 = arith.constant 0 : index
    %swap3A_38 = arith.constant 0 : index
    %swap3A_39 = vector.load %arg12[%swap3A_37, %swap3A_38] : memref<256x384xi32, #tpu.memory_space<vmem>>, vector<256x128xi32>
    tpu.vector_store %arg12[%swap3A_37, %swap3A_38], %or3A {strides = array<i32>} : memref<256x384xi32, #tpu.memory_space<vmem>>, vector<256x128xi32>,
    %slice3A_40 = vector.extract_strided_slice %dot_general3A_23 {offsets = [0, 0], sizes = [256, 128], strides = [1, 1]} : vector<256x256xf32> to vector<256x128xf32>
    %slice3A_41 = vector.extract_strided_slice %dot_general3A_23 {offsets = [0, 128], sizes = [256, 128], strides = [1, 1]} : vector<256x256xf32> to vector<256x128xf32>
    %convert_element_type3A_42 = arith.truncf %slice3A_40 : vector<256x128xf32> to vector<256x128xbf16>
    %convert_element_type3A_43 = arith.extf %convert_element_type3A_42 : vector<256x128xbf16> to vector<256x128xf32>
    %bitcast_convert_type3A_44 = tpu.bitcast %convert_element_type3A_43 : vector<256x128xf32> -> vector<256x128xi32>
    %convert_element_type3A_45 = arith.truncf %slice3A_41 : vector<256x128xf32> to vector<256x128xbf16>
    %convert_element_type3A_46 = arith.extf %convert_element_type3A_45 : vector<256x128xbf16> to vector<256x128xf32>
    %bitcast_convert_type3A_47 = tpu.bitcast %convert_element_type3A_46 : vector<256x128xf32> -> vector<256x128xi32>
    %and3A_48 = arith.constant -65536 : i32
    %and3A_49 = vector.broadcast %and3A_48 : i32 to vector<256x128xi32>
    %and3A_50 = arith.andi %bitcast_convert_type3A_47, %and3A_49 : vector<256x128xi32>
    %shift_right_logical3A_51 = arith.constant 16 : i32
    %shift_right_logical3A_52 = vector.broadcast %shift_right_logical3A_51 : i32 to vector<256x128xi32>
    %shift_right_logical3A_53 = arith.shrui %bitcast_convert_type3A_44, %shift_right_logical3A_52 : vector<256x128xi32>
    %or3A_54 = arith.ori %and3A_50, %shift_right_logical3A_53 : vector<256x128xi32>
    %swap3A_55 = arith.constant 0 : index
    %swap3A_56 = arith.constant 128 : index
    %swap3A_57 = vector.load %arg12[%swap3A_55, %swap3A_56] : memref<256x384xi32, #tpu.memory_space<vmem>>, vector<256x128xi32>
    tpu.vector_store %arg12[%swap3A_55, %swap3A_56], %or3A_54 {strides = array<i32>} : memref<256x384xi32, #tpu.memory_space<vmem>>, vector<256x128xi32>,
    %slice3A_58 = vector.extract_strided_slice %get3A_26 {offsets = [0, 0], sizes = [256, 64], strides = [1, 1]} : vector<256x128xf32> to vector<256x64xf32>
    %slice3A_59 = vector.extract_strided_slice %get3A_26 {offsets = [0, 64], sizes = [256, 64], strides = [1, 1]} : vector<256x128xf32> to vector<256x64xf32>
    %convert_element_type3A_60 = arith.truncf %slice3A_58 : vector<256x64xf32> to vector<256x64xbf16>
    %convert_element_type3A_61 = arith.extf %convert_element_type3A_60 : vector<256x64xbf16> to vector<256x64xf32>
    %bitcast_convert_type3A_62 = tpu.bitcast %convert_element_type3A_61 : vector<256x64xf32> -> vector<256x64xi32>
    %convert_element_type3A_63 = arith.truncf %slice3A_59 : vector<256x64xf32> to vector<256x64xbf16>
    %convert_element_type3A_64 = arith.extf %convert_element_type3A_63 : vector<256x64xbf16> to vector<256x64xf32>
    %bitcast_convert_type3A_65 = tpu.bitcast %convert_element_type3A_64 : vector<256x64xf32> -> vector<256x64xi32>
    %and3A_66 = arith.constant -65536 : i32
    %and3A_67 = vector.broadcast %and3A_66 : i32 to vector<256x64xi32>
    %and3A_68 = arith.andi %bitcast_convert_type3A_65, %and3A_67 : vector<256x64xi32>
    %shift_right_logical3A_69 = arith.constant 16 : i32
    %shift_right_logical3A_70 = vector.broadcast %shift_right_logical3A_69 : i32 to vector<256x64xi32>
    %shift_right_logical3A_71 = arith.shrui %bitcast_convert_type3A_62, %shift_right_logical3A_70 : vector<256x64xi32>
    %or3A_72 = arith.ori %and3A_68, %shift_right_logical3A_71 : vector<256x64xi32>
    %swap3A_73 = arith.constant 0 : index
    %swap3A_74 = arith.constant 256 : index
    %swap3A_75 = vector.load %arg12[%swap3A_73, %swap3A_74] : memref<256x384xi32, #tpu.memory_space<vmem>>, vector<256x64xi32>
    tpu.vector_store %arg12[%swap3A_73, %swap3A_74], %or3A_72 {strides = array<i32>} : memref<256x384xi32, #tpu.memory_space<vmem>>, vector<256x64xi32>,
    %broadcast_in_dim3A = arith.constant 0 : i32
    %broadcast_in_dim3A_76 = vector.broadcast %broadcast_in_dim3A : i32 to vector<256x64xi32>
    %swap3A_77 = arith.constant 0 : index
    %swap3A_78 = arith.constant 320 : index
    %swap3A_79 = vector.load %arg12[%swap3A_77, %swap3A_78] : memref<256x384xi32, #tpu.memory_space<vmem>>, vector<256x64xi32>
    tpu.vector_store %arg12[%swap3A_77, %swap3A_78], %broadcast_in_dim3A_76 {strides = array<i32>} : memref<256x384xi32, #tpu.memory_space<vmem>>, vector<256x64xi32>,
    return
  }
  func.func @transform_0(%arg0: i32) -> (i32, i32) {
    %c0_i32 = arith.constant 0 : i32
    %c0_i32_0 = arith.constant 0 : i32
    return %arg0, %c0_i32 : i32, i32
  }
  func.func @transform_1(%arg0: i32) -> (i32, i32) {
    %c0_i32 = arith.constant 0 : i32
    %c0_i32_0 = arith.constant 0 : i32
    return %arg0, %c0_i32 : i32, i32
  }
  func.func @transform_2(%arg0: i32) -> (i32, i32) {
    %c0_i32 = arith.constant 0 : i32
    %c0_i32_0 = arith.constant 0 : i32
    %c0_i32_1 = arith.constant 0 : i32
    return %c0_i32, %c0_i32_0 : i32, i32
  }
  func.func @transform_3(%arg0: i32) -> (i32, i32) {
    %c0_i32 = arith.constant 0 : i32
    %c0_i32_0 = arith.constant 0 : i32
    %c0_i32_1 = arith.constant 0 : i32
    return %c0_i32, %c0_i32_0 : i32, i32
  }
  func.func @transform_4(%arg0: i32) -> (i32, i32) {
    %c0_i32 = arith.constant 0 : i32
    %c0_i32_0 = arith.constant 0 : i32
    %c0_i32_1 = arith.constant 0 : i32
    return %c0_i32, %c0_i32_0 : i32, i32
  }
  func.func @transform_5(%arg0: i32) -> (i32, i32) {
    %c0_i32 = arith.constant 0 : i32
    %c0_i32_0 = arith.constant 0 : i32
    %c0_i32_1 = arith.constant 0 : i32
    return %c0_i32, %c0_i32_0 : i32, i32
  }
  func.func @transform_6(%arg0: i32) -> (i32, i32) {
    %c0_i32 = arith.constant 0 : i32
    %c0_i32_0 = arith.constant 0 : i32
    %c0_i32_1 = arith.constant 0 : i32
    return %c0_i32, %c0_i32_0 : i32, i32
  }
  func.func @transform_7(%arg0: i32) -> (i32, i32) {
    %c0_i32 = arith.constant 0 : i32
    %c0_i32_0 = arith.constant 0 : i32
    %c0_i32_1 = arith.constant 0 : i32
    return %c0_i32, %c0_i32_0 : i32, i32
  }
  func.func @transform_8(%arg0: i32) -> (i32, i32) {
    %c0_i32 = arith.constant 0 : i32
    %c0_i32_0 = arith.constant 0 : i32
    %c0_i32_1 = arith.constant 0 : i32
    return %c0_i32, %c0_i32_0 : i32, i32
  }
  func.func @transform_9(%arg0: i32) -> (i32, i32) {
    %c0_i32 = arith.constant 0 : i32
    %c0_i32_0 = arith.constant 0 : i32
    %c0_i32_1 = arith.constant 0 : i32
    return %c0_i32, %c0_i32_0 : i32, i32
  }
  func.func @transform_10(%arg0: i32) -> (i32, i32) {
    %c0_i32 = arith.constant 0 : i32
    %c0_i32_0 = arith.constant 0 : i32
    return %arg0, %c0_i32 : i32, i32
  }
  func.func @transform_11(%arg0: i32) -> (i32, i32) {
    %c0_i32 = arith.constant 0 : i32
    %c0_i32_0 = arith.constant 0 : i32
    return %arg0, %c0_i32 : i32, i32
  }
  func.func @transform_12(%arg0: i32) -> (i32, i32) {
    %c0_i32 = arith.constant 0 : i32
    %c0_i32_0 = arith.constant 0 : i32
    %c0_i32_1 = arith.constant 0 : i32
    return %c0_i32, %c0_i32_0 : i32, i32
  }
}

module attributes {stable_mosaic.version = 14 : i64} {
  func.func @_edge_body(%arg0: i32, %arg1: memref<64x256xf32, #tpu.memory_space<vmem>>, %arg2: memref<1024x384xi32, #tpu.memory_space<vmem>>, %arg3: memref<64x128xf32, #tpu.memory_space<vmem>>, %arg4: memref<64x256xf32, #tpu.memory_space<vmem>>, %arg5: memref<128x512xbf16, #tpu.memory_space<vmem>>, %arg6: memref<256x256xbf16, #tpu.memory_space<vmem>>, %arg7: memref<1x256xf32, #tpu.memory_space<vmem>>, %arg8: memref<64x256xf32, #tpu.memory_space<vmem>>, %arg9: memref<8x256xf32, #tpu.memory_space<vmem>>, %arg10: memref<8x256xf32, #tpu.memory_space<vmem>>) attributes {dimension_semantics = [#tpu.dimension_semantics<arbitrary>], iteration_bounds = array<i64: 32>, scalar_prefetch = 0 : i64, scratch_operands = 1 : i64, tpu.core_type = #tpu.core_type<tc>, window_params = [{transform_indices = @transform_0, window_bounds = array<i64: 64, 256>}, {transform_indices = @transform_1, window_bounds = array<i64: 1024, 384>}, {transform_indices = @transform_2, window_bounds = array<i64: 64, 128>}, {transform_indices = @transform_3, window_bounds = array<i64: 64, 256>}, {pipeline_mode = #tpu.pipeline_mode<synchronous>, transform_indices = @transform_4, window_bounds = array<i64: 128, 512>}, {pipeline_mode = #tpu.pipeline_mode<synchronous>, transform_indices = @transform_5, window_bounds = array<i64: 256, 256>}, {pipeline_mode = #tpu.pipeline_mode<synchronous>, transform_indices = @transform_6, window_bounds = array<i64: 1, 256>}, {transform_indices = @transform_7, window_bounds = array<i64: 64, 256>}, {pipeline_mode = #tpu.pipeline_mode<synchronous>, transform_indices = @transform_8, window_bounds = array<i64: 8, 256>}]} {
    %get3A = arith.constant 0 : index
    %get3A_0 = arith.constant 0 : index
    %get3A_1 = vector.load %arg1[%get3A, %get3A_0] : memref<64x256xf32, #tpu.memory_space<vmem>>, vector<64x256xf32>
    %reshape3A = vector.shape_cast %get3A_1 : vector<64x256xf32> to vector<64x1x256xf32>
    %broadcast_in_dim3A = vector.shape_cast %reshape3A : vector<64x1x256xf32> to vector<64x1x256xf32>
    %broadcast_in_dim3A_2 = vector.broadcast %broadcast_in_dim3A : vector<64x1x256xf32> to vector<64x16x256xf32>
    %reshape3A_3 = vector.shape_cast %broadcast_in_dim3A_2 : vector<64x16x256xf32> to vector<1024x256xf32>
    %get3A_4 = arith.constant 0 : index
    %get3A_5 = arith.constant 0 : index
    %get3A_6 = vector.load %arg3[%get3A_4, %get3A_5] : memref<64x128xf32, #tpu.memory_space<vmem>>, vector<64x128xf32>
    %reshape3A_7 = vector.shape_cast %get3A_6 : vector<64x128xf32> to vector<64x1x128xf32>
    %broadcast_in_dim3A_8 = vector.shape_cast %reshape3A_7 : vector<64x1x128xf32> to vector<64x1x128xf32>
    %broadcast_in_dim3A_9 = vector.broadcast %broadcast_in_dim3A_8 : vector<64x1x128xf32> to vector<64x16x128xf32>
    %reshape3A_10 = vector.shape_cast %broadcast_in_dim3A_9 : vector<64x16x128xf32> to vector<1024x128xf32>
    %get3A_11 = arith.constant 0 : index
    %get3A_12 = arith.constant 0 : index
    %get3A_13 = vector.load %arg2[%get3A_11, %get3A_12] : memref<1024x384xi32, #tpu.memory_space<vmem>>, vector<1024x384xi32>
    %slice3A = vector.extract_strided_slice %get3A_13 {offsets = [0, 0], sizes = [1024, 128], strides = [1, 1]} : vector<1024x384xi32> to vector<1024x128xi32>
    %shift_left3A = arith.constant 16 : i32
    %shift_left3A_14 = vector.broadcast %shift_left3A : i32 to vector<1024x128xi32>
    %shift_left3A_15 = arith.shli %slice3A, %shift_left3A_14 : vector<1024x128xi32>
    %bitcast_convert_type3A = tpu.bitcast %shift_left3A_15 : vector<1024x128xi32> -> vector<1024x128xf32>
    %and3A = arith.constant -65536 : i32
    %and3A_16 = vector.broadcast %and3A : i32 to vector<1024x128xi32>
    %and3A_17 = arith.andi %slice3A, %and3A_16 : vector<1024x128xi32>
    %bitcast_convert_type3A_18 = tpu.bitcast %and3A_17 : vector<1024x128xi32> -> vector<1024x128xf32>
    %slice3A_19 = vector.extract_strided_slice %get3A_13 {offsets = [0, 128], sizes = [1024, 128], strides = [1, 1]} : vector<1024x384xi32> to vector<1024x128xi32>
    %shift_left3A_20 = arith.constant 16 : i32
    %shift_left3A_21 = vector.broadcast %shift_left3A_20 : i32 to vector<1024x128xi32>
    %shift_left3A_22 = arith.shli %slice3A_19, %shift_left3A_21 : vector<1024x128xi32>
    %bitcast_convert_type3A_23 = tpu.bitcast %shift_left3A_22 : vector<1024x128xi32> -> vector<1024x128xf32>
    %and3A_24 = arith.constant -65536 : i32
    %and3A_25 = vector.broadcast %and3A_24 : i32 to vector<1024x128xi32>
    %and3A_26 = arith.andi %slice3A_19, %and3A_25 : vector<1024x128xi32>
    %bitcast_convert_type3A_27 = tpu.bitcast %and3A_26 : vector<1024x128xi32> -> vector<1024x128xf32>
    %slice3A_28 = vector.extract_strided_slice %get3A_13 {offsets = [0, 256], sizes = [1024, 64], strides = [1, 1]} : vector<1024x384xi32> to vector<1024x64xi32>
    %shift_left3A_29 = arith.constant 16 : i32
    %shift_left3A_30 = vector.broadcast %shift_left3A_29 : i32 to vector<1024x64xi32>
    %shift_left3A_31 = arith.shli %slice3A_28, %shift_left3A_30 : vector<1024x64xi32>
    %bitcast_convert_type3A_32 = tpu.bitcast %shift_left3A_31 : vector<1024x64xi32> -> vector<1024x64xf32>
    %and3A_33 = arith.constant -65536 : i32
    %and3A_34 = vector.broadcast %and3A_33 : i32 to vector<1024x64xi32>
    %and3A_35 = arith.andi %slice3A_28, %and3A_34 : vector<1024x64xi32>
    %bitcast_convert_type3A_36 = tpu.bitcast %and3A_35 : vector<1024x64xi32> -> vector<1024x64xf32>
    %concatenate3A = tpu.concatenate %bitcast_convert_type3A, %bitcast_convert_type3A_18 in 1 : vector<1024x128xf32>, vector<1024x128xf32> -> vector<1024x256xf32>
    %concatenate3A_37 = tpu.concatenate %bitcast_convert_type3A_23, %bitcast_convert_type3A_27 in 1 : vector<1024x128xf32>, vector<1024x128xf32> -> vector<1024x256xf32>
    %concatenate3A_38 = tpu.concatenate %bitcast_convert_type3A_32, %bitcast_convert_type3A_36 in 1 : vector<1024x64xf32>, vector<1024x64xf32> -> vector<1024x128xf32>
    %mul3A = arith.mulf %reshape3A_10, %concatenate3A_38 : vector<1024x128xf32>
    %convert_element_type3A = arith.truncf %mul3A : vector<1024x128xf32> to vector<1024x128xbf16>
    %get3A_39 = arith.constant 0 : index
    %get3A_40 = arith.constant 0 : index
    %get3A_41 = vector.load %arg5[%get3A_39, %get3A_40] : memref<128x512xbf16, #tpu.memory_space<vmem>>, vector<128x512xbf16>
    %dot_general3A = arith.constant dense<0.000000e+00> : vector<1024x512xf32>
    %dot_general3A_42 = tpu.matmul %convert_element_type3A, %get3A_41, %dot_general3A {dimension_numbers = #tpu.dot_dimension_numbers<[1], [0], [0], [1], [0, 0, 1, 1], [], []>, transpose_lhs_hint = false} : vector<1024x128xbf16>, vector<128x512xbf16>, vector<1024x512xf32> -> vector<1024x512xf32>
    %sub3A = arith.subf %reshape3A_3, %concatenate3A : vector<1024x256xf32>
    %slice3A_43 = vector.extract_strided_slice %dot_general3A_42 {offsets = [0, 0], sizes = [1024, 256], strides = [1, 1]} : vector<1024x512xf32> to vector<1024x256xf32>
    %add3A = arith.addf %sub3A, %slice3A_43 : vector<1024x256xf32>
    %max3A = arith.constant 0.000000e+00 : f32
    %max3A_44 = vector.broadcast %max3A : f32 to vector<1024x256xf32>
    %max3A_45 = arith.maximumf %add3A, %max3A_44 : vector<1024x256xf32>
    %convert_element_type3A_46 = arith.truncf %max3A_45 : vector<1024x256xf32> to vector<1024x256xbf16>
    %get3A_47 = arith.constant 0 : index
    %get3A_48 = arith.constant 0 : index
    %get3A_49 = vector.load %arg6[%get3A_47, %get3A_48] : memref<256x256xbf16, #tpu.memory_space<vmem>>, vector<256x256xbf16>
    %dot_general3A_50 = arith.constant dense<0.000000e+00> : vector<1024x256xf32>
    %dot_general3A_51 = tpu.matmul %convert_element_type3A_46, %get3A_49, %dot_general3A_50 {dimension_numbers = #tpu.dot_dimension_numbers<[1], [0], [0], [1], [0, 0, 1, 1], [], []>, transpose_lhs_hint = false} : vector<1024x256xbf16>, vector<256x256xbf16>, vector<1024x256xf32> -> vector<1024x256xf32>
    %reshape3A_52 = vector.shape_cast %dot_general3A_51 : vector<1024x256xf32> to vector<64x16x256xf32>
    %reduce_max3A = arith.constant dense<0xFF800000> : vector<64x256xf32>
    %reduce_max3A_53 = vector.multi_reduction <maximumf>, %reshape3A_52, %reduce_max3A [1] : vector<64x16x256xf32> to vector<64x256xf32>
    %broadcast_in_dim3A_54 = vector.shape_cast %reduce_max3A_53 : vector<64x256xf32> to vector<64x1x256xf32>
    %sub3A_55 = vector.broadcast %broadcast_in_dim3A_54 : vector<64x1x256xf32> to vector<64x16x256xf32>
    %sub3A_56 = arith.subf %reshape3A_52, %sub3A_55 : vector<64x16x256xf32>
    %exp3A = math.exp %sub3A_56 : vector<64x16x256xf32>
    %reduce_sum3A = arith.constant dense<0.000000e+00> : vector<64x256xf32>
    %reduce_sum3A_57 = vector.multi_reduction <add>, %exp3A, %reduce_sum3A [1] : vector<64x16x256xf32> to vector<64x256xf32>
    %slice3A_58 = vector.extract_strided_slice %dot_general3A_42 {offsets = [0, 256], sizes = [1024, 256], strides = [1, 1]} : vector<1024x512xf32> to vector<1024x256xf32>
    %add3A_59 = arith.addf %concatenate3A_37, %slice3A_58 : vector<1024x256xf32>
    %reshape3A_60 = vector.shape_cast %add3A_59 : vector<1024x256xf32> to vector<64x16x256xf32>
    %mul3A_61 = arith.mulf %exp3A, %reshape3A_60 : vector<64x16x256xf32>
    %reduce_sum3A_62 = arith.constant dense<0.000000e+00> : vector<64x256xf32>
    %reduce_sum3A_63 = vector.multi_reduction <add>, %mul3A_61, %reduce_sum3A_62 [1] : vector<64x16x256xf32> to vector<64x256xf32>
    %div3A = arith.divf %reduce_sum3A_63, %reduce_sum3A_57 : vector<64x256xf32>
    %get3A_64 = arith.constant 0 : index
    %get3A_65 = arith.constant 0 : index
    %get3A_66 = vector.load %arg7[%get3A_64, %get3A_65] : memref<1x256xf32, #tpu.memory_space<vmem>>, vector<1x256xf32>
    %add3A_67 = vector.broadcast %get3A_66 : vector<1x256xf32> to vector<64x256xf32>
    %add3A_68 = arith.addf %div3A, %add3A_67 : vector<64x256xf32>
    %get3A_69 = arith.constant 0 : index
    %get3A_70 = arith.constant 0 : index
    %get3A_71 = vector.load %arg4[%get3A_69, %get3A_70] : memref<64x256xf32, #tpu.memory_space<vmem>>, vector<64x256xf32>
    %add3A_72 = arith.addf %add3A_68, %get3A_71 : vector<64x256xf32>
    %swap3A = arith.constant 0 : index
    %swap3A_73 = arith.constant 0 : index
    %swap3A_74 = vector.load %arg8[%swap3A, %swap3A_73] : memref<64x256xf32, #tpu.memory_space<vmem>>, vector<64x256xf32>
    tpu.vector_store %arg8[%swap3A, %swap3A_73], %add3A_72 {strides = array<i32>} : memref<64x256xf32, #tpu.memory_space<vmem>>, vector<64x256xf32>,
    %eq3A = arith.constant 0 : i32
    %eq3A_75 = arith.cmpi eq, %arg0, %eq3A : i32
    %convert_element_type3A_76 = arith.extui %eq3A_75 : i1 to i32
    %cond3A = arith.constant 0 : i32
    %cond3A_77 = arith.cmpi ne, %convert_element_type3A_76, %cond3A : i32
    scf.if %cond3A_77 {
      %broadcast_in_dim3A_104 = arith.constant 0.000000e+00 : f32
      %broadcast_in_dim3A_105 = vector.broadcast %broadcast_in_dim3A_104 : f32 to vector<8x256xf32>
      %swap3A_106 = arith.constant 0 : index
      %swap3A_107 = arith.constant 0 : index
      %swap3A_108 = vector.load %arg10[%swap3A_106, %swap3A_107] : memref<8x256xf32, #tpu.memory_space<vmem>>, vector<8x256xf32>
      tpu.vector_store %arg10[%swap3A_106, %swap3A_107], %broadcast_in_dim3A_105 {strides = array<i32>} : memref<8x256xf32, #tpu.memory_space<vmem>>, vector<8x256xf32>,
    } else {
    }
    %get3A_78 = arith.constant 0 : index
    %get3A_79 = arith.constant 0 : index
    %get3A_80 = vector.load %arg10[%get3A_78, %get3A_79] : memref<8x256xf32, #tpu.memory_space<vmem>>, vector<1x256xf32>
    %reduce_sum3A_81 = arith.constant dense<0.000000e+00> : vector<256xf32>
    %reduce_sum3A_82 = vector.multi_reduction <add>, %add3A_72, %reduce_sum3A_81 [0] : vector<64x256xf32> to vector<256xf32>
    %broadcast_in_dim3A_83 = vector.shape_cast %reduce_sum3A_82 : vector<256xf32> to vector<1x256xf32>
    %add3A_84 = arith.addf %get3A_80, %broadcast_in_dim3A_83 : vector<1x256xf32>
    %swap3A_85 = arith.constant 0 : index
    %swap3A_86 = arith.constant 0 : index
    %swap3A_87 = vector.load %arg10[%swap3A_85, %swap3A_86] : memref<8x256xf32, #tpu.memory_space<vmem>>, vector<1x256xf32>
    tpu.vector_store %arg10[%swap3A_85, %swap3A_86], %add3A_84 {strides = array<i32>} : memref<8x256xf32, #tpu.memory_space<vmem>>, vector<1x256xf32>,
    %get3A_88 = arith.constant 1 : index
    %get3A_89 = arith.constant 0 : index
    %get3A_90 = vector.load %arg10[%get3A_88, %get3A_89] : memref<8x256xf32, #tpu.memory_space<vmem>>, vector<1x256xf32>
    %mul3A_91 = arith.mulf %add3A_72, %add3A_72 : vector<64x256xf32>
    %reduce_sum3A_92 = arith.constant dense<0.000000e+00> : vector<256xf32>
    %reduce_sum3A_93 = vector.multi_reduction <add>, %mul3A_91, %reduce_sum3A_92 [0] : vector<64x256xf32> to vector<256xf32>
    %broadcast_in_dim3A_94 = vector.shape_cast %reduce_sum3A_93 : vector<256xf32> to vector<1x256xf32>
    %add3A_95 = arith.addf %get3A_90, %broadcast_in_dim3A_94 : vector<1x256xf32>
    %swap3A_96 = arith.constant 1 : index
    %swap3A_97 = arith.constant 0 : index
    %swap3A_98 = vector.load %arg10[%swap3A_96, %swap3A_97] : memref<8x256xf32, #tpu.memory_space<vmem>>, vector<1x256xf32>
    tpu.vector_store %arg10[%swap3A_96, %swap3A_97], %add3A_95 {strides = array<i32>} : memref<8x256xf32, #tpu.memory_space<vmem>>, vector<1x256xf32>,
    %eq3A_99 = arith.constant 31 : i32
    %eq3A_100 = arith.cmpi eq, %arg0, %eq3A_99 : i32
    %convert_element_type3A_101 = arith.extui %eq3A_100 : i1 to i32
    %cond3A_102 = arith.constant 0 : i32
    %cond3A_103 = arith.cmpi ne, %convert_element_type3A_101, %cond3A_102 : i32
    scf.if %cond3A_103 {
      %get3A_104 = arith.constant 0 : index
      %get3A_105 = arith.constant 0 : index
      %get3A_106 = vector.load %arg10[%get3A_104, %get3A_105] : memref<8x256xf32, #tpu.memory_space<vmem>>, vector<8x256xf32>
      %swap3A_107 = arith.constant 0 : index
      %swap3A_108 = arith.constant 0 : index
      %swap3A_109 = vector.load %arg9[%swap3A_107, %swap3A_108] : memref<8x256xf32, #tpu.memory_space<vmem>>, vector<8x256xf32>
      tpu.vector_store %arg9[%swap3A_107, %swap3A_108], %get3A_106 {strides = array<i32>} : memref<8x256xf32, #tpu.memory_space<vmem>>, vector<8x256xf32>,
    } else {
    }
    return
  }
  func.func @transform_0(%arg0: i32) -> (i32, i32) {
    %add3A = arith.constant 32 : i32
    %add3A_0 = arith.addi %add3A, %arg0 : i32
    %c0_i32 = arith.constant 0 : i32
    %c0_i32_1 = arith.constant 0 : i32
    return %add3A_0, %c0_i32 : i32, i32
  }
  func.func @transform_1(%arg0: i32) -> (i32, i32) {
    %c0_i32 = arith.constant 0 : i32
    %c0_i32_0 = arith.constant 0 : i32
    return %arg0, %c0_i32 : i32, i32
  }
  func.func @transform_2(%arg0: i32) -> (i32, i32) {
    %add3A = arith.constant 32 : i32
    %add3A_0 = arith.addi %add3A, %arg0 : i32
    %c0_i32 = arith.constant 0 : i32
    %c0_i32_1 = arith.constant 0 : i32
    return %add3A_0, %c0_i32 : i32, i32
  }
  func.func @transform_3(%arg0: i32) -> (i32, i32) {
    %add3A = arith.constant 32 : i32
    %add3A_0 = arith.addi %add3A, %arg0 : i32
    %c0_i32 = arith.constant 0 : i32
    %c0_i32_1 = arith.constant 0 : i32
    return %add3A_0, %c0_i32 : i32, i32
  }
  func.func @transform_4(%arg0: i32) -> (i32, i32) {
    %c0_i32 = arith.constant 0 : i32
    %c0_i32_0 = arith.constant 0 : i32
    %c0_i32_1 = arith.constant 0 : i32
    return %c0_i32, %c0_i32_0 : i32, i32
  }
  func.func @transform_5(%arg0: i32) -> (i32, i32) {
    %c0_i32 = arith.constant 0 : i32
    %c0_i32_0 = arith.constant 0 : i32
    %c0_i32_1 = arith.constant 0 : i32
    return %c0_i32, %c0_i32_0 : i32, i32
  }
  func.func @transform_6(%arg0: i32) -> (i32, i32) {
    %c0_i32 = arith.constant 0 : i32
    %c0_i32_0 = arith.constant 0 : i32
    %c0_i32_1 = arith.constant 0 : i32
    return %c0_i32, %c0_i32_0 : i32, i32
  }
  func.func @transform_7(%arg0: i32) -> (i32, i32) {
    %c0_i32 = arith.constant 0 : i32
    %c0_i32_0 = arith.constant 0 : i32
    return %arg0, %c0_i32 : i32, i32
  }
  func.func @transform_8(%arg0: i32) -> (i32, i32) {
    %c0_i32 = arith.constant 0 : i32
    %c0_i32_0 = arith.constant 0 : i32
    %c0_i32_1 = arith.constant 0 : i32
    return %c0_i32, %c0_i32_0 : i32, i32
  }
}

module attributes {stable_mosaic.version = 14 : i64} {
  func.func @_edge_body(%arg0: i32, %arg1: memref<64x256xf32, #tpu.memory_space<vmem>>, %arg2: memref<1024x384xi32, #tpu.memory_space<vmem>>, %arg3: memref<64x128xf32, #tpu.memory_space<vmem>>, %arg4: memref<64x256xf32, #tpu.memory_space<vmem>>, %arg5: memref<128x512xbf16, #tpu.memory_space<vmem>>, %arg6: memref<256x256xbf16, #tpu.memory_space<vmem>>, %arg7: memref<1x256xf32, #tpu.memory_space<vmem>>, %arg8: memref<64x256xf32, #tpu.memory_space<vmem>>, %arg9: memref<8x256xf32, #tpu.memory_space<vmem>>, %arg10: memref<8x256xf32, #tpu.memory_space<vmem>>) attributes {dimension_semantics = [#tpu.dimension_semantics<arbitrary>], iteration_bounds = array<i64: 32>, scalar_prefetch = 0 : i64, scratch_operands = 1 : i64, tpu.core_type = #tpu.core_type<tc>, window_params = [{transform_indices = @transform_0, window_bounds = array<i64: 64, 256>}, {transform_indices = @transform_1, window_bounds = array<i64: 1024, 384>}, {transform_indices = @transform_2, window_bounds = array<i64: 64, 128>}, {transform_indices = @transform_3, window_bounds = array<i64: 64, 256>}, {pipeline_mode = #tpu.pipeline_mode<synchronous>, transform_indices = @transform_4, window_bounds = array<i64: 128, 512>}, {pipeline_mode = #tpu.pipeline_mode<synchronous>, transform_indices = @transform_5, window_bounds = array<i64: 256, 256>}, {pipeline_mode = #tpu.pipeline_mode<synchronous>, transform_indices = @transform_6, window_bounds = array<i64: 1, 256>}, {transform_indices = @transform_7, window_bounds = array<i64: 64, 256>}, {pipeline_mode = #tpu.pipeline_mode<synchronous>, transform_indices = @transform_8, window_bounds = array<i64: 8, 256>}]} {
    %get3A = arith.constant 0 : index
    %get3A_0 = arith.constant 0 : index
    %get3A_1 = vector.load %arg1[%get3A, %get3A_0] : memref<64x256xf32, #tpu.memory_space<vmem>>, vector<64x256xf32>
    %reshape3A = vector.shape_cast %get3A_1 : vector<64x256xf32> to vector<64x1x256xf32>
    %broadcast_in_dim3A = vector.shape_cast %reshape3A : vector<64x1x256xf32> to vector<64x1x256xf32>
    %broadcast_in_dim3A_2 = vector.broadcast %broadcast_in_dim3A : vector<64x1x256xf32> to vector<64x16x256xf32>
    %reshape3A_3 = vector.shape_cast %broadcast_in_dim3A_2 : vector<64x16x256xf32> to vector<1024x256xf32>
    %get3A_4 = arith.constant 0 : index
    %get3A_5 = arith.constant 0 : index
    %get3A_6 = vector.load %arg3[%get3A_4, %get3A_5] : memref<64x128xf32, #tpu.memory_space<vmem>>, vector<64x128xf32>
    %reshape3A_7 = vector.shape_cast %get3A_6 : vector<64x128xf32> to vector<64x1x128xf32>
    %broadcast_in_dim3A_8 = vector.shape_cast %reshape3A_7 : vector<64x1x128xf32> to vector<64x1x128xf32>
    %broadcast_in_dim3A_9 = vector.broadcast %broadcast_in_dim3A_8 : vector<64x1x128xf32> to vector<64x16x128xf32>
    %reshape3A_10 = vector.shape_cast %broadcast_in_dim3A_9 : vector<64x16x128xf32> to vector<1024x128xf32>
    %get3A_11 = arith.constant 0 : index
    %get3A_12 = arith.constant 0 : index
    %get3A_13 = vector.load %arg2[%get3A_11, %get3A_12] : memref<1024x384xi32, #tpu.memory_space<vmem>>, vector<1024x384xi32>
    %slice3A = vector.extract_strided_slice %get3A_13 {offsets = [0, 0], sizes = [1024, 128], strides = [1, 1]} : vector<1024x384xi32> to vector<1024x128xi32>
    %shift_left3A = arith.constant 16 : i32
    %shift_left3A_14 = vector.broadcast %shift_left3A : i32 to vector<1024x128xi32>
    %shift_left3A_15 = arith.shli %slice3A, %shift_left3A_14 : vector<1024x128xi32>
    %bitcast_convert_type3A = tpu.bitcast %shift_left3A_15 : vector<1024x128xi32> -> vector<1024x128xf32>
    %and3A = arith.constant -65536 : i32
    %and3A_16 = vector.broadcast %and3A : i32 to vector<1024x128xi32>
    %and3A_17 = arith.andi %slice3A, %and3A_16 : vector<1024x128xi32>
    %bitcast_convert_type3A_18 = tpu.bitcast %and3A_17 : vector<1024x128xi32> -> vector<1024x128xf32>
    %slice3A_19 = vector.extract_strided_slice %get3A_13 {offsets = [0, 128], sizes = [1024, 128], strides = [1, 1]} : vector<1024x384xi32> to vector<1024x128xi32>
    %shift_left3A_20 = arith.constant 16 : i32
    %shift_left3A_21 = vector.broadcast %shift_left3A_20 : i32 to vector<1024x128xi32>
    %shift_left3A_22 = arith.shli %slice3A_19, %shift_left3A_21 : vector<1024x128xi32>
    %bitcast_convert_type3A_23 = tpu.bitcast %shift_left3A_22 : vector<1024x128xi32> -> vector<1024x128xf32>
    %and3A_24 = arith.constant -65536 : i32
    %and3A_25 = vector.broadcast %and3A_24 : i32 to vector<1024x128xi32>
    %and3A_26 = arith.andi %slice3A_19, %and3A_25 : vector<1024x128xi32>
    %bitcast_convert_type3A_27 = tpu.bitcast %and3A_26 : vector<1024x128xi32> -> vector<1024x128xf32>
    %slice3A_28 = vector.extract_strided_slice %get3A_13 {offsets = [0, 256], sizes = [1024, 64], strides = [1, 1]} : vector<1024x384xi32> to vector<1024x64xi32>
    %shift_left3A_29 = arith.constant 16 : i32
    %shift_left3A_30 = vector.broadcast %shift_left3A_29 : i32 to vector<1024x64xi32>
    %shift_left3A_31 = arith.shli %slice3A_28, %shift_left3A_30 : vector<1024x64xi32>
    %bitcast_convert_type3A_32 = tpu.bitcast %shift_left3A_31 : vector<1024x64xi32> -> vector<1024x64xf32>
    %and3A_33 = arith.constant -65536 : i32
    %and3A_34 = vector.broadcast %and3A_33 : i32 to vector<1024x64xi32>
    %and3A_35 = arith.andi %slice3A_28, %and3A_34 : vector<1024x64xi32>
    %bitcast_convert_type3A_36 = tpu.bitcast %and3A_35 : vector<1024x64xi32> -> vector<1024x64xf32>
    %concatenate3A = tpu.concatenate %bitcast_convert_type3A, %bitcast_convert_type3A_18 in 1 : vector<1024x128xf32>, vector<1024x128xf32> -> vector<1024x256xf32>
    %concatenate3A_37 = tpu.concatenate %bitcast_convert_type3A_23, %bitcast_convert_type3A_27 in 1 : vector<1024x128xf32>, vector<1024x128xf32> -> vector<1024x256xf32>
    %concatenate3A_38 = tpu.concatenate %bitcast_convert_type3A_32, %bitcast_convert_type3A_36 in 1 : vector<1024x64xf32>, vector<1024x64xf32> -> vector<1024x128xf32>
    %mul3A = arith.mulf %reshape3A_10, %concatenate3A_38 : vector<1024x128xf32>
    %convert_element_type3A = arith.truncf %mul3A : vector<1024x128xf32> to vector<1024x128xbf16>
    %get3A_39 = arith.constant 0 : index
    %get3A_40 = arith.constant 0 : index
    %get3A_41 = vector.load %arg5[%get3A_39, %get3A_40] : memref<128x512xbf16, #tpu.memory_space<vmem>>, vector<128x512xbf16>
    %dot_general3A = arith.constant dense<0.000000e+00> : vector<1024x512xf32>
    %dot_general3A_42 = tpu.matmul %convert_element_type3A, %get3A_41, %dot_general3A {dimension_numbers = #tpu.dot_dimension_numbers<[1], [0], [0], [1], [0, 0, 1, 1], [], []>, transpose_lhs_hint = false} : vector<1024x128xbf16>, vector<128x512xbf16>, vector<1024x512xf32> -> vector<1024x512xf32>
    %sub3A = arith.subf %reshape3A_3, %concatenate3A : vector<1024x256xf32>
    %slice3A_43 = vector.extract_strided_slice %dot_general3A_42 {offsets = [0, 0], sizes = [1024, 256], strides = [1, 1]} : vector<1024x512xf32> to vector<1024x256xf32>
    %add3A = arith.addf %sub3A, %slice3A_43 : vector<1024x256xf32>
    %max3A = arith.constant 0.000000e+00 : f32
    %max3A_44 = vector.broadcast %max3A : f32 to vector<1024x256xf32>
    %max3A_45 = arith.maximumf %add3A, %max3A_44 : vector<1024x256xf32>
    %convert_element_type3A_46 = arith.truncf %max3A_45 : vector<1024x256xf32> to vector<1024x256xbf16>
    %get3A_47 = arith.constant 0 : index
    %get3A_48 = arith.constant 0 : index
    %get3A_49 = vector.load %arg6[%get3A_47, %get3A_48] : memref<256x256xbf16, #tpu.memory_space<vmem>>, vector<256x256xbf16>
    %dot_general3A_50 = arith.constant dense<0.000000e+00> : vector<1024x256xf32>
    %dot_general3A_51 = tpu.matmul %convert_element_type3A_46, %get3A_49, %dot_general3A_50 {dimension_numbers = #tpu.dot_dimension_numbers<[1], [0], [0], [1], [0, 0, 1, 1], [], []>, transpose_lhs_hint = false} : vector<1024x256xbf16>, vector<256x256xbf16>, vector<1024x256xf32> -> vector<1024x256xf32>
    %reshape3A_52 = vector.shape_cast %dot_general3A_51 : vector<1024x256xf32> to vector<64x16x256xf32>
    %reduce_max3A = arith.constant dense<0xFF800000> : vector<64x256xf32>
    %reduce_max3A_53 = vector.multi_reduction <maximumf>, %reshape3A_52, %reduce_max3A [1] : vector<64x16x256xf32> to vector<64x256xf32>
    %broadcast_in_dim3A_54 = vector.shape_cast %reduce_max3A_53 : vector<64x256xf32> to vector<64x1x256xf32>
    %sub3A_55 = vector.broadcast %broadcast_in_dim3A_54 : vector<64x1x256xf32> to vector<64x16x256xf32>
    %sub3A_56 = arith.subf %reshape3A_52, %sub3A_55 : vector<64x16x256xf32>
    %exp3A = math.exp %sub3A_56 : vector<64x16x256xf32>
    %reduce_sum3A = arith.constant dense<0.000000e+00> : vector<64x256xf32>
    %reduce_sum3A_57 = vector.multi_reduction <add>, %exp3A, %reduce_sum3A [1] : vector<64x16x256xf32> to vector<64x256xf32>
    %slice3A_58 = vector.extract_strided_slice %dot_general3A_42 {offsets = [0, 256], sizes = [1024, 256], strides = [1, 1]} : vector<1024x512xf32> to vector<1024x256xf32>
    %add3A_59 = arith.addf %concatenate3A_37, %slice3A_58 : vector<1024x256xf32>
    %reshape3A_60 = vector.shape_cast %add3A_59 : vector<1024x256xf32> to vector<64x16x256xf32>
    %mul3A_61 = arith.mulf %exp3A, %reshape3A_60 : vector<64x16x256xf32>
    %reduce_sum3A_62 = arith.constant dense<0.000000e+00> : vector<64x256xf32>
    %reduce_sum3A_63 = vector.multi_reduction <add>, %mul3A_61, %reduce_sum3A_62 [1] : vector<64x16x256xf32> to vector<64x256xf32>
    %div3A = arith.divf %reduce_sum3A_63, %reduce_sum3A_57 : vector<64x256xf32>
    %get3A_64 = arith.constant 0 : index
    %get3A_65 = arith.constant 0 : index
    %get3A_66 = vector.load %arg7[%get3A_64, %get3A_65] : memref<1x256xf32, #tpu.memory_space<vmem>>, vector<1x256xf32>
    %add3A_67 = vector.broadcast %get3A_66 : vector<1x256xf32> to vector<64x256xf32>
    %add3A_68 = arith.addf %div3A, %add3A_67 : vector<64x256xf32>
    %get3A_69 = arith.constant 0 : index
    %get3A_70 = arith.constant 0 : index
    %get3A_71 = vector.load %arg4[%get3A_69, %get3A_70] : memref<64x256xf32, #tpu.memory_space<vmem>>, vector<64x256xf32>
    %add3A_72 = arith.addf %add3A_68, %get3A_71 : vector<64x256xf32>
    %swap3A = arith.constant 0 : index
    %swap3A_73 = arith.constant 0 : index
    %swap3A_74 = vector.load %arg8[%swap3A, %swap3A_73] : memref<64x256xf32, #tpu.memory_space<vmem>>, vector<64x256xf32>
    tpu.vector_store %arg8[%swap3A, %swap3A_73], %add3A_72 {strides = array<i32>} : memref<64x256xf32, #tpu.memory_space<vmem>>, vector<64x256xf32>,
    %eq3A = arith.constant 0 : i32
    %eq3A_75 = arith.cmpi eq, %arg0, %eq3A : i32
    %convert_element_type3A_76 = arith.extui %eq3A_75 : i1 to i32
    %cond3A = arith.constant 0 : i32
    %cond3A_77 = arith.cmpi ne, %convert_element_type3A_76, %cond3A : i32
    scf.if %cond3A_77 {
      %broadcast_in_dim3A_104 = arith.constant 0.000000e+00 : f32
      %broadcast_in_dim3A_105 = vector.broadcast %broadcast_in_dim3A_104 : f32 to vector<8x256xf32>
      %swap3A_106 = arith.constant 0 : index
      %swap3A_107 = arith.constant 0 : index
      %swap3A_108 = vector.load %arg10[%swap3A_106, %swap3A_107] : memref<8x256xf32, #tpu.memory_space<vmem>>, vector<8x256xf32>
      tpu.vector_store %arg10[%swap3A_106, %swap3A_107], %broadcast_in_dim3A_105 {strides = array<i32>} : memref<8x256xf32, #tpu.memory_space<vmem>>, vector<8x256xf32>,
    } else {
    }
    %get3A_78 = arith.constant 0 : index
    %get3A_79 = arith.constant 0 : index
    %get3A_80 = vector.load %arg10[%get3A_78, %get3A_79] : memref<8x256xf32, #tpu.memory_space<vmem>>, vector<1x256xf32>
    %reduce_sum3A_81 = arith.constant dense<0.000000e+00> : vector<256xf32>
    %reduce_sum3A_82 = vector.multi_reduction <add>, %add3A_72, %reduce_sum3A_81 [0] : vector<64x256xf32> to vector<256xf32>
    %broadcast_in_dim3A_83 = vector.shape_cast %reduce_sum3A_82 : vector<256xf32> to vector<1x256xf32>
    %add3A_84 = arith.addf %get3A_80, %broadcast_in_dim3A_83 : vector<1x256xf32>
    %swap3A_85 = arith.constant 0 : index
    %swap3A_86 = arith.constant 0 : index
    %swap3A_87 = vector.load %arg10[%swap3A_85, %swap3A_86] : memref<8x256xf32, #tpu.memory_space<vmem>>, vector<1x256xf32>
    tpu.vector_store %arg10[%swap3A_85, %swap3A_86], %add3A_84 {strides = array<i32>} : memref<8x256xf32, #tpu.memory_space<vmem>>, vector<1x256xf32>,
    %get3A_88 = arith.constant 1 : index
    %get3A_89 = arith.constant 0 : index
    %get3A_90 = vector.load %arg10[%get3A_88, %get3A_89] : memref<8x256xf32, #tpu.memory_space<vmem>>, vector<1x256xf32>
    %mul3A_91 = arith.mulf %add3A_72, %add3A_72 : vector<64x256xf32>
    %reduce_sum3A_92 = arith.constant dense<0.000000e+00> : vector<256xf32>
    %reduce_sum3A_93 = vector.multi_reduction <add>, %mul3A_91, %reduce_sum3A_92 [0] : vector<64x256xf32> to vector<256xf32>
    %broadcast_in_dim3A_94 = vector.shape_cast %reduce_sum3A_93 : vector<256xf32> to vector<1x256xf32>
    %add3A_95 = arith.addf %get3A_90, %broadcast_in_dim3A_94 : vector<1x256xf32>
    %swap3A_96 = arith.constant 1 : index
    %swap3A_97 = arith.constant 0 : index
    %swap3A_98 = vector.load %arg10[%swap3A_96, %swap3A_97] : memref<8x256xf32, #tpu.memory_space<vmem>>, vector<1x256xf32>
    tpu.vector_store %arg10[%swap3A_96, %swap3A_97], %add3A_95 {strides = array<i32>} : memref<8x256xf32, #tpu.memory_space<vmem>>, vector<1x256xf32>,
    %eq3A_99 = arith.constant 31 : i32
    %eq3A_100 = arith.cmpi eq, %arg0, %eq3A_99 : i32
    %convert_element_type3A_101 = arith.extui %eq3A_100 : i1 to i32
    %cond3A_102 = arith.constant 0 : i32
    %cond3A_103 = arith.cmpi ne, %convert_element_type3A_101, %cond3A_102 : i32
    scf.if %cond3A_103 {
      %get3A_104 = arith.constant 0 : index
      %get3A_105 = arith.constant 0 : index
      %get3A_106 = vector.load %arg10[%get3A_104, %get3A_105] : memref<8x256xf32, #tpu.memory_space<vmem>>, vector<8x256xf32>
      %swap3A_107 = arith.constant 0 : index
      %swap3A_108 = arith.constant 0 : index
      %swap3A_109 = vector.load %arg9[%swap3A_107, %swap3A_108] : memref<8x256xf32, #tpu.memory_space<vmem>>, vector<8x256xf32>
      tpu.vector_store %arg9[%swap3A_107, %swap3A_108], %get3A_106 {strides = array<i32>} : memref<8x256xf32, #tpu.memory_space<vmem>>, vector<8x256xf32>,
    } else {
    }
    return
  }
  func.func @transform_0(%arg0: i32) -> (i32, i32) {
    %add3A = arith.constant 0 : i32
    %add3A_0 = arith.addi %add3A, %arg0 : i32
    %c0_i32 = arith.constant 0 : i32
    %c0_i32_1 = arith.constant 0 : i32
    return %add3A_0, %c0_i32 : i32, i32
  }
  func.func @transform_1(%arg0: i32) -> (i32, i32) {
    %c0_i32 = arith.constant 0 : i32
    %c0_i32_0 = arith.constant 0 : i32
    return %arg0, %c0_i32 : i32, i32
  }
  func.func @transform_2(%arg0: i32) -> (i32, i32) {
    %add3A = arith.constant 0 : i32
    %add3A_0 = arith.addi %add3A, %arg0 : i32
    %c0_i32 = arith.constant 0 : i32
    %c0_i32_1 = arith.constant 0 : i32
    return %add3A_0, %c0_i32 : i32, i32
  }
  func.func @transform_3(%arg0: i32) -> (i32, i32) {
    %add3A = arith.constant 0 : i32
    %add3A_0 = arith.addi %add3A, %arg0 : i32
    %c0_i32 = arith.constant 0 : i32
    %c0_i32_1 = arith.constant 0 : i32
    return %add3A_0, %c0_i32 : i32, i32
  }
  func.func @transform_4(%arg0: i32) -> (i32, i32) {
    %c0_i32 = arith.constant 0 : i32
    %c0_i32_0 = arith.constant 0 : i32
    %c0_i32_1 = arith.constant 0 : i32
    return %c0_i32, %c0_i32_0 : i32, i32
  }
  func.func @transform_5(%arg0: i32) -> (i32, i32) {
    %c0_i32 = arith.constant 0 : i32
    %c0_i32_0 = arith.constant 0 : i32
    %c0_i32_1 = arith.constant 0 : i32
    return %c0_i32, %c0_i32_0 : i32, i32
  }
  func.func @transform_6(%arg0: i32) -> (i32, i32) {
    %c0_i32 = arith.constant 0 : i32
    %c0_i32_0 = arith.constant 0 : i32
    %c0_i32_1 = arith.constant 0 : i32
    return %c0_i32, %c0_i32_0 : i32, i32
  }
  func.func @transform_7(%arg0: i32) -> (i32, i32) {
    %c0_i32 = arith.constant 0 : i32
    %c0_i32_0 = arith.constant 0 : i32
    return %arg0, %c0_i32 : i32, i32
  }
  func.func @transform_8(%arg0: i32) -> (i32, i32) {
    %c0_i32 = arith.constant 0 : i32
    %c0_i32_0 = arith.constant 0 : i32
    %c0_i32_1 = arith.constant 0 : i32
    return %c0_i32, %c0_i32_0 : i32, i32
  }
}

module attributes {stable_mosaic.version = 14 : i64} {
  func.func @_bn_body(%arg0: i32, %arg1: memref<512x256xf32, #tpu.memory_space<vmem>>, %arg2: memref<8x256xf32, #tpu.memory_space<vmem>>, %arg3: memref<8x256xf32, #tpu.memory_space<vmem>>, %arg4: memref<1x256xf32, #tpu.memory_space<vmem>>, %arg5: memref<1x256xf32, #tpu.memory_space<vmem>>, %arg6: memref<512x256xf32, #tpu.memory_space<vmem>>) attributes {dimension_semantics = [#tpu.dimension_semantics<arbitrary>], iteration_bounds = array<i64: 4>, scalar_prefetch = 0 : i64, scratch_operands = 0 : i64, tpu.core_type = #tpu.core_type<tc>, window_params = [{transform_indices = @transform_0, window_bounds = array<i64: 512, 256>}, {pipeline_mode = #tpu.pipeline_mode<synchronous>, transform_indices = @transform_1, window_bounds = array<i64: 8, 256>}, {pipeline_mode = #tpu.pipeline_mode<synchronous>, transform_indices = @transform_2, window_bounds = array<i64: 8, 256>}, {pipeline_mode = #tpu.pipeline_mode<synchronous>, transform_indices = @transform_3, window_bounds = array<i64: 1, 256>}, {pipeline_mode = #tpu.pipeline_mode<synchronous>, transform_indices = @transform_4, window_bounds = array<i64: 1, 256>}, {transform_indices = @transform_5, window_bounds = array<i64: 512, 256>}]} {
    %get3A = arith.constant 0 : index
    %get3A_0 = arith.constant 0 : index
    %get3A_1 = vector.load %arg2[%get3A, %get3A_0] : memref<8x256xf32, #tpu.memory_space<vmem>>, vector<8x256xf32>
    %get3A_2 = arith.constant 0 : index
    %get3A_3 = arith.constant 0 : index
    %get3A_4 = vector.load %arg3[%get3A_2, %get3A_3] : memref<8x256xf32, #tpu.memory_space<vmem>>, vector<8x256xf32>
    %add3A = arith.addf %get3A_1, %get3A_4 : vector<8x256xf32>
    %slice3A = vector.extract_strided_slice %add3A {offsets = [0, 0], sizes = [1, 256], strides = [1, 1]} : vector<8x256xf32> to vector<1x256xf32>
    %mul3A = arith.constant 2.44140625E-4 : f32
    %mul3A_5 = vector.broadcast %mul3A : f32 to vector<1x256xf32>
    %mul3A_6 = arith.mulf %slice3A, %mul3A_5 : vector<1x256xf32>
    %slice3A_7 = vector.extract_strided_slice %add3A {offsets = [1, 0], sizes = [1, 256], strides = [1, 1]} : vector<8x256xf32> to vector<1x256xf32>
    %mul3A_8 = arith.constant 2.44140625E-4 : f32
    %mul3A_9 = vector.broadcast %mul3A_8 : f32 to vector<1x256xf32>
    %mul3A_10 = arith.mulf %slice3A_7, %mul3A_9 : vector<1x256xf32>
    %mul3A_11 = arith.mulf %mul3A_6, %mul3A_6 : vector<1x256xf32>
    %sub3A = arith.subf %mul3A_10, %mul3A_11 : vector<1x256xf32>
    %add3A_12 = arith.constant 9.99999974E-6 : f32
    %add3A_13 = vector.broadcast %add3A_12 : f32 to vector<1x256xf32>
    %add3A_14 = arith.addf %sub3A, %add3A_13 : vector<1x256xf32>
    %rsqrt3A = math.rsqrt %add3A_14 : vector<1x256xf32>
    %get3A_15 = arith.constant 0 : index
    %get3A_16 = arith.constant 0 : index
    %get3A_17 = vector.load %arg4[%get3A_15, %get3A_16] : memref<1x256xf32, #tpu.memory_space<vmem>>, vector<1x256xf32>
    %mul3A_18 = arith.mulf %rsqrt3A, %get3A_17 : vector<1x256xf32>
    %get3A_19 = arith.constant 0 : index
    %get3A_20 = arith.constant 0 : index
    %get3A_21 = vector.load %arg1[%get3A_19, %get3A_20] : memref<512x256xf32, #tpu.memory_space<vmem>>, vector<512x256xf32>
    %sub3A_22 = vector.broadcast %mul3A_6 : vector<1x256xf32> to vector<512x256xf32>
    %sub3A_23 = arith.subf %get3A_21, %sub3A_22 : vector<512x256xf32>
    %mul3A_24 = vector.broadcast %mul3A_18 : vector<1x256xf32> to vector<512x256xf32>
    %mul3A_25 = arith.mulf %sub3A_23, %mul3A_24 : vector<512x256xf32>
    %get3A_26 = arith.constant 0 : index
    %get3A_27 = arith.constant 0 : index
    %get3A_28 = vector.load %arg5[%get3A_26, %get3A_27] : memref<1x256xf32, #tpu.memory_space<vmem>>, vector<1x256xf32>
    %add3A_29 = vector.broadcast %get3A_28 : vector<1x256xf32> to vector<512x256xf32>
    %add3A_30 = arith.addf %mul3A_25, %add3A_29 : vector<512x256xf32>
    %swap3A = arith.constant 0 : index
    %swap3A_31 = arith.constant 0 : index
    %swap3A_32 = vector.load %arg6[%swap3A, %swap3A_31] : memref<512x256xf32, #tpu.memory_space<vmem>>, vector<512x256xf32>
    tpu.vector_store %arg6[%swap3A, %swap3A_31], %add3A_30 {strides = array<i32>} : memref<512x256xf32, #tpu.memory_space<vmem>>, vector<512x256xf32>,
    return
  }
  func.func @transform_0(%arg0: i32) -> (i32, i32) {
    %c0_i32 = arith.constant 0 : i32
    %c0_i32_0 = arith.constant 0 : i32
    return %arg0, %c0_i32 : i32, i32
  }
  func.func @transform_1(%arg0: i32) -> (i32, i32) {
    %c0_i32 = arith.constant 0 : i32
    %c0_i32_0 = arith.constant 0 : i32
    %c0_i32_1 = arith.constant 0 : i32
    return %c0_i32, %c0_i32_0 : i32, i32
  }
  func.func @transform_2(%arg0: i32) -> (i32, i32) {
    %c0_i32 = arith.constant 0 : i32
    %c0_i32_0 = arith.constant 0 : i32
    %c0_i32_1 = arith.constant 0 : i32
    return %c0_i32, %c0_i32_0 : i32, i32
  }
  func.func @transform_3(%arg0: i32) -> (i32, i32) {
    %c0_i32 = arith.constant 0 : i32
    %c0_i32_0 = arith.constant 0 : i32
    %c0_i32_1 = arith.constant 0 : i32
    return %c0_i32, %c0_i32_0 : i32, i32
  }
  func.func @transform_4(%arg0: i32) -> (i32, i32) {
    %c0_i32 = arith.constant 0 : i32
    %c0_i32_0 = arith.constant 0 : i32
    %c0_i32_1 = arith.constant 0 : i32
    return %c0_i32, %c0_i32_0 : i32, i32
  }
  func.func @transform_5(%arg0: i32) -> (i32, i32) {
    %c0_i32 = arith.constant 0 : i32
    %c0_i32_0 = arith.constant 0 : i32
    return %arg0, %c0_i32 : i32, i32
  }
}

</mosaic_0001>

<sc_bundles>
// kernel: kernel.12.cloned.1.call-start
scs
__scs_entry_jumppad:
0x0: {  	(pc) =	sbr.rel $0x88, $3  }
0x1: {  	(tag) =	ssettag $0x0;
	lr =	simm.s32 $0x1  }
0x2: {  	[smem:$0x3F95] =	sst lr;
	_ =	strace $0xD0000000  }
0x3: {  	_ = 	snop  }
0x4: {  	_ = 	snop  }
0x5: {  	_ = 	snop  }
0x6: {  	_ = 	snop  }
0x7: {  	_ = 	snop  }
__scs_overlays_trampoline_lowered:
0x8: {  	[smem:$0x3FA4] =	sst s0  }
0x9: {  	[smem:$0x3FA5] =	sst s1  }
0xa: {  	[smem:$0x3FA6] =	sst s2  }
0xb: {  	[smem:$0x3FA7] =	sst s3  }
0xc: {  	[smem:$0x3FA8] =	sst s4  }
0xd: {  	[smem:$0x3FA9] =	sst s5  }
0xe: {  	[smem:$0x3FAA] =	sst s6  }
0xf: {  	[smem:$0x3FAB] =	sst s7  }
0x10: {  	[smem:$0x3FAC] =	sst s8  }
0x11: {  	[smem:$0x3FAD] =	sst s9;
	s0 =	simm.s32 @!p0 $0x0  }
0x12: {  	s1 =	sld [smem:$0x3F93];
	s0 =	simm.s32 @p0 $0x1  }
0x13: {  	[smem:$0x3FAE] =	sst s0;
	s0 =	simm.s32 @!p1 $0x0  }
0x14: {  	s2 =	sld [smem:$0x3F92];
	s0 =	simm.s32 @p1 $0x1  }
0x15: {  	[smem:$0x3FAF] =	sst s0;
	s0 =	simm.s32 @!p2 $0x0  }
0x16: {  	s3 =	sld [smem:$0x3FDB];
	s0 =	simm.s32 @p2 $0x1  }
0x17: {  	s4 =	simm.s32 $0x1BF5;
	[smem:$0x3FB1] =	sst s0  }
0x18: {  	s0 =	sld [smem:$0x3F94];
	_ =	swait.ge [sflag:s4], $0x0  }
0x19: {  	s7 =	sld [smem:$0x3F95]  }
0x1a: {  	s8 =	sadd.s32 $0xFFFFE003, lr  }
0x1b: {  	s9 =	sadd.s32 $0xFFFFFEF7, lr;
	s5 =	simm.s32 $0xFFFFFFFF;
	p2 =	slt.u32 s8, $0xFFFFF086  }
0x1c: {  	p1 =	slt.u32 s9, $0xF7A;
	s5 =	simm.s32 @!p2 $0x0  }
0x1d: {  	s5 =	simm.s32 @p1 $0x1;
	p0 =	seq.s32 s7, s2  }
0x1e: {  	s7 =	smul.u32 @!p0 $0xF7A, s2;
	p2 =	seq.s32 @!p0 s5, $0x0  }
0x1f: {  	s9 =	smul.u32 $0xF7A, s1;
	s8 =	simm.s32 @!p0 $0x1BF5;
	p2 =	por !p2, p0  }
0x20: {  	[sflag:s8] =	ssyncset.s32 @!p0 $0xFFFFF086;
	s6 =	sadd.s32 @!p0 s3, s7;
	s7 =	simm.s32 @!p0 $0x108  }
0x21: {  	s3 =	sadd.s32 s3, s9;
	s6 =	sadd.s32 @!p0 $0x88, s6;
	s7 =	simm.s32 @p2 $0x1082  }
0x22: {  	[simem:s7], [sflag:s8] =	dma.local @!p0 [hbm:s6], $0xF7A  }
0x23: {  	s9 =	sor.u32 $0xD0000000, s2;
	s6 =	simm.s32 $0x108;
	_ =	swait.ge @!p0 [sflag:s8], $0x0  }
0x24: {  	s3 =	sadd.s32 $0x88, s3;
	s6 =	simm.s32 @!p1 $0x1082;
	[sflag:s4] =	ssyncset.s32 $0xFFFFF086  }
0x25: {  	[simem:s6], [sflag:s4] =	dma.local [hbm:s3], $0xF7A  }
0x26: {  	[smem:$0x3F95] =	sst s1;
	(tag) =	ssettag s2;
	_ =	strace s9  }
0x27: {  	s1 =	sld [smem:$0x3FA5]  }
0x28: {  	s2 =	sld [smem:$0x3FA6]  }
0x29: {  	s4 =	sld [smem:$0x3FA8]  }
0x2a: {  	p0 =	seq.s32 s5, $0x0;
	s5 =	sld [smem:$0x3FA9]  }
0x2b: {  	s6 =	sld [smem:$0x3FAA]  }
0x2c: {  	s7 =	sld [smem:$0x3FAB]  }
0x2d: {  	s3 =	simm.s32 $0x108;
	s8 =	sld [smem:$0x3FAC]  }
0x2e: {  	s3 =	simm.s32 @!p0 $0x1082;
	s9 =	sld [smem:$0x3FAD]  }
0x2f: {  	lr =	sadd.s32 s0, s3;
	s0 =	sld [smem:$0x3FA4]  }
0x30: {  	s3 =	sld [smem:$0x3FA7]  }
0x31: {  	[smem:$0x3FB0] =	sst s10  }
0x32: {  	s10 =	sld [smem:$0x3FAE];
	_ =	sdelay $0x3  }
0x33: {  	p0 =	seq.s32 s10, $0x1;
	s10 =	sld [smem:$0x3FB0];
	_ =	sdelay $0x3  }
0x34: {  	[smem:$0x3FB0] =	sst s10  }
0x35: {  	s10 =	sld [smem:$0x3FAF];
	_ =	sdelay $0x3  }
0x36: {  	p1 =	seq.s32 s10, $0x1;
	s10 =	sld [smem:$0x3FB0];
	_ =	sdelay $0x3  }
0x37: {  	[smem:$0x3FB0] =	sst s10  }
0x38: {  	s10 =	sld [smem:$0x3FB1]  }
0x39: {  	_ = 	snop;
	(pc) =	sbr.ind lr, $3  }
0x3a: {  	_ = 	snop  }
0x3b: {  	_ = 	snop  }
0x3c: {  	p2 =	seq.s32 s10, $0x1;
	s10 =	sld [smem:$0x3FB0]  }
0x3d: {  	_ =	shalt  }
0x3e: {  	_ =	shalt  }
0x3f: {  	_ =	shalt  }
0x40: {  	_ =	shalt  }
0x41: {  	_ =	shalt  }
0x42: {  	_ =	shalt  }
0x43: {  	_ =	shalt  }
0x44: {  	_ =	shalt  }
0x45: {  	_ =	shalt  }
0x46: {  	_ =	shalt  }
0x47: {  	_ =	shalt  }
0x48: {  	_ =	shalt  }
0x49: {  	_ =	shalt  }
0x4a: {  	_ =	shalt  }
0x4b: {  	_ =	shalt  }
0x4c: {  	_ =	shalt  }
0x4d: {  	_ =	shalt  }
0x4e: {  	_ =	shalt  }
0x4f: {  	_ =	shalt  }
0x50: {  	_ =	shalt  }
0x51: {  	_ =	shalt  }
0x52: {  	_ =	shalt  }
0x53: {  	_ =	shalt  }
0x54: {  	_ =	shalt  }
0x55: {  	_ =	shalt  }
0x56: {  	_ =	shalt  }
0x57: {  	_ =	shalt  }
0x58: {  	_ =	shalt  }
0x59: {  	_ =	shalt  }
0x5a: {  	_ =	shalt  }
0x5b: {  	_ =	shalt  }
0x5c: {  	_ =	shalt  }
0x5d: {  	_ =	shalt  }
0x5e: {  	_ =	shalt  }
0x5f: {  	_ =	shalt  }
0x60: {  	_ =	shalt  }
0x61: {  	_ =	shalt  }
0x62: {  	_ =	shalt  }
0x63: {  	_ =	shalt  }
0x64: {  	_ =	shalt  }
0x65: {  	_ =	shalt  }
0x66: {  	_ =	shalt  }
0x67: {  	_ =	shalt  }
0x68: {  	_ =	shalt  }
0x69: {  	_ =	shalt  }
0x6a: {  	_ =	shalt  }
0x6b: {  	_ =	shalt  }
0x6c: {  	_ =	shalt  }
0x6d: {  	_ =	shalt  }
0x6e: {  	_ =	shalt  }
0x6f: {  	_ =	shalt  }
0x70: {  	_ =	shalt  }
0x71: {  	_ =	shalt  }
0x72: {  	_ =	shalt  }
0x73: {  	_ =	shalt  }
0x74: {  	_ =	shalt  }
0x75: {  	_ =	shalt  }
0x76: {  	_ =	shalt  }
0x77: {  	_ =	shalt  }
0x78: {  	_ =	shalt  }
0x79: {  	_ =	shalt  }
0x7a: {  	_ =	shalt  }
0x7b: {  	_ =	shalt  }
0x7c: {  	_ =	shalt  }
0x7d: {  	_ =	shalt  }
0x7e: {  	_ =	shalt  }
0x7f: {  	_ =	shalt  }
0x80: {  	_ =	shalt  }
0x81: {  	_ =	shalt  }
0x82: {  	_ =	shalt  }
0x83: {  	_ =	shalt  }
0x84: {  	_ =	shalt  }
0x85: {  	_ =	shalt  }
0x86: {  	_ =	shalt  }
0x87: {  	_ =	shalt  }
.Lfunc_end0:
.L_simem_size_0:
called_computation_lowered:
.L_overlay_start_0:
0x88: {  	s2 =	sld [smem:$0x3FD9]  }
0x89: {  	s3 =	sld [smem:$0x3FFE];
	_ =	sdelay $0x1  }
0x8a: {  	s1 =	srdreg.scid  }
0x8b: {  	s0 =	sand.u32 $0x1, s1  }
0x8c: {  	s17 =	sshll.u32 s0, $0xA;
	s2 =	sadd.s32 s3, s2  }
0x8d: {  	s2 =	sadd.s32 s2, s17  }
0x8e: {  	[smem:$0x3FBC] =	sst s2  }
0x8f: {  	_ = 	snop  }
0x90: {  	(tm) =	ssettm $0x1  }
0x91: {  	s18 =	sld [smem:$0x3FFB];
	_ =	sdelay $0x3  }
0x92: {  	_ =	strace s18  }
0x93: {  	s2 =	sld [smem:$0x3FFC];
	_ =	sdelay $0x3  }
0x94: {  	_ =	strace s2  }
0x95: {  	s2 =	sld [smem:$0x3FFD];
	_ =	sdelay $0x3  }
0x96: {  	_ =	strace s2  }
0x97: {  	_ =	strace $0x8FFFFFFF  }
0x98: {  	s19 =	sld [smem:$0x3FDB];
	_ =	sdelay $0x1  }
0x99: {  	s20 =	simm.s32 $_scs_section_size  }
0x9a: {  	s4 =	simm.s32 $_size__tile_overlayer_lowered;
	s5 =	simm.s32 $_tile_overlayer_lowered  }
0x9b: {  	s6 =	simm.s32 $0x1BFF;
	s21 =	sshll.u32 s5, $0x1;
	s3 =	sadd.s32 s20, s19  }
0x9c: {  	s22 =	simm.s32 $0x0;
	s4 =	sshll.u32 s4, $0x1;
	s5 =	sadd.s32 s21, s3  }
0x9d: {  	[timem:s22], [sflag:s6] =	dma.local [hbm:s5], s4  }
0x9e: {  	_ =	swait.ge [sflag:s6], s4  }
0x9f: {  	s4 =	ssub.s32 $0x0, s4;
	[sflag:s6] =	ssyncset.done $0x0  }
0xa0: {  	[sflag:s6] =	ssyncadd.s32 s4;
	_ =	sdelay $0x1  }
0xa1: {  	s23 =	simm.s32 $0x1B8B  }
0xa2: {  	_ =	swait.ge [sflag:s23], $0x1  }
0xa3: {  	[sflag:s23] =	ssyncset.done $0x0  }
0xa4: {  	[sflag:s23] =	ssyncadd.s32 $0xFFFFFFFF  }
0xa5: {  	s4 =	sld [smem:$0x0]  }
0xa6: {  	s5 =	sand.u32 $0xFFFFFFFE, s1  }
0xa7: {  	p0 =	sne.s32 s1, s5  }
0xa8: {  	s5 =	sshll.u32 @p0 s5, $0xE  }
0xa9: {  	s5 =	sadd.s32 @p0 $0x11B8D, s5;
	s6 =	sshll.u32 @p0 s4, $0x11  }
0xaa: {  	s5 =	sor.u32 @p0 s6, s5  }
0xab: {  	[sflag:s5] =	ssyncadd.remote.s32 @p0 $0x1;
	_ =	sdelay $0x1  }
0xac: {  	s5 =	simm.s32 @p0 $0x1B8D  }
0xad: {  	_ =	swait.eq @p0 [sflag:s5], $0x1  }
0xae: {  	[sflag:s5] =	ssyncadd.s32 @p0 $0xFFFFFFFF  }
0xaf: {  	s6 =	sshll.u32 @!p0 s1, $0xE  }
0xb0: {  	s6 =	sor.u32 @!p0 $0x4000, s6;
	s5 =	simm.s32 @!p0 $0x1B8D  }
0xb1: {  	s4 =	sshll.u32 @!p0 s4, $0x11;
	s6 =	sadd.s32 @!p0 $0x11B8D, s6;
	_ =	swait.eq @!p0 [sflag:s5], $0x1  }
0xb2: {  	s4 =	sor.u32 @!p0 s4, s6;
	[sflag:s5] =	ssyncadd.s32 @!p0 $0xFFFFFFFF  }
0xb3: {  	s25 =	simm.s32 $0x1B8E;
	s24 =	sld [smem:$0x3FFE];
	[sflag:s4] =	ssyncadd.remote.s32 @!p0 $0x1  }
0xb4: {  	s26 =	simm.s32 $execute0_lowered;
	[smem:$0x3FD2] =	sst s25  }
0xb5: {  	s5 =	sshll.u32 s26, $0x1;
	_ =	strace $0x80000049;
	[dreg:$0x1] =	wrdreg $0xFFFFFFFF  }
0xb6: {  	s28 =	simm.s32 $_size_execute0_lowered;
	s3 =	sadd.s32 s3, s5;
	[dreg:$0x0] =	wrdreg $0x0  }
0xb7: {  	s5 =	sshll.u32 s28, $0x1;
	[dreg:$0x2] =	wrdreg s3  }
0xb8: {  	[dreg:$0x3] =	wrdreg s5  }
0xb9: {  	[dreg:$0x4] =	wrdreg $0xC0  }
0xba: {  	_ =	task [dreg:s22], $0x5FFFF  }
0xbb: {  	[dreg:$0x1] =	wrdreg $0xFFFFFFFF  }
0xbc: {  	[dreg:$0x0] =	wrdreg $0x60  }
0xbd: {  	[dreg:$0x2] =	wrdreg s24  }
0xbe: {  	[dreg:$0x3] =	wrdreg $0x9  }
0xbf: {  	_ =	task.clear_ibuf [dreg:s22], $0x4FFFF;
	_ =	strace $0x90000049  }
0xc0: {  	s29 =	simm.s32 $0x9;
	_ =	strace $0x8000004B  }
0xc1: {  	_ =	swait.ge [sflag:s29], $0x1  }
0xc2: {  	[sflag:s29] =	ssyncadd.s32 $0xFFFFFFFF  }
0xc3: {  	_ =	strace $0x9000004B  }
0xc4: {  	_ =	sfence  }
0xc5: {  	s30 =	sld [smem:$0x0];
	_ =	sdelay $0x2  }
0xc6: {  	s31 =	sshll.u32 s1, $0xD;
	s1 =	sshrl.u32 s1, $0x2  }
0xc7: {  	s4 =	sand.u32 $0x4000, s31;
	s1 =	sadd.s32 s1, s30  }
0xc8: {  	s0 =	sor.u32 s4, s0;
	s1 =	sshll.u32 s1, $0x11  }
0xc9: {  	s0 =	sor.u32 s1, s0  }
0xca: {  	s0 =	sadd.s32 $0x8F2B, s0  }
0xcb: {  	[sflag:s0] =	ssyncadd.remote.s32 $0x1  }
0xcc: {  	_ =	sfence.sel $0xFFFF  }
0xcd: {  	[dreg:$0x0] =	wrdreg $0xFFFFFFFF;
	(pc) =	sbr.abs _section_cstart, $3  }
0xce: {  	[dreg:$0x1] =	wrdreg $0xFFFFFFFF  }
0xcf: {  	_ =	task.clear_ibuf [dreg:s22], $0x2FFFF;
	_ =	strace $0x9FFFFFFF  }
0xd0: {  	(tm) =	ssettm $0x7FFFFFFF  }
0xd1: {  	_ =	shalt  }
tec
execute0_lowered:
.L_overlay_start_1:
0x0: {  	(tag) =	ssettag $0x1  }
0x1: {  	s0 =	rddreg [dreg:$0x0]  }
0x2: {  	s5 =	stileid.u32;
	s1 =	srdreg.scid  }
0x3: {  	s2 =	simm.s32 $0x0;
	s14 =	simm.s32 $0x880;
	s15 =	simm.s32 $0xC80  }
0x4: {  	s17 =	simm.s32 $0x1480;
	s18 =	simm.s32 $0x1880;
	s19 =	simm.s32 $0x2080  }
0x5: {  	s20 =	simm.s32 $0x2480;
	s21 =	simm.s32 $0x2C80;
	[smem:$0x7FF] =	sst s2  }
0x6: {  	s22 =	simm.s32 $0x3080;
	_ =	strace $0x8000004A;
	[dreg:$0x3] =	wrdreg s14  }
0x7: {  	s23 =	simm.s32 $0x3880;
	s25 =	simm.s32 $0x3C80;
	[dreg:$0x4] =	wrdreg s15  }
0x8: {  	s26 =	simm.s32 $0x4480;
	s8 =	simm.s32 $0x80;
	[dreg:$0x5] =	wrdreg s17  }
0x9: {  	s9 =	simm.s32 $0x4880;
	s10 =	simm.s32 $0x5080;
	[dreg:$0x6] =	wrdreg s18  }
0xa: {  	s11 =	simm.s32 $0x5480;
	s28 =	simm.s32 $0xB480;
	[dreg:$0x7] =	wrdreg s19  }
0xb: {  	s29 =	simm.s32 $0xBC80;
	s30 =	simm.s32 $0x1;
	[dreg:$0x8] =	wrdreg s20  }
0xc: {  	s31 =	simm.s32 $0x0;
	s3 =	sshll.u32 s5, $0x8;
	[dreg:$0x9] =	wrdreg s21  }
0xd: {  	s1 =	sand.u32 $0x1, s1;
	s12 =	smul.u32 $0x18000, s5;
	[dreg:$0xa] =	wrdreg s22  }
0xe: {  	s3 =	sadd.s32 s3, s0;
	s4 =	sshll.u32 s1, $0x7;
	[dreg:$0xb] =	wrdreg s23  }
0xf: {  	s16 =	ssub.s32 $0x2, s1;
	s1 =	smul.u32 $0xC000, s1;
	[dreg:$0xc] =	wrdreg s25  }
0x10: {  	[dreg:$0xd] =	wrdreg s26;
	s14 =	simm.s32 $0x6880;
	s15 =	simm.s32 $0x6C80  }
0x11: {  	s17 =	simm.s32 $0x7880;
	s18 =	simm.s32 $0x8080;
	s19 =	simm.s32 $0x8480  }
0x12: {  	s20 =	simm.s32 $0x8C80;
	s21 =	simm.s32 $0x9080;
	s22 =	simm.s32 $0x9880  }
0x13: {  	s23 =	simm.s32 $0x9C80;
	s25 =	simm.s32 $0xA880;
	s26 =	simm.s32 $0xB080  }
0x14: {  	s3 =	sadd.s32 s4, s3;
	s6 =	sadd.s32 s12, s0;
	s7 =	sshrl.u32 s16, $0x1  }
0x15: {  	s4 =	sadd.s32 $0x2B00, s0;
	s12 =	simm.s32 $0x5C80;
	s13 =	sadd.s32 $0x1B2A00, s3  }
0x16: {  	s3 =	sadd.s32 $0x2A00, s0;
	s5 =	ssub.s32 s16, s7;
	s1 =	sadd.s32 s1, s6  }
0x17: {  	v2 =	vlaneseq.u32;
	s7 =	simm.s32 $0x2;
	[dreg:$0x2] =	wrdreg s13;
	s5 =	smax.u32 s5, $0x1  }
0x18: {  	vm0 =	vmmov $0xffff;
	vm1 =	vmmov $0xff;
	v1 =	vshrl.u32 v2, $0x3;
	s16 =	simm.s32 $0x7480;
	s24 =	sadd.s32 $0x1B3A00, s1;
	[dreg:$0xe] =	wrdreg s5  }
0x19: {  	v0 =	vand.u32 $0x7, v2;
	v2 =	vor.u32 $0x8, v2;
	v1 =	vmul.u32 $0x8, v1;
	s13 =	simm.s32 $0x6080;
	[dreg:$0xf] =	wrdreg s24;
	s24 =	simm.s32 $0xA480  }
.LBB2_1:
0x1a: {  	s6 =	rddreg [dreg:$0xf];
	s1 =	simm.s32 $0x0  }
.LBB2_2:
0x1b: {  	s5 =	rddreg [dreg:$0x2]  }
0x1c: {  	s5 =	sadd.s32 s1, s5  }
0x1d: {  	[tilespmem:s2], [sflag:$0x2] =	stream.linear.gather [hbm4b:s5+s2], $0x80, $0x38;
	[tilespmem:$0xC080] =	vst v63  }
0x1e: {  	_ =	swait.ge [sflag:s7], $0x80  }
0x1f: {  	[sflag:s7] =	ssyncset.done $0x0  }
0x20: {  	[sflag:s7] =	ssyncadd.s32 $0xFFFFFF80  }
0x21: {  	v3 =	vld [tilespmem:$0x0];
	_ =	sdelay $0x4  }
0x22: {  	v4 =	vshrl.u32 v3, $0x3  }
0x23: {  	v4 =	vmul.u32 $0x18, v4  }
0x24: {  	v3 =	vand.u32 $0x7, v3  }
0x25: {  	v3 =	vor.u32 v3, v4  }
0x26: {  	v4 =	vperm.xlane v3, v0;
	_ =	sdelay $0x1  }
0x27: {  	v4 =	vadd.s32 v1, v4;
	_ =	sdelay $0x1  }
0x28: {  	v3 =	vperm.xlane v3, v2;
	_ =	sdelay $0x1  }
0x29: {  	v3 =	vadd.s32 v1, v3  }
0x2a: {  	[tilespmem:s8], [sflag:$0x1] =	stream.indirect_vreg.gather [hbm4b:s3+s2], $0x80, v4, vm0, $0xb8;
	[tilespmem:$0xC080] =	vst v63  }
0x2b: {  	s5 =	rddreg [dreg:$0x3]  }
0x2c: {  	[tilespmem:s5], [sflag:$0x1] =	stream.indirect_vreg.gather [hbm4b:s4+s2], $0x80, v4, vm1, $0xb8;
	[tilespmem:$0xC080] =	vst v63  }
0x2d: {  	s0 =	rddreg [dreg:$0x4]  }
0x2e: {  	[tilespmem:s0], [sflag:$0x1] =	stream.indirect_vreg.gather [hbm4b:s3+s2], $0x80, v3, vm0, $0xb8;
	[tilespmem:$0xC080] =	vst v63  }
0x2f: {  	s5 =	rddreg [dreg:$0x5]  }
0x30: {  	[tilespmem:s5], [sflag:$0x1] =	stream.indirect_vreg.gather [hbm4b:s4+s2], $0x80, v3, vm1, $0xb8;
	[tilespmem:$0xC080] =	vst v63  }
0x31: {  	v3 =	vld [tilespmem:$0x10];
	_ =	sdelay $0x4  }
0x32: {  	v57 =	vshrl.u32 v3, $0x3  }
0x33: {  	v4 =	vmul.u32 $0x18, v57  }
0x34: {  	v3 =	vand.u32 $0x7, v3  }
0x35: {  	v3 =	vor.u32 v3, v4  }
0x36: {  	v4 =	vperm.xlane v3, v0;
	_ =	sdelay $0x1  }
0x37: {  	v4 =	vadd.s32 v1, v4;
	_ =	sdelay $0x1  }
0x38: {  	v3 =	vperm.xlane v3, v2;
	_ =	sdelay $0x1  }
0x39: {  	s0 =	rddreg [dreg:$0x6];
	v3 =	vadd.s32 v1, v3  }
0x3a: {  	[tilespmem:s0], [sflag:$0x1] =	stream.indirect_vreg.gather [hbm4b:s3+s2], $0x80, v4, vm0, $0xb8;
	[tilespmem:$0xC080] =	vst v63  }
0x3b: {  	s5 =	rddreg [dreg:$0x7]  }
0x3c: {  	[tilespmem:s5], [sflag:$0x1] =	stream.indirect_vreg.gather [hbm4b:s4+s2], $0x80, v4, vm1, $0xb8;
	[tilespmem:$0xC080] =	vst v63  }
0x3d: {  	s0 =	rddreg [dreg:$0x8]  }
0x3e: {  	[tilespmem:s0], [sflag:$0x1] =	stream.indirect_vreg.gather [hbm4b:s3+s2], $0x80, v3, vm0, $0xb8;
	[tilespmem:$0xC080] =	vst v63  }
0x3f: {  	s5 =	rddreg [dreg:$0x9]  }
0x40: {  	[tilespmem:s5], [sflag:$0x1] =	stream.indirect_vreg.gather [hbm4b:s4+s2], $0x80, v3, vm1, $0xb8;
	[tilespmem:$0xC080] =	vst v63  }
0x41: {  	v3 =	vld [tilespmem:$0x20];
	_ =	sdelay $0x4  }
0x42: {  	v58 =	vshrl.u32 v3, $0x3  }
0x43: {  	v4 =	vmul.u32 $0x18, v58  }
0x44: {  	v3 =	vand.u32 $0x7, v3  }
0x45: {  	v3 =	vor.u32 v3, v4  }
0x46: {  	v4 =	vperm.xlane v3, v0;
	_ =	sdelay $0x1  }
0x47: {  	v4 =	vadd.s32 v1, v4;
	_ =	sdelay $0x1  }
0x48: {  	v3 =	vperm.xlane v3, v2;
	_ =	sdelay $0x1  }
0x49: {  	s0 =	rddreg [dreg:$0xa];
	v3 =	vadd.s32 v1, v3  }
0x4a: {  	[tilespmem:s0], [sflag:$0x1] =	stream.indirect_vreg.gather [hbm4b:s3+s2], $0x80, v4, vm0, $0xb8;
	[tilespmem:$0xC080] =	vst v63  }
0x4b: {  	s5 =	rddreg [dreg:$0xb]  }
0x4c: {  	[tilespmem:s5], [sflag:$0x1] =	stream.indirect_vreg.gather [hbm4b:s4+s2], $0x80, v4, vm1, $0xb8;
	[tilespmem:$0xC080] =	vst v63  }
0x4d: {  	s0 =	rddreg [dreg:$0xc]  }
0x4e: {  	[tilespmem:s0], [sflag:$0x1] =	stream.indirect_vreg.gather [hbm4b:s3+s2], $0x80, v3, vm0, $0xb8;
	[tilespmem:$0xC080] =	vst v63  }
0x4f: {  	s5 =	rddreg [dreg:$0xd]  }
0x50: {  	[tilespmem:s5], [sflag:$0x1] =	stream.indirect_vreg.gather [hbm4b:s4+s2], $0x80, v3, vm1, $0xb8;
	[tilespmem:$0xC080] =	vst v63  }
0x51: {  	v3 =	vld [tilespmem:$0x30];
	_ =	sdelay $0x4  }
0x52: {  	v59 =	vshrl.u32 v3, $0x3  }
0x53: {  	v4 =	vmul.u32 $0x18, v59  }
0x54: {  	v3 =	vand.u32 $0x7, v3  }
0x55: {  	v3 =	vor.u32 v3, v4  }
0x56: {  	v4 =	vperm.xlane v3, v0;
	_ =	sdelay $0x1  }
0x57: {  	v4 =	vadd.s32 v1, v4;
	_ =	sdelay $0x1  }
0x58: {  	v3 =	vperm.xlane v3, v2;
	_ =	sdelay $0x1  }
0x59: {  	v3 =	vadd.s32 v1, v3  }
0x5a: {  	[tilespmem:s9], [sflag:$0x1] =	stream.indirect_vreg.gather [hbm4b:s3+s2], $0x80, v4, vm0, $0xb8;
	[tilespmem:$0xC080] =	vst v63  }
0x5b: {  	_ = 	snop  }
0x5c: {  	[tilespmem:s10], [sflag:$0x1] =	stream.indirect_vreg.gather [hbm4b:s4+s2], $0x80, v4, vm1, $0xb8;
	[tilespmem:$0xC080] =	vst v63  }
0x5d: {  	_ = 	snop  }
0x5e: {  	[tilespmem:s11], [sflag:$0x1] =	stream.indirect_vreg.gather [hbm4b:s3+s2], $0x80, v3, vm0, $0xb8;
	[tilespmem:$0xC080] =	vst v63  }
0x5f: {  	_ = 	snop  }
0x60: {  	[tilespmem:s12], [sflag:$0x1] =	stream.indirect_vreg.gather [hbm4b:s4+s2], $0x80, v3, vm1, $0xb8;
	[tilespmem:$0xC080] =	vst v63  }
0x61: {  	v3 =	vld [tilespmem:$0x40];
	_ =	sdelay $0x4  }
0x62: {  	v60 =	vshrl.u32 v3, $0x3  }
0x63: {  	v4 =	vmul.u32 $0x18, v60  }
0x64: {  	v3 =	vand.u32 $0x7, v3  }
0x65: {  	v3 =	vor.u32 v3, v4  }
0x66: {  	v4 =	vperm.xlane v3, v0;
	_ =	sdelay $0x1  }
0x67: {  	v4 =	vadd.s32 v1, v4;
	_ =	sdelay $0x1  }
0x68: {  	v3 =	vperm.xlane v3, v2;
	_ =	sdelay $0x1  }
0x69: {  	v3 =	vadd.s32 v1, v3  }
0x6a: {  	[tilespmem:s13], [sflag:$0x1] =	stream.indirect_vreg.gather [hbm4b:s3+s2], $0x80, v4, vm0, $0xb8;
	[tilespmem:$0xC080] =	vst v63  }
0x6b: {  	_ = 	snop  }
0x6c: {  	[tilespmem:s14], [sflag:$0x1] =	stream.indirect_vreg.gather [hbm4b:s4+s2], $0x80, v4, vm1, $0xb8;
	[tilespmem:$0xC080] =	vst v63  }
0x6d: {  	_ = 	snop  }
0x6e: {  	[tilespmem:s15], [sflag:$0x1] =	stream.indirect_vreg.gather [hbm4b:s3+s2], $0x80, v3, vm0, $0xb8;
	[tilespmem:$0xC080] =	vst v63  }
0x6f: {  	_ = 	snop  }
0x70: {  	[tilespmem:s16], [sflag:$0x1] =	stream.indirect_vreg.gather [hbm4b:s4+s2], $0x80, v3, vm1, $0xb8;
	[tilespmem:$0xC080] =	vst v63  }
0x71: {  	v3 =	vld [tilespmem:$0x50];
	_ =	sdelay $0x4  }
0x72: {  	v61 =	vshrl.u32 v3, $0x3  }
0x73: {  	v4 =	vmul.u32 $0x18, v61  }
0x74: {  	v3 =	vand.u32 $0x7, v3  }
0x75: {  	v3 =	vor.u32 v3, v4  }
0x76: {  	v4 =	vperm.xlane v3, v0;
	_ =	sdelay $0x1  }
0x77: {  	v4 =	vadd.s32 v1, v4;
	_ =	sdelay $0x1  }
0x78: {  	v3 =	vperm.xlane v3, v2;
	_ =	sdelay $0x1  }
0x79: {  	v3 =	vadd.s32 v1, v3  }
0x7a: {  	[tilespmem:s17], [sflag:$0x1] =	stream.indirect_vreg.gather [hbm4b:s3+s2], $0x80, v4, vm0, $0xb8;
	[tilespmem:$0xC080] =	vst v63  }
0x7b: {  	_ = 	snop  }
0x7c: {  	[tilespmem:s18], [sflag:$0x1] =	stream.indirect_vreg.gather [hbm4b:s4+s2], $0x80, v4, vm1, $0xb8;
	[tilespmem:$0xC080] =	vst v63  }
0x7d: {  	_ = 	snop  }
0x7e: {  	[tilespmem:s19], [sflag:$0x1] =	stream.indirect_vreg.gather [hbm4b:s3+s2], $0x80, v3, vm0, $0xb8;
	[tilespmem:$0xC080] =	vst v63  }
0x7f: {  	_ = 	snop  }
0x80: {  	[tilespmem:s20], [sflag:$0x1] =	stream.indirect_vreg.gather [hbm4b:s4+s2], $0x80, v3, vm1, $0xb8;
	[tilespmem:$0xC080] =	vst v63  }
0x81: {  	v3 =	vld [tilespmem:$0x60];
	_ =	sdelay $0x4  }
0x82: {  	v62 =	vshrl.u32 v3, $0x3  }
0x83: {  	v4 =	vmul.u32 $0x18, v62  }
0x84: {  	v3 =	vand.u32 $0x7, v3  }
0x85: {  	v3 =	vor.u32 v3, v4  }
0x86: {  	v4 =	vperm.xlane v3, v0;
	_ =	sdelay $0x1  }
0x87: {  	v4 =	vadd.s32 v1, v4;
	_ =	sdelay $0x1  }
0x88: {  	v3 =	vperm.xlane v3, v2;
	_ =	sdelay $0x1  }
0x89: {  	v3 =	vadd.s32 v1, v3  }
0x8a: {  	[tilespmem:s21], [sflag:$0x1] =	stream.indirect_vreg.gather [hbm4b:s3+s2], $0x80, v4, vm0, $0xb8;
	[tilespmem:$0xC080] =	vst v63  }
0x8b: {  	_ = 	snop  }
0x8c: {  	[tilespmem:s22], [sflag:$0x1] =	stream.indirect_vreg.gather [hbm4b:s4+s2], $0x80, v4, vm1, $0xb8;
	[tilespmem:$0xC080] =	vst v63  }
0x8d: {  	_ = 	snop  }
0x8e: {  	[tilespmem:s23], [sflag:$0x1] =	stream.indirect_vreg.gather [hbm4b:s3+s2], $0x80, v3, vm0, $0xb8;
	[tilespmem:$0xC080] =	vst v63  }
0x8f: {  	_ = 	snop  }
0x90: {  	[tilespmem:s24], [sflag:$0x1] =	stream.indirect_vreg.gather [hbm4b:s4+s2], $0x80, v3, vm1, $0xb8;
	[tilespmem:$0xC080] =	vst v63  }
0x91: {  	v3 =	vld [tilespmem:$0x70];
	_ =	sdelay $0x4  }
0x92: {  	v63 =	vshrl.u32 v3, $0x3  }
0x93: {  	v4 =	vmul.u32 $0x18, v63  }
0x94: {  	v3 =	vand.u32 $0x7, v3  }
0x95: {  	v3 =	vor.u32 v3, v4  }
0x96: {  	v4 =	vperm.xlane v3, v0;
	_ =	sdelay $0x1  }
0x97: {  	v4 =	vadd.s32 v1, v4;
	_ =	sdelay $0x1  }
0x98: {  	v3 =	vperm.xlane v3, v2;
	_ =	sdelay $0x1  }
0x99: {  	v3 =	vadd.s32 v1, v3  }
0x9a: {  	[tilespmem:s25], [sflag:$0x1] =	stream.indirect_vreg.gather [hbm4b:s3+s2], $0x80, v4, vm0, $0xb8;
	[tilespmem:$0xC080] =	vst v63  }
0x9b: {  	_ = 	snop  }
0x9c: {  	[tilespmem:s26], [sflag:$0x1] =	stream.indirect_vreg.gather [hbm4b:s4+s2], $0x80, v4, vm1, $0xb8;
	[tilespmem:$0xC080] =	vst v63  }
0x9d: {  	_ = 	snop  }
0x9e: {  	[tilespmem:s28], [sflag:$0x1] =	stream.indirect_vreg.gather [hbm4b:s3+s2], $0x80, v3, vm0, $0xb8;
	[tilespmem:$0xC080] =	vst v63  }
0x9f: {  	_ = 	snop  }
0xa0: {  	[tilespmem:s29], [sflag:$0x1] =	stream.indirect_vreg.gather [hbm4b:s4+s2], $0x80, v3, vm1, $0xb8;
	[tilespmem:$0xC080] =	vst v63  }
0xa1: {  	_ =	swait.ge [sflag:s30], $0xC000  }
0xa2: {  	p0 =	sne.s32 s1, $0x70;
	[sflag:s30] =	ssyncset.done $0x0  }
.Ltmp0:
0xa3: {  	[sflag:s30] =	ssyncadd.s32 $0xFFFF4000;
	(pc) =	sbr.rel @p0 .LBB2_2-.Ltmp0, $4  }
0xa4: {  	[hbm4b:s6+s2] =	stream.linear.scatter [tilespmem:s8], [sflag:$0x2], $0xC000, $0x38;
	[tilespmem:$0xC080] =	vst v63  }
0xa5: {  	_ =	swait.ge [sflag:s7], $0xC000  }
0xa6: {  	[sflag:s7] =	ssyncset.done $0x0  }
0xa7: {  	s1 =	sadd.s32 $0x10, s1;
	s6 =	sadd.s32 $0x1800, s6;
	[sflag:s7] =	ssyncadd.s32 $0xFFFF4000  }
0xa8: {  	s31 =	sadd.s32 $0x1, s31;
	s0 =	rddreg [dreg:$0xe]  }
0xa9: {  	p0 =	sne.s32 s31, s0  }
.Ltmp1:
0xaa: {  	_ = 	snop;
	(pc) =	sbr.rel @p0 .LBB2_1-.Ltmp1, $1  }
0xab: {  	_ =	sdelay $0x3  }
0xac: {  	_ =	sfence.sel $0x180000  }
0xad: {  	[bflag:$0x0] =	sbarrier.arrive $0xFFFF  }
0xae: {  	_ =	strace $0x9000004A  }
0xaf: {  	s0 =	stileid.u32;
	[bflag:$0x2] =	sbarrier.arrive $0xFFFF  }
0xb0: {  	p0 =	sne.s32 s0, $0x0;
	s0 =	rddreg [dreg:$0x1]  }
0xb1: {  	s0 =	sadd.s32 @!p0 $0x100000, s0  }
0xb2: {  	[sflag:s0] =	ssyncadd.tile.s32 @!p0 $0x1;
	_ =	shalt  }
.Lfunc_end2:
_tile_overlayer_lowered:
.L_overlay_start_2:
0xb3: {  	(tag) =	ssettag $0x2  }
0xb4: {  	s0 =	rddreg [dreg:$0x0];
	s2 =	stileid.u32  }
0xb5: {  	s1 =	rddreg [dreg:$0x1];
	p0 =	sne.s32 s2, $0x0  }
0xb6: {  	s3 =	rddreg [dreg:$0x2];
	[bflag:$0x3] =	sbarrier.arrive $0xFFFF;
	s2 =	simm.s32 @!p0 $0x1C02  }
0xb7: {  	[timem:s3], [sflag:s2] =	dma.local @!p0 [hbm:s0], s1  }
0xb8: {  	s0 =	simm.s32 @!p0 $0x2  }
0xb9: {  	_ =	swait.ge @!p0 [sflag:s0], s1  }
0xba: {  	s1 =	ssub.s32 @!p0 $0x0, s1;
	[sflag:s0] =	ssyncset.done @!p0 $0x0  }
0xbb: {  	[sflag:s0] =	ssyncadd.s32 @!p0 s1  }
0xbc: {  	[bflag:$0x3] =	sbarrier.arrive $0xFFFF  }
0xbd: {  	_ =	shalt  }

// kernel: kernel.15.cloned.1.call-start
scs
__scs_entry_jumppad:
0x0: {  	(pc) =	sbr.rel $0x88, $3  }
0x1: {  	(tag) =	ssettag $0x0;
	lr =	simm.s32 $0x1  }
0x2: {  	[smem:$0x3F95] =	sst lr;
	_ =	strace $0xD0000000  }
0x3: {  	_ = 	snop  }
0x4: {  	_ = 	snop  }
0x5: {  	_ = 	snop  }
0x6: {  	_ = 	snop  }
0x7: {  	_ = 	snop  }
__scs_overlays_trampoline_lowered:
0x8: {  	[smem:$0x3FA4] =	sst s0  }
0x9: {  	[smem:$0x3FA5] =	sst s1  }
0xa: {  	[smem:$0x3FA6] =	sst s2  }
0xb: {  	[smem:$0x3FA7] =	sst s3  }
0xc: {  	[smem:$0x3FA8] =	sst s4  }
0xd: {  	[smem:$0x3FA9] =	sst s5  }
0xe: {  	[smem:$0x3FAA] =	sst s6  }
0xf: {  	[smem:$0x3FAB] =	sst s7  }
0x10: {  	[smem:$0x3FAC] =	sst s8  }
0x11: {  	[smem:$0x3FAD] =	sst s9;
	s0 =	simm.s32 @!p0 $0x0  }
0x12: {  	s1 =	sld [smem:$0x3F93];
	s0 =	simm.s32 @p0 $0x1  }
0x13: {  	[smem:$0x3FAE] =	sst s0;
	s0 =	simm.s32 @!p1 $0x0  }
0x14: {  	s2 =	sld [smem:$0x3F92];
	s0 =	simm.s32 @p1 $0x1  }
0x15: {  	[smem:$0x3FAF] =	sst s0;
	s0 =	simm.s32 @!p2 $0x0  }
0x16: {  	s3 =	sld [smem:$0x3FDB];
	s0 =	simm.s32 @p2 $0x1  }
0x17: {  	s4 =	simm.s32 $0x1BF5;
	[smem:$0x3FB1] =	sst s0  }
0x18: {  	s0 =	sld [smem:$0x3F94];
	_ =	swait.ge [sflag:s4], $0x0  }
0x19: {  	s7 =	sld [smem:$0x3F95]  }
0x1a: {  	s8 =	sadd.s32 $0xFFFFE003, lr  }
0x1b: {  	s9 =	sadd.s32 $0xFFFFFEF7, lr;
	s5 =	simm.s32 $0xFFFFFFFF;
	p2 =	slt.u32 s8, $0xFFFFF086  }
0x1c: {  	p1 =	slt.u32 s9, $0xF7A;
	s5 =	simm.s32 @!p2 $0x0  }
0x1d: {  	s5 =	simm.s32 @p1 $0x1;
	p0 =	seq.s32 s7, s2  }
0x1e: {  	s7 =	smul.u32 @!p0 $0xF7A, s2;
	p2 =	seq.s32 @!p0 s5, $0x0  }
0x1f: {  	s9 =	smul.u32 $0xF7A, s1;
	s8 =	simm.s32 @!p0 $0x1BF5;
	p2 =	por !p2, p0  }
0x20: {  	[sflag:s8] =	ssyncset.s32 @!p0 $0xFFFFF086;
	s6 =	sadd.s32 @!p0 s3, s7;
	s7 =	simm.s32 @!p0 $0x108  }
0x21: {  	s3 =	sadd.s32 s3, s9;
	s6 =	sadd.s32 @!p0 $0x88, s6;
	s7 =	simm.s32 @p2 $0x1082  }
0x22: {  	[simem:s7], [sflag:s8] =	dma.local @!p0 [hbm:s6], $0xF7A  }
0x23: {  	s9 =	sor.u32 $0xD0000000, s2;
	s6 =	simm.s32 $0x108;
	_ =	swait.ge @!p0 [sflag:s8], $0x0  }
0x24: {  	s3 =	sadd.s32 $0x88, s3;
	s6 =	simm.s32 @!p1 $0x1082;
	[sflag:s4] =	ssyncset.s32 $0xFFFFF086  }
0x25: {  	[simem:s6], [sflag:s4] =	dma.local [hbm:s3], $0xF7A  }
0x26: {  	[smem:$0x3F95] =	sst s1;
	(tag) =	ssettag s2;
	_ =	strace s9  }
0x27: {  	s1 =	sld [smem:$0x3FA5]  }
0x28: {  	s2 =	sld [smem:$0x3FA6]  }
0x29: {  	s4 =	sld [smem:$0x3FA8]  }
0x2a: {  	p0 =	seq.s32 s5, $0x0;
	s5 =	sld [smem:$0x3FA9]  }
0x2b: {  	s6 =	sld [smem:$0x3FAA]  }
0x2c: {  	s7 =	sld [smem:$0x3FAB]  }
0x2d: {  	s3 =	simm.s32 $0x108;
	s8 =	sld [smem:$0x3FAC]  }
0x2e: {  	s3 =	simm.s32 @!p0 $0x1082;
	s9 =	sld [smem:$0x3FAD]  }
0x2f: {  	lr =	sadd.s32 s0, s3;
	s0 =	sld [smem:$0x3FA4]  }
0x30: {  	s3 =	sld [smem:$0x3FA7]  }
0x31: {  	[smem:$0x3FB0] =	sst s10  }
0x32: {  	s10 =	sld [smem:$0x3FAE];
	_ =	sdelay $0x3  }
0x33: {  	p0 =	seq.s32 s10, $0x1;
	s10 =	sld [smem:$0x3FB0];
	_ =	sdelay $0x3  }
0x34: {  	[smem:$0x3FB0] =	sst s10  }
0x35: {  	s10 =	sld [smem:$0x3FAF];
	_ =	sdelay $0x3  }
0x36: {  	p1 =	seq.s32 s10, $0x1;
	s10 =	sld [smem:$0x3FB0];
	_ =	sdelay $0x3  }
0x37: {  	[smem:$0x3FB0] =	sst s10  }
0x38: {  	s10 =	sld [smem:$0x3FB1]  }
0x39: {  	_ = 	snop;
	(pc) =	sbr.ind lr, $3  }
0x3a: {  	_ = 	snop  }
0x3b: {  	_ = 	snop  }
0x3c: {  	p2 =	seq.s32 s10, $0x1;
	s10 =	sld [smem:$0x3FB0]  }
0x3d: {  	_ =	shalt  }
0x3e: {  	_ =	shalt  }
0x3f: {  	_ =	shalt  }
0x40: {  	_ =	shalt  }
0x41: {  	_ =	shalt  }
0x42: {  	_ =	shalt  }
0x43: {  	_ =	shalt  }
0x44: {  	_ =	shalt  }
0x45: {  	_ =	shalt  }
0x46: {  	_ =	shalt  }
0x47: {  	_ =	shalt  }
0x48: {  	_ =	shalt  }
0x49: {  	_ =	shalt  }
0x4a: {  	_ =	shalt  }
0x4b: {  	_ =	shalt  }
0x4c: {  	_ =	shalt  }
0x4d: {  	_ =	shalt  }
0x4e: {  	_ =	shalt  }
0x4f: {  	_ =	shalt  }
0x50: {  	_ =	shalt  }
0x51: {  	_ =	shalt  }
0x52: {  	_ =	shalt  }
0x53: {  	_ =	shalt  }
0x54: {  	_ =	shalt  }
0x55: {  	_ =	shalt  }
0x56: {  	_ =	shalt  }
0x57: {  	_ =	shalt  }
0x58: {  	_ =	shalt  }
0x59: {  	_ =	shalt  }
0x5a: {  	_ =	shalt  }
0x5b: {  	_ =	shalt  }
0x5c: {  	_ =	shalt  }
0x5d: {  	_ =	shalt  }
0x5e: {  	_ =	shalt  }
0x5f: {  	_ =	shalt  }
0x60: {  	_ =	shalt  }
0x61: {  	_ =	shalt  }
0x62: {  	_ =	shalt  }
0x63: {  	_ =	shalt  }
0x64: {  	_ =	shalt  }
0x65: {  	_ =	shalt  }
0x66: {  	_ =	shalt  }
0x67: {  	_ =	shalt  }
0x68: {  	_ =	shalt  }
0x69: {  	_ =	shalt  }
0x6a: {  	_ =	shalt  }
0x6b: {  	_ =	shalt  }
0x6c: {  	_ =	shalt  }
0x6d: {  	_ =	shalt  }
0x6e: {  	_ =	shalt  }
0x6f: {  	_ =	shalt  }
0x70: {  	_ =	shalt  }
0x71: {  	_ =	shalt  }
0x72: {  	_ =	shalt  }
0x73: {  	_ =	shalt  }
0x74: {  	_ =	shalt  }
0x75: {  	_ =	shalt  }
0x76: {  	_ =	shalt  }
0x77: {  	_ =	shalt  }
0x78: {  	_ =	shalt  }
0x79: {  	_ =	shalt  }
0x7a: {  	_ =	shalt  }
0x7b: {  	_ =	shalt  }
0x7c: {  	_ =	shalt  }
0x7d: {  	_ =	shalt  }
0x7e: {  	_ =	shalt  }
0x7f: {  	_ =	shalt  }
0x80: {  	_ =	shalt  }
0x81: {  	_ =	shalt  }
0x82: {  	_ =	shalt  }
0x83: {  	_ =	shalt  }
0x84: {  	_ =	shalt  }
0x85: {  	_ =	shalt  }
0x86: {  	_ =	shalt  }
0x87: {  	_ =	shalt  }
.Lfunc_end0:
.L_simem_size_0:
called_computation.1_lowered:
.L_overlay_start_0:
0x88: {  	s2 =	sld [smem:$0x3FD9]  }
0x89: {  	s3 =	sld [smem:$0x3FFE];
	_ =	sdelay $0x1  }
0x8a: {  	s1 =	srdreg.scid  }
0x8b: {  	s0 =	sand.u32 $0x1, s1  }
0x8c: {  	s17 =	sshll.u32 s0, $0xA;
	s2 =	sadd.s32 s3, s2  }
0x8d: {  	s2 =	sadd.s32 s2, s17  }
0x8e: {  	[smem:$0x3FBC] =	sst s2  }
0x8f: {  	_ = 	snop  }
0x90: {  	s2 =	sld [smem:$0x3FD0];
	(tm) =	ssettm $0x1  }
0x91: {  	s18 =	sld [smem:$0x3FFB];
	_ =	sdelay $0x3  }
0x92: {  	_ =	strace s18  }
0x93: {  	s3 =	sld [smem:$0x3FFC];
	_ =	sdelay $0x3  }
0x94: {  	_ =	strace s3  }
0x95: {  	s3 =	sld [smem:$0x3FFD];
	_ =	sdelay $0x3  }
0x96: {  	_ =	strace s3  }
0x97: {  	_ =	strace $0x8FFFFFFF  }
0x98: {  	s19 =	sld [smem:$0x3FDB];
	_ =	sdelay $0x1  }
0x99: {  	s4 =	simm.s32 $_scs_section_size  }
0x9a: {  	s5 =	simm.s32 $_size__tile_overlayer_lowered;
	s6 =	simm.s32 $_tile_overlayer_lowered  }
0x9b: {  	s22 =	simm.s32 $0x1BFF;
	s21 =	sshll.u32 s6, $0x1;
	s3 =	sadd.s32 s4, s19  }
0x9c: {  	s7 =	simm.s32 $0x0;
	s20 =	sshll.u32 s5, $0x1;
	s5 =	sadd.s32 s21, s3  }
0x9d: {  	[timem:s7], [sflag:s22] =	dma.local [hbm:s5], s20  }
0x9e: {  	_ =	swait.ge [sflag:s22], s20  }
0x9f: {  	s4 =	ssub.s32 $0x0, s20;
	[sflag:s22] =	ssyncset.done $0x0  }
0xa0: {  	[sflag:s22] =	ssyncadd.s32 s4;
	_ =	sdelay $0x1  }
0xa1: {  	s23 =	simm.s32 $0x1B8B  }
0xa2: {  	_ =	swait.ge [sflag:s23], $0x1  }
0xa3: {  	[sflag:s23] =	ssyncset.done $0x0  }
0xa4: {  	s25 =	simm.s32 $0x1B8E;
	s24 =	sld [smem:$0x3FFE];
	[sflag:s23] =	ssyncadd.s32 $0xFFFFFFFF  }
0xa5: {  	s26 =	simm.s32 $execute0_lowered;
	[smem:$0x3FD2] =	sst s25  }
0xa6: {  	s5 =	sshll.u32 s26, $0x1;
	_ =	strace $0x80000046;
	[dreg:$0x1] =	wrdreg $0xFFFFFFFF  }
0xa7: {  	s28 =	simm.s32 $_size_execute0_lowered;
	s3 =	sadd.s32 s3, s5;
	[dreg:$0x0] =	wrdreg $0x0  }
0xa8: {  	s5 =	sshll.u32 s28, $0x1;
	[dreg:$0x2] =	wrdreg s3  }
0xa9: {  	[dreg:$0x3] =	wrdreg s5  }
0xaa: {  	[dreg:$0x4] =	wrdreg $0xC0  }
0xab: {  	_ =	task [dreg:s7], $0x5FFFF  }
0xac: {  	[dreg:$0x1] =	wrdreg $0xFFFFFFFF  }
0xad: {  	[dreg:$0x0] =	wrdreg $0x60  }
0xae: {  	[dreg:$0x2] =	wrdreg s24  }
0xaf: {  	[dreg:$0x3] =	wrdreg s2  }
0xb0: {  	[dreg:$0x4] =	wrdreg $0xA  }
0xb1: {  	_ =	task.clear_ibuf [dreg:s7], $0x5FFFF;
	_ =	strace $0x90000046  }
0xb2: {  	s29 =	simm.s32 $0xA;
	_ =	strace $0x80000048  }
0xb3: {  	_ =	swait.ge [sflag:s29], $0x1  }
0xb4: {  	[sflag:s29] =	ssyncadd.s32 $0xFFFFFFFF  }
0xb5: {  	_ =	strace $0x90000048  }
0xb6: {  	_ =	sfence  }
0xb7: {  	s30 =	sld [smem:$0x0];
	_ =	sdelay $0x2  }
0xb8: {  	s31 =	sshll.u32 s1, $0xD;
	s1 =	sshrl.u32 s1, $0x2  }
0xb9: {  	s3 =	sand.u32 $0x4000, s31;
	s1 =	sadd.s32 s1, s30  }
0xba: {  	s0 =	sor.u32 s3, s0;
	s1 =	sshll.u32 s1, $0x11  }
0xbb: {  	s0 =	sor.u32 s1, s0  }
0xbc: {  	s0 =	sadd.s32 $0x8F2B, s0  }
0xbd: {  	[sflag:s0] =	ssyncadd.remote.s32 $0x1  }
0xbe: {  	_ =	sfence.sel $0xFFFF  }
0xbf: {  	[dreg:$0x0] =	wrdreg $0xFFFFFFFF;
	(pc) =	sbr.abs _section_cstart, $3  }
0xc0: {  	[dreg:$0x1] =	wrdreg $0xFFFFFFFF  }
0xc1: {  	_ =	task.clear_ibuf [dreg:s7], $0x2FFFF;
	_ =	strace $0x9FFFFFFF  }
0xc2: {  	(tm) =	ssettm $0x7FFFFFFF  }
0xc3: {  	_ =	shalt  }
tec
execute0_lowered:
.L_overlay_start_1:
0x0: {  	(tag) =	ssettag $0x1  }
0x1: {  	s0 =	rddreg [dreg:$0x0]  }
0x2: {  	s1 =	rddreg [dreg:$0x1];
	s4 =	stileid.u32  }
0x3: {  	s3 =	srdreg.scid;
	s2 =	simm.s32 $0x0;
	s12 =	simm.s32 $0x880  }
0x4: {  	s13 =	simm.s32 $0xC80;
	s15 =	simm.s32 $0x1480;
	s16 =	simm.s32 $0x1880  }
0x5: {  	s17 =	simm.s32 $0x2080;
	s18 =	simm.s32 $0x2480;
	[smem:$0x7FF] =	sst s2  }
0x6: {  	s20 =	simm.s32 $0x2C80;
	_ =	strace $0x80000047;
	[dreg:$0x4] =	wrdreg s12  }
0x7: {  	s22 =	simm.s32 $0x3080;
	s23 =	simm.s32 $0x3880;
	[dreg:$0x5] =	wrdreg s13  }
0x8: {  	s25 =	simm.s32 $0x3C80;
	s26 =	simm.s32 $0x4480;
	[dreg:$0x6] =	wrdreg s15  }
0x9: {  	s8 =	simm.s32 $0x80;
	s9 =	simm.s32 $0x4880;
	[dreg:$0x7] =	wrdreg s16  }
0xa: {  	s28 =	simm.s32 $0xB480;
	s29 =	simm.s32 $0xBC80;
	[dreg:$0x8] =	wrdreg s17  }
0xb: {  	s30 =	simm.s32 $0x1;
	s31 =	simm.s32 $0x0;
	[dreg:$0x9] =	wrdreg s18  }
0xc: {  	s5 =	sand.u32 $0x1, s3;
	s10 =	sshll.u32 s4, $0x8;
	[dreg:$0xa] =	wrdreg s20  }
0xd: {  	s4 =	smul.u32 $0x18000, s4;
	s3 =	sadd.s32 $0x2A00, s0;
	[dreg:$0xb] =	wrdreg s22  }
0xe: {  	s1 =	sadd.s32 s10, s1;
	s11 =	sshll.u32 s5, $0x7;
	[dreg:$0xc] =	wrdreg s23  }
0xf: {  	s14 =	ssub.s32 $0x2, s5;
	s19 =	smul.u32 $0xC000, s5;
	[dreg:$0xd] =	wrdreg s25  }
0x10: {  	[dreg:$0xe] =	wrdreg s26;
	s10 =	simm.s32 $0x5080;
	s12 =	simm.s32 $0x5C80  }
0x11: {  	s13 =	simm.s32 $0x6080;
	s15 =	simm.s32 $0x6C80;
	s16 =	simm.s32 $0x7480  }
0x12: {  	s17 =	simm.s32 $0x7880;
	s18 =	simm.s32 $0x8080;
	s20 =	simm.s32 $0x8C80  }
0x13: {  	s22 =	simm.s32 $0x9880;
	s23 =	simm.s32 $0x9C80;
	s25 =	simm.s32 $0xA880  }
0x14: {  	s26 =	simm.s32 $0xB080;
	s1 =	sadd.s32 s11, s1;
	s6 =	sadd.s32 s4, s0  }
0x15: {  	s7 =	sshrl.u32 s14, $0x1;
	s4 =	sadd.s32 $0x2B00, s0;
	s11 =	simm.s32 $0x5480  }
0x16: {  	[dreg:$0x3] =	wrdreg s1;
	s7 =	ssub.s32 s14, s7;
	s1 =	sadd.s32 s19, s6  }
0x17: {  	v2 =	vlaneseq.u32;
	s14 =	simm.s32 $0x6880;
	s19 =	simm.s32 $0x8480;
	s21 =	smax.u32 s7, $0x1  }
0x18: {  	vm0 =	vmmov $0xffff;
	vm1 =	vmmov $0xff;
	v1 =	vshrl.u32 v2, $0x3;
	s24 =	sadd.s32 $0x32A00, s1;
	s7 =	simm.s32 $0x2;
	[dreg:$0xf] =	wrdreg s21  }
0x19: {  	v0 =	vand.u32 $0x7, v2;
	v2 =	vor.u32 $0x8, v2;
	v1 =	vmul.u32 $0x8, v1;
	[dreg:$0x10] =	wrdreg s24;
	s21 =	simm.s32 $0x9080;
	s24 =	simm.s32 $0xA480  }
.LBB2_1:
0x1a: {  	s6 =	rddreg [dreg:$0x10];
	s1 =	simm.s32 $0x0  }
.LBB2_2:
0x1b: {  	s5 =	rddreg [dreg:$0x3]  }
0x1c: {  	s5 =	sadd.s32 s1, s5  }
0x1d: {  	[tilespmem:s2], [sflag:$0x2] =	stream.linear.gather [hbm4b:s5+s2], $0x80, $0x38;
	[tilespmem:$0xC080] =	vst v63  }
0x1e: {  	_ =	swait.ge [sflag:s7], $0x80  }
0x1f: {  	[sflag:s7] =	ssyncset.done $0x0  }
0x20: {  	[sflag:s7] =	ssyncadd.s32 $0xFFFFFF80  }
0x21: {  	v3 =	vld [tilespmem:$0x0];
	_ =	sdelay $0x4  }
0x22: {  	v4 =	vshrl.u32 v3, $0x3  }
0x23: {  	v4 =	vmul.u32 $0x18, v4  }
0x24: {  	v3 =	vand.u32 $0x7, v3  }
0x25: {  	v3 =	vor.u32 v3, v4  }
0x26: {  	v4 =	vperm.xlane v3, v0;
	_ =	sdelay $0x1  }
0x27: {  	v4 =	vadd.s32 v1, v4;
	_ =	sdelay $0x1  }
0x28: {  	v3 =	vperm.xlane v3, v2;
	_ =	sdelay $0x1  }
0x29: {  	v3 =	vadd.s32 v1, v3  }
0x2a: {  	[tilespmem:s8], [sflag:$0x1] =	stream.indirect_vreg.gather [hbm4b:s3+s2], $0x80, v4, vm0, $0xb8;
	[tilespmem:$0xC080] =	vst v63  }
0x2b: {  	s5 =	rddreg [dreg:$0x4]  }
0x2c: {  	[tilespmem:s5], [sflag:$0x1] =	stream.indirect_vreg.gather [hbm4b:s4+s2], $0x80, v4, vm1, $0xb8;
	[tilespmem:$0xC080] =	vst v63  }
0x2d: {  	s0 =	rddreg [dreg:$0x5]  }
0x2e: {  	[tilespmem:s0], [sflag:$0x1] =	stream.indirect_vreg.gather [hbm4b:s3+s2], $0x80, v3, vm0, $0xb8;
	[tilespmem:$0xC080] =	vst v63  }
0x2f: {  	s5 =	rddreg [dreg:$0x6]  }
0x30: {  	[tilespmem:s5], [sflag:$0x1] =	stream.indirect_vreg.gather [hbm4b:s4+s2], $0x80, v3, vm1, $0xb8;
	[tilespmem:$0xC080] =	vst v63  }
0x31: {  	v3 =	vld [tilespmem:$0x10];
	_ =	sdelay $0x4  }
0x32: {  	v57 =	vshrl.u32 v3, $0x3  }
0x33: {  	v4 =	vmul.u32 $0x18, v57  }
0x34: {  	v3 =	vand.u32 $0x7, v3  }
0x35: {  	v3 =	vor.u32 v3, v4  }
0x36: {  	v4 =	vperm.xlane v3, v0;
	_ =	sdelay $0x1  }
0x37: {  	v4 =	vadd.s32 v1, v4;
	_ =	sdelay $0x1  }
0x38: {  	v3 =	vperm.xlane v3, v2;
	_ =	sdelay $0x1  }
0x39: {  	s0 =	rddreg [dreg:$0x7];
	v3 =	vadd.s32 v1, v3  }
0x3a: {  	[tilespmem:s0], [sflag:$0x1] =	stream.indirect_vreg.gather [hbm4b:s3+s2], $0x80, v4, vm0, $0xb8;
	[tilespmem:$0xC080] =	vst v63  }
0x3b: {  	s5 =	rddreg [dreg:$0x8]  }
0x3c: {  	[tilespmem:s5], [sflag:$0x1] =	stream.indirect_vreg.gather [hbm4b:s4+s2], $0x80, v4, vm1, $0xb8;
	[tilespmem:$0xC080] =	vst v63  }
0x3d: {  	s0 =	rddreg [dreg:$0x9]  }
0x3e: {  	[tilespmem:s0], [sflag:$0x1] =	stream.indirect_vreg.gather [hbm4b:s3+s2], $0x80, v3, vm0, $0xb8;
	[tilespmem:$0xC080] =	vst v63  }
0x3f: {  	s5 =	rddreg [dreg:$0xa]  }
0x40: {  	[tilespmem:s5], [sflag:$0x1] =	stream.indirect_vreg.gather [hbm4b:s4+s2], $0x80, v3, vm1, $0xb8;
	[tilespmem:$0xC080] =	vst v63  }
0x41: {  	v3 =	vld [tilespmem:$0x20];
	_ =	sdelay $0x4  }
0x42: {  	v58 =	vshrl.u32 v3, $0x3  }
0x43: {  	v4 =	vmul.u32 $0x18, v58  }
0x44: {  	v3 =	vand.u32 $0x7, v3  }
0x45: {  	v3 =	vor.u32 v3, v4  }
0x46: {  	v4 =	vperm.xlane v3, v0;
	_ =	sdelay $0x1  }
0x47: {  	v4 =	vadd.s32 v1, v4;
	_ =	sdelay $0x1  }
0x48: {  	v3 =	vperm.xlane v3, v2;
	_ =	sdelay $0x1  }
0x49: {  	s0 =	rddreg [dreg:$0xb];
	v3 =	vadd.s32 v1, v3  }
0x4a: {  	[tilespmem:s0], [sflag:$0x1] =	stream.indirect_vreg.gather [hbm4b:s3+s2], $0x80, v4, vm0, $0xb8;
	[tilespmem:$0xC080] =	vst v63  }
0x4b: {  	s5 =	rddreg [dreg:$0xc]  }
0x4c: {  	[tilespmem:s5], [sflag:$0x1] =	stream.indirect_vreg.gather [hbm4b:s4+s2], $0x80, v4, vm1, $0xb8;
	[tilespmem:$0xC080] =	vst v63  }
0x4d: {  	s0 =	rddreg [dreg:$0xd]  }
0x4e: {  	[tilespmem:s0], [sflag:$0x1] =	stream.indirect_vreg.gather [hbm4b:s3+s2], $0x80, v3, vm0, $0xb8;
	[tilespmem:$0xC080] =	vst v63  }
0x4f: {  	s5 =	rddreg [dreg:$0xe]  }
0x50: {  	[tilespmem:s5], [sflag:$0x1] =	stream.indirect_vreg.gather [hbm4b:s4+s2], $0x80, v3, vm1, $0xb8;
	[tilespmem:$0xC080] =	vst v63  }
0x51: {  	v3 =	vld [tilespmem:$0x30];
	_ =	sdelay $0x4  }
0x52: {  	v59 =	vshrl.u32 v3, $0x3  }
0x53: {  	v4 =	vmul.u32 $0x18, v59  }
0x54: {  	v3 =	vand.u32 $0x7, v3  }
0x55: {  	v3 =	vor.u32 v3, v4  }
0x56: {  	v4 =	vperm.xlane v3, v0;
	_ =	sdelay $0x1  }
0x57: {  	v4 =	vadd.s32 v1, v4;
	_ =	sdelay $0x1  }
0x58: {  	v3 =	vperm.xlane v3, v2;
	_ =	sdelay $0x1  }
0x59: {  	v3 =	vadd.s32 v1, v3  }
0x5a: {  	[tilespmem:s9], [sflag:$0x1] =	stream.indirect_vreg.gather [hbm4b:s3+s2], $0x80, v4, vm0, $0xb8;
	[tilespmem:$0xC080] =	vst v63  }
0x5b: {  	_ = 	snop  }
0x5c: {  	[tilespmem:s10], [sflag:$0x1] =	stream.indirect_vreg.gather [hbm4b:s4+s2], $0x80, v4, vm1, $0xb8;
	[tilespmem:$0xC080] =	vst v63  }
0x5d: {  	_ = 	snop  }
0x5e: {  	[tilespmem:s11], [sflag:$0x1] =	stream.indirect_vreg.gather [hbm4b:s3+s2], $0x80, v3, vm0, $0xb8;
	[tilespmem:$0xC080] =	vst v63  }
0x5f: {  	_ = 	snop  }
0x60: {  	[tilespmem:s12], [sflag:$0x1] =	stream.indirect_vreg.gather [hbm4b:s4+s2], $0x80, v3, vm1, $0xb8;
	[tilespmem:$0xC080] =	vst v63  }
0x61: {  	v3 =	vld [tilespmem:$0x40];
	_ =	sdelay $0x4  }
0x62: {  	v60 =	vshrl.u32 v3, $0x3  }
0x63: {  	v4 =	vmul.u32 $0x18, v60  }
0x64: {  	v3 =	vand.u32 $0x7, v3  }
0x65: {  	v3 =	vor.u32 v3, v4  }
0x66: {  	v4 =	vperm.xlane v3, v0;
	_ =	sdelay $0x1  }
0x67: {  	v4 =	vadd.s32 v1, v4;
	_ =	sdelay $0x1  }
0x68: {  	v3 =	vperm.xlane v3, v2;
	_ =	sdelay $0x1  }
0x69: {  	v3 =	vadd.s32 v1, v3  }
0x6a: {  	[tilespmem:s13], [sflag:$0x1] =	stream.indirect_vreg.gather [hbm4b:s3+s2], $0x80, v4, vm0, $0xb8;
	[tilespmem:$0xC080] =	vst v63  }
0x6b: {  	_ = 	snop  }
0x6c: {  	[tilespmem:s14], [sflag:$0x1] =	stream.indirect_vreg.gather [hbm4b:s4+s2], $0x80, v4, vm1, $0xb8;
	[tilespmem:$0xC080] =	vst v63  }
0x6d: {  	_ = 	snop  }
0x6e: {  	[tilespmem:s15], [sflag:$0x1] =	stream.indirect_vreg.gather [hbm4b:s3+s2], $0x80, v3, vm0, $0xb8;
	[tilespmem:$0xC080] =	vst v63  }
0x6f: {  	_ = 	snop  }
0x70: {  	[tilespmem:s16], [sflag:$0x1] =	stream.indirect_vreg.gather [hbm4b:s4+s2], $0x80, v3, vm1, $0xb8;
	[tilespmem:$0xC080] =	vst v63  }
0x71: {  	v3 =	vld [tilespmem:$0x50];
	_ =	sdelay $0x4  }
0x72: {  	v61 =	vshrl.u32 v3, $0x3  }
0x73: {  	v4 =	vmul.u32 $0x18, v61  }
0x74: {  	v3 =	vand.u32 $0x7, v3  }
0x75: {  	v3 =	vor.u32 v3, v4  }
0x76: {  	v4 =	vperm.xlane v3, v0;
	_ =	sdelay $0x1  }
0x77: {  	v4 =	vadd.s32 v1, v4;
	_ =	sdelay $0x1  }
0x78: {  	v3 =	vperm.xlane v3, v2;
	_ =	sdelay $0x1  }
0x79: {  	v3 =	vadd.s32 v1, v3  }
0x7a: {  	[tilespmem:s17], [sflag:$0x1] =	stream.indirect_vreg.gather [hbm4b:s3+s2], $0x80, v4, vm0, $0xb8;
	[tilespmem:$0xC080] =	vst v63  }
0x7b: {  	_ = 	snop  }
0x7c: {  	[tilespmem:s18], [sflag:$0x1] =	stream.indirect_vreg.gather [hbm4b:s4+s2], $0x80, v4, vm1, $0xb8;
	[tilespmem:$0xC080] =	vst v63  }
0x7d: {  	_ = 	snop  }
0x7e: {  	[tilespmem:s19], [sflag:$0x1] =	stream.indirect_vreg.gather [hbm4b:s3+s2], $0x80, v3, vm0, $0xb8;
	[tilespmem:$0xC080] =	vst v63  }
0x7f: {  	_ = 	snop  }
0x80: {  	[tilespmem:s20], [sflag:$0x1] =	stream.indirect_vreg.gather [hbm4b:s4+s2], $0x80, v3, vm1, $0xb8;
	[tilespmem:$0xC080] =	vst v63  }
0x81: {  	v3 =	vld [tilespmem:$0x60];
	_ =	sdelay $0x4  }
0x82: {  	v62 =	vshrl.u32 v3, $0x3  }
0x83: {  	v4 =	vmul.u32 $0x18, v62  }
0x84: {  	v3 =	vand.u32 $0x7, v3  }
0x85: {  	v3 =	vor.u32 v3, v4  }
0x86: {  	v4 =	vperm.xlane v3, v0;
	_ =	sdelay $0x1  }
0x87: {  	v4 =	vadd.s32 v1, v4;
	_ =	sdelay $0x1  }
0x88: {  	v3 =	vperm.xlane v3, v2;
	_ =	sdelay $0x1  }
0x89: {  	v3 =	vadd.s32 v1, v3  }
0x8a: {  	[tilespmem:s21], [sflag:$0x1] =	stream.indirect_vreg.gather [hbm4b:s3+s2], $0x80, v4, vm0, $0xb8;
	[tilespmem:$0xC080] =	vst v63  }
0x8b: {  	_ = 	snop  }
0x8c: {  	[tilespmem:s22], [sflag:$0x1] =	stream.indirect_vreg.gather [hbm4b:s4+s2], $0x80, v4, vm1, $0xb8;
	[tilespmem:$0xC080] =	vst v63  }
0x8d: {  	_ = 	snop  }
0x8e: {  	[tilespmem:s23], [sflag:$0x1] =	stream.indirect_vreg.gather [hbm4b:s3+s2], $0x80, v3, vm0, $0xb8;
	[tilespmem:$0xC080] =	vst v63  }
0x8f: {  	_ = 	snop  }
0x90: {  	[tilespmem:s24], [sflag:$0x1] =	stream.indirect_vreg.gather [hbm4b:s4+s2], $0x80, v3, vm1, $0xb8;
	[tilespmem:$0xC080] =	vst v63  }
0x91: {  	v3 =	vld [tilespmem:$0x70];
	_ =	sdelay $0x4  }
0x92: {  	v63 =	vshrl.u32 v3, $0x3  }
0x93: {  	v4 =	vmul.u32 $0x18, v63  }
0x94: {  	v3 =	vand.u32 $0x7, v3  }
0x95: {  	v3 =	vor.u32 v3, v4  }
0x96: {  	v4 =	vperm.xlane v3, v0;
	_ =	sdelay $0x1  }
0x97: {  	v4 =	vadd.s32 v1, v4;
	_ =	sdelay $0x1  }
0x98: {  	v3 =	vperm.xlane v3, v2;
	_ =	sdelay $0x1  }
0x99: {  	v3 =	vadd.s32 v1, v3  }
0x9a: {  	[tilespmem:s25], [sflag:$0x1] =	stream.indirect_vreg.gather [hbm4b:s3+s2], $0x80, v4, vm0, $0xb8;
	[tilespmem:$0xC080] =	vst v63  }
0x9b: {  	_ = 	snop  }
0x9c: {  	[tilespmem:s26], [sflag:$0x1] =	stream.indirect_vreg.gather [hbm4b:s4+s2], $0x80, v4, vm1, $0xb8;
	[tilespmem:$0xC080] =	vst v63  }
0x9d: {  	_ = 	snop  }
0x9e: {  	[tilespmem:s28], [sflag:$0x1] =	stream.indirect_vreg.gather [hbm4b:s3+s2], $0x80, v3, vm0, $0xb8;
	[tilespmem:$0xC080] =	vst v63  }
0x9f: {  	_ = 	snop  }
0xa0: {  	[tilespmem:s29], [sflag:$0x1] =	stream.indirect_vreg.gather [hbm4b:s4+s2], $0x80, v3, vm1, $0xb8;
	[tilespmem:$0xC080] =	vst v63  }
0xa1: {  	_ =	swait.ge [sflag:s30], $0xC000  }
0xa2: {  	p0 =	sne.s32 s1, $0x70;
	[sflag:s30] =	ssyncset.done $0x0  }
.Ltmp0:
0xa3: {  	[sflag:s30] =	ssyncadd.s32 $0xFFFF4000;
	(pc) =	sbr.rel @p0 .LBB2_2-.Ltmp0, $4  }
0xa4: {  	[hbm4b:s6+s2] =	stream.linear.scatter [tilespmem:s8], [sflag:$0x2], $0xC000, $0x38;
	[tilespmem:$0xC080] =	vst v63  }
0xa5: {  	_ =	swait.ge [sflag:s7], $0xC000  }
0xa6: {  	[sflag:s7] =	ssyncset.done $0x0  }
0xa7: {  	s1 =	sadd.s32 $0x10, s1;
	s6 =	sadd.s32 $0x1800, s6;
	[sflag:s7] =	ssyncadd.s32 $0xFFFF4000  }
0xa8: {  	s31 =	sadd.s32 $0x1, s31;
	s0 =	rddreg [dreg:$0xf]  }
0xa9: {  	p0 =	sne.s32 s31, s0  }
.Ltmp1:
0xaa: {  	_ = 	snop;
	(pc) =	sbr.rel @p0 .LBB2_1-.Ltmp1, $1  }
0xab: {  	_ =	sdelay $0x3  }
0xac: {  	_ =	sfence.sel $0x180000  }
0xad: {  	[bflag:$0x0] =	sbarrier.arrive $0xFFFF  }
0xae: {  	_ =	strace $0x90000047  }
0xaf: {  	s0 =	stileid.u32;
	[bflag:$0x2] =	sbarrier.arrive $0xFFFF  }
0xb0: {  	p0 =	sne.s32 s0, $0x0;
	s0 =	rddreg [dreg:$0x2]  }
0xb1: {  	s0 =	sadd.s32 @!p0 $0x100000, s0  }
0xb2: {  	[sflag:s0] =	ssyncadd.tile.s32 @!p0 $0x1;
	_ =	shalt  }
.Lfunc_end2:
_tile_overlayer_lowered:
.L_overlay_start_2:
0xb3: {  	(tag) =	ssettag $0x2  }
0xb4: {  	s0 =	rddreg [dreg:$0x0];
	s2 =	stileid.u32  }
0xb5: {  	s1 =	rddreg [dreg:$0x1];
	p0 =	sne.s32 s2, $0x0  }
0xb6: {  	s3 =	rddreg [dreg:$0x2];
	[bflag:$0x3] =	sbarrier.arrive $0xFFFF;
	s2 =	simm.s32 @!p0 $0x1C02  }
0xb7: {  	[timem:s3], [sflag:s2] =	dma.local @!p0 [hbm:s0], s1  }
0xb8: {  	s0 =	simm.s32 @!p0 $0x2  }
0xb9: {  	_ =	swait.ge @!p0 [sflag:s0], s1  }
0xba: {  	s1 =	ssub.s32 @!p0 $0x0, s1;
	[sflag:s0] =	ssyncset.done @!p0 $0x0  }
0xbb: {  	[sflag:s0] =	ssyncadd.s32 @!p0 s1  }
0xbc: {  	[bflag:$0x3] =	sbarrier.arrive $0xFFFF  }
0xbd: {  	_ =	shalt  }

</sc_bundles>
